<compile_context>
chip_gen: v7x
topology: tpu7x:2x2x1
jax: 0.10.2.dev20260603
libtpu: 0.0.44.dev20260713+nightly
codegen_flags: <defaults>
</compile_context>

<pallas_src>
import functools

import jax
import jax.numpy as jnp
from jax import lax
from jax.experimental import pallas as pl
from jax.experimental.pallas import tpu as pltpu
from jax.experimental.pallas import tpu_sc as plsc

LANES = 16


def kernel(target, context, target_table, context_table):
    if target.ndim == 2:
        target = jnp.squeeze(target, axis=1)
    target = target.astype(jnp.int32)
    context = context.astype(jnp.int32)

    B = target.shape[0]
    C = context.shape[1]
    E = target_table.shape[1]
    EV = E // LANES

    info = plsc.get_sparse_core_info()
    NW = info.num_cores * info.num_subcores
    PB = 32
    nb = B // NW
    NP = nb // PB
    NG = PB // LANES

    ctx_flat = context.reshape(B * C)

    mesh = plsc.VectorSubcoreMesh(core_axis_name="c", subcore_axis_name="s")

    @functools.partial(
        pl.kernel,
        out_type=jax.ShapeDtypeStruct((B, C), jnp.float32),
        mesh=mesh,
        compiler_params=pltpu.CompilerParams(needs_layout_passes=False),
        scratch_types=[
            pltpu.VMEM((nb,), jnp.int32),
            pltpu.VMEM((nb * C,), jnp.int32),
            pltpu.VMEM((PB, E), jnp.float32),
            pltpu.VMEM((PB, E), jnp.float32),
            pltpu.VMEM((PB * C, E), jnp.float32),
            pltpu.VMEM((PB * C, E), jnp.float32),
            pltpu.VMEM((PB, C), jnp.float32),
            pltpu.VMEM((PB, C), jnp.float32),
            pltpu.VMEM((C * PB, LANES + 1), jnp.float32),
            pltpu.SemaphoreType.DMA,
            pltpu.SemaphoreType.DMA,
            pltpu.SemaphoreType.DMA,
        ],
    )
    def sc_kernel(tgt_idx_hbm, ctx_idx_hbm, tgt_tab, ctx_tab, out_hbm,
                  tgt_idx, ctx_idx, w_rows0, w_rows1, c_rows0, c_rows1,
                  out_v0, out_v1, acc_all, sem0, sem1, osem):
        sems = (sem0, sem1)
        w_bufs = (w_rows0, w_rows1)
        c_bufs = (c_rows0, c_rows1)
        out_bufs = (out_v0, out_v1)
        cid = lax.axis_index("c")
        sid = lax.axis_index("s")
        wid = sid * info.num_cores + cid

        pltpu.sync_copy(tgt_idx_hbm.at[pl.ds(wid * nb, nb)], tgt_idx)
        pltpu.sync_copy(ctx_idx_hbm.at[pl.ds(wid * nb * C, nb * C)], ctx_idx)

        def start(p, slot):
            pltpu.async_copy(
                tgt_tab.at[tgt_idx.at[pl.ds(p * PB, PB)]],
                w_bufs[slot], sems[slot])
            for r in range(C):
                pltpu.async_copy(
                    ctx_tab.at[ctx_idx.at[pl.ds(p * PB * C + r * PB, PB)]],
                    c_bufs[slot].at[pl.ds(r * PB, PB)], sems[slot])

        def drain(slot):
            pltpu.make_async_copy(
                tgt_tab.at[pl.ds(0, PB)], w_bufs[slot], sems[slot]).wait()
            pltpu.make_async_copy(
                ctx_tab.at[pl.ds(0, PB * C)], c_bufs[slot], sems[slot]).wait()

        lane = lax.iota(jnp.int32, LANES)

        def splat(v):
            return jnp.full((LANES,), v, jnp.int32)

        def compute(p, slot):
            out_v = out_bufs[slot]

            @pl.when(p >= 2)
            def _():
                pltpu.make_async_copy(
                    out_v, out_hbm.at[pl.ds(0, PB)], osem).wait()

            @plsc.parallel_loop(0, PB, unroll=2)
            def dot_body(b):
                w = [w_bufs[slot][b, pl.ds(LANES * j, LANES)]
                     for j in range(EV)]
                for c in range(C):
                    row = b * C + c
                    lo = w[0] * c_bufs[slot][row, pl.ds(0, LANES)]
                    hi = w[1] * c_bufs[slot][row, pl.ds(LANES, LANES)]
                    for j in range(2, EV, 2):
                        lo = lo + w[j] * c_bufs[slot][row, pl.ds(LANES * j, LANES)]
                        hi = hi + w[j + 1] * c_bufs[slot][row, pl.ds(LANES * (j + 1), LANES)]
                    acc = lo + hi
                    acc_all[c * PB + b, pl.ds(0, LANES)] = acc + lax.rev(acc, (0,))

            @plsc.parallel_loop(0, NG * C, unroll=2)
            def red_body(t):
                g = t // C
                c = t % C
                rows_idx = splat(0) + c * PB + g * LANES + lane
                cols = [plsc.load_gather(acc_all, [rows_idx, splat(j)])
                        for j in range(LANES // 2)]
                while len(cols) > 1:
                    cols = [cols[k] + cols[k + 1]
                            for k in range(0, len(cols), 2)]
                res = cols[0]
                row_idx = splat(g * LANES) + lane
                plsc.store_scatter(out_v, [row_idx, splat(c)], res)

            pltpu.async_copy(
                out_v, out_hbm.at[pl.ds((wid * NP + p) * PB, PB)],
                osem)

        start(0, 0)

        def outer(g, carry):
            for par in range(2):
                p = 2 * g + par

                @pl.when(p + 1 < NP)
                def _():
                    start(p + 1, 1 - par)

                drain(par)
                compute(p, par)
            return carry

        lax.fori_loop(0, NP // 2, outer, 0)

        for slot in range(2):
            pltpu.make_async_copy(
                out_bufs[slot], out_hbm.at[pl.ds(0, PB)], osem).wait()

    return sc_kernel(target, ctx_flat, target_table, context_table)

# --- scband reference (transcript-rebuilt; emitter-appended) ---
"""Pipeline reference for scband-word2-vec-20529943675396 (READ-ONLY COPY).

The authoritative reference and input builder live on the scoring server;
editing this copy changes nothing except your own understanding.
"""

import jax, jax.numpy as jnp
import numpy as np

VOCAB = 1000000
EMB = 128
BATCH = 16384
NUM_NS = 4

def setup_inputs(seed: int = 0) -> dict:
    key = jax.random.key(seed)
    k1, k2, k3, k4 = jax.random.split(key, 4)
    target = jax.random.randint(k1, (BATCH,), 0, VOCAB, dtype=jnp.int64 if jax.config.jax_enable_x64 else jnp.int32)
    context = jax.random.randint(k2, (BATCH, NUM_NS + 1), 0, VOCAB, dtype=jnp.int64 if jax.config.jax_enable_x64 else jnp.int32)
    # learned embedding tables (keras Embedding default: uniform(-0.05, 0.05))
    target_table = jax.random.uniform(k3, (VOCAB, EMB), dtype=jnp.float32, minval=-0.05, maxval=0.05)
    context_table = jax.random.uniform(k4, (VOCAB, EMB), dtype=jnp.float32, minval=-0.05, maxval=0.05)
    return {"target": target, "context": context, "target_table": target_table, "context_table": context_table}

def reference(target, context, target_table, context_table):
    # target may be [B] or [B,1]; squeeze like the original module
    if target.ndim == 2:
        target = jnp.squeeze(target, axis=1)
    word_emb = jnp.take(target_table, target, axis=0)          # [B, E]
    context_emb = jnp.take(context_table, context, axis=0)     # [B, C, E]
    dots = jnp.einsum('be,bce->bc', word_emb, context_emb)     # [B, C]
    return dots

if __name__ == "__main__":
    import jax
    _d = setup_inputs()
    print(jax.jit(kernel)(*tuple(_d.values())))

</pallas_src>

<mosaic_0001>
#map = affine_map<(d0, d1) -> (0)>
#map1 = affine_map<(d0, d1) -> (0, 0)>
module attributes {stable_mosaic.version = 14 : i64} {
  func.func @sc_kernel(%arg0: i32, %arg1: i32, %arg2: memref<16384xi32, #tpu.memory_space<hbm>>, %arg3: memref<81920xi32, #tpu.memory_space<hbm>>, %arg4: memref<1000000x128xf32, #tpu.memory_space<hbm>>, %arg5: memref<1000000x128xf32, #tpu.memory_space<hbm>>, %arg6: memref<16384x5xf32, #tpu.memory_space<hbm>>, %arg7: memref<512xi32, #tpu.memory_space<vmem>>, %arg8: memref<2560xi32, #tpu.memory_space<vmem>>, %arg9: memref<32x128xf32, #tpu.memory_space<vmem>>, %arg10: memref<32x128xf32, #tpu.memory_space<vmem>>, %arg11: memref<160x128xf32, #tpu.memory_space<vmem>>, %arg12: memref<160x128xf32, #tpu.memory_space<vmem>>, %arg13: memref<32x5xf32, #tpu.memory_space<vmem>>, %arg14: memref<32x5xf32, #tpu.memory_space<vmem>>, %arg15: memref<160x17xf32, #tpu.memory_space<vmem>>, %arg16: memref<!tpu.dma_semaphore, #tpu.memory_space<semaphore_mem>>, %arg17: memref<!tpu.dma_semaphore, #tpu.memory_space<semaphore_mem>>, %arg18: memref<!tpu.dma_semaphore, #tpu.memory_space<semaphore_mem>>) attributes {dimension_semantics = [#tpu.dimension_semantics<core_parallel>, #tpu.dimension_semantics<subcore_parallel>], iteration_bounds = array<i64: 2, 16>, scalar_prefetch = 0 : i64, scratch_operands = 12 : i64, tpu.core_type = #tpu.core_type<sc_vector_subcore>, window_params = [{transform_indices = #map}, {transform_indices = #map}, {transform_indices = #map1}, {transform_indices = #map1}, {transform_indices = #map1}]} {
    %mul3A = arith.constant 2 : i32
    %mul3A_0 = arith.muli %arg1, %mul3A : i32
    %add3A = arith.addi %mul3A_0, %arg0 : i32
    %mul3A_1 = arith.constant 512 : i32
    %mul3A_2 = arith.muli %add3A, %mul3A_1 : i32
    "tpu.region"() ({
      %run_scoped3A = tpu.sem_alloc : memref<!tpu.dma_semaphore, #tpu.memory_space<semaphore_mem>>
      %dma_start3A_67 = tpu.memref_slice %arg2[%mul3A_2] : memref<16384xi32, #tpu.memory_space<hbm>> -> memref<512xi32, #tpu.memory_space<hbm>>
      %dma_start3A_68 = tpu.memref_slice %arg2[%mul3A_2] : memref<16384xi32, #tpu.memory_space<hbm>> -> memref<512xi32, #tpu.memory_space<hbm>>
      tpu.enqueue_dma source(%dma_start3A_68 : memref<512xi32, #tpu.memory_space<hbm>>) target(%arg7 : memref<512xi32, #tpu.memory_space<vmem>>) target_semaphore(%run_scoped3A : memref<!tpu.dma_semaphore, #tpu.memory_space<semaphore_mem>>)
      %dma_wait3A_69 = tpu.memref_slice %arg2[%mul3A_2] : memref<16384xi32, #tpu.memory_space<hbm>> -> memref<512xi32, #tpu.memory_space<hbm>>
      %dma_wait3A_70 = tpu.memref_slice %arg2[%mul3A_2] : memref<16384xi32, #tpu.memory_space<hbm>> -> memref<512xi32, #tpu.memory_space<hbm>>
      tpu.wait_dma2 semaphore(%run_scoped3A : memref<!tpu.dma_semaphore, #tpu.memory_space<semaphore_mem>>) src(%dma_wait3A_70 : memref<512xi32, #tpu.memory_space<hbm>>) dst(%arg7 : memref<512xi32, #tpu.memory_space<vmem>>)
      tpu.yield
    }) : () -> ()
    %mul3A_3 = arith.constant 512 : i32
    %mul3A_4 = arith.muli %add3A, %mul3A_3 : i32
    %mul3A_5 = arith.constant 5 : i32
    %mul3A_6 = arith.muli %mul3A_4, %mul3A_5 : i32
    "tpu.region"() ({
      %run_scoped3A = tpu.sem_alloc : memref<!tpu.dma_semaphore, #tpu.memory_space<semaphore_mem>>
      %dma_start3A_67 = tpu.memref_slice %arg3[%mul3A_6] : memref<81920xi32, #tpu.memory_space<hbm>> -> memref<2560xi32, #tpu.memory_space<hbm>>
      %dma_start3A_68 = tpu.memref_slice %arg3[%mul3A_6] : memref<81920xi32, #tpu.memory_space<hbm>> -> memref<2560xi32, #tpu.memory_space<hbm>>
      tpu.enqueue_dma source(%dma_start3A_68 : memref<2560xi32, #tpu.memory_space<hbm>>) target(%arg8 : memref<2560xi32, #tpu.memory_space<vmem>>) target_semaphore(%run_scoped3A : memref<!tpu.dma_semaphore, #tpu.memory_space<semaphore_mem>>)
      %dma_wait3A_69 = tpu.memref_slice %arg3[%mul3A_6] : memref<81920xi32, #tpu.memory_space<hbm>> -> memref<2560xi32, #tpu.memory_space<hbm>>
      %dma_wait3A_70 = tpu.memref_slice %arg3[%mul3A_6] : memref<81920xi32, #tpu.memory_space<hbm>> -> memref<2560xi32, #tpu.memory_space<hbm>>
      tpu.wait_dma2 semaphore(%run_scoped3A : memref<!tpu.dma_semaphore, #tpu.memory_space<semaphore_mem>>) src(%dma_wait3A_70 : memref<2560xi32, #tpu.memory_space<hbm>>) dst(%arg8 : memref<2560xi32, #tpu.memory_space<vmem>>)
      tpu.yield
    }) : () -> ()
    %iota3A = tpu.iota {dimensions = array<i32: 0>} : vector<16xi32>
    %dma_start3A = arith.constant 0 : i32
    %dma_start3A_7 = tpu.memref_slice %arg7[%dma_start3A] : memref<512xi32, #tpu.memory_space<vmem>> -> memref<32xi32, #tpu.memory_space<vmem>>
    %dma_start3A_8 = arith.constant 0 : i32
    %dma_start3A_9 = arith.constant 0 : i32
    %dma_start3A_10 = tpu.memref_slice %arg4[%dma_start3A_8, %dma_start3A_9] : memref<1000000x128xf32, #tpu.memory_space<hbm>> -> memref<1000000x128xf32, #tpu.memory_space<hbm>>
    tpu.enqueue_indirect_dma source(%dma_start3A_10 : memref<1000000x128xf32, #tpu.memory_space<hbm>>) target(%arg9 : memref<32x128xf32, #tpu.memory_space<vmem>>) offsets(%dma_start3A_7 : memref<32xi32, #tpu.memory_space<vmem>>) semaphore(%arg16 : memref<!tpu.dma_semaphore, #tpu.memory_space<semaphore_mem>>)
    %dma_start3A_11 = arith.constant 0 : i32
    %dma_start3A_12 = arith.constant 0 : i32
    %dma_start3A_13 = tpu.memref_slice %arg11[%dma_start3A_11, %dma_start3A_12] : memref<160x128xf32, #tpu.memory_space<vmem>> -> memref<32x128xf32, #tpu.memory_space<vmem>>
    %dma_start3A_14 = arith.constant 0 : i32
    %dma_start3A_15 = tpu.memref_slice %arg8[%dma_start3A_14] : memref<2560xi32, #tpu.memory_space<vmem>> -> memref<32xi32, #tpu.memory_space<vmem>>
    %dma_start3A_16 = arith.constant 0 : i32
    %dma_start3A_17 = arith.constant 0 : i32
    %dma_start3A_18 = tpu.memref_slice %arg5[%dma_start3A_16, %dma_start3A_17] : memref<1000000x128xf32, #tpu.memory_space<hbm>> -> memref<1000000x128xf32, #tpu.memory_space<hbm>>
    tpu.enqueue_indirect_dma source(%dma_start3A_18 : memref<1000000x128xf32, #tpu.memory_space<hbm>>) target(%dma_start3A_13 : memref<32x128xf32, #tpu.memory_space<vmem>>) offsets(%dma_start3A_15 : memref<32xi32, #tpu.memory_space<vmem>>) semaphore(%arg16 : memref<!tpu.dma_semaphore, #tpu.memory_space<semaphore_mem>>)
    %dma_start3A_19 = arith.constant 32 : i32
    %dma_start3A_20 = arith.constant 0 : i32
    %dma_start3A_21 = tpu.memref_slice %arg11[%dma_start3A_19, %dma_start3A_20] : memref<160x128xf32, #tpu.memory_space<vmem>> -> memref<32x128xf32, #tpu.memory_space<vmem>>
    %dma_start3A_22 = arith.constant 32 : i32
    %dma_start3A_23 = tpu.memref_slice %arg8[%dma_start3A_22] : memref<2560xi32, #tpu.memory_space<vmem>> -> memref<32xi32, #tpu.memory_space<vmem>>
    %dma_start3A_24 = arith.constant 0 : i32
    %dma_start3A_25 = arith.constant 0 : i32
    %dma_start3A_26 = tpu.memref_slice %arg5[%dma_start3A_24, %dma_start3A_25] : memref<1000000x128xf32, #tpu.memory_space<hbm>> -> memref<1000000x128xf32, #tpu.memory_space<hbm>>
    tpu.enqueue_indirect_dma source(%dma_start3A_26 : memref<1000000x128xf32, #tpu.memory_space<hbm>>) target(%dma_start3A_21 : memref<32x128xf32, #tpu.memory_space<vmem>>) offsets(%dma_start3A_23 : memref<32xi32, #tpu.memory_space<vmem>>) semaphore(%arg16 : memref<!tpu.dma_semaphore, #tpu.memory_space<semaphore_mem>>)
    %dma_start3A_27 = arith.constant 64 : i32
    %dma_start3A_28 = arith.constant 0 : i32
    %dma_start3A_29 = tpu.memref_slice %arg11[%dma_start3A_27, %dma_start3A_28] : memref<160x128xf32, #tpu.memory_space<vmem>> -> memref<32x128xf32, #tpu.memory_space<vmem>>
    %dma_start3A_30 = arith.constant 64 : i32
    %dma_start3A_31 = tpu.memref_slice %arg8[%dma_start3A_30] : memref<2560xi32, #tpu.memory_space<vmem>> -> memref<32xi32, #tpu.memory_space<vmem>>
    %dma_start3A_32 = arith.constant 0 : i32
    %dma_start3A_33 = arith.constant 0 : i32
    %dma_start3A_34 = tpu.memref_slice %arg5[%dma_start3A_32, %dma_start3A_33] : memref<1000000x128xf32, #tpu.memory_space<hbm>> -> memref<1000000x128xf32, #tpu.memory_space<hbm>>
    tpu.enqueue_indirect_dma source(%dma_start3A_34 : memref<1000000x128xf32, #tpu.memory_space<hbm>>) target(%dma_start3A_29 : memref<32x128xf32, #tpu.memory_space<vmem>>) offsets(%dma_start3A_31 : memref<32xi32, #tpu.memory_space<vmem>>) semaphore(%arg16 : memref<!tpu.dma_semaphore, #tpu.memory_space<semaphore_mem>>)
    %dma_start3A_35 = arith.constant 96 : i32
    %dma_start3A_36 = arith.constant 0 : i32
    %dma_start3A_37 = tpu.memref_slice %arg11[%dma_start3A_35, %dma_start3A_36] : memref<160x128xf32, #tpu.memory_space<vmem>> -> memref<32x128xf32, #tpu.memory_space<vmem>>
    %dma_start3A_38 = arith.constant 96 : i32
    %dma_start3A_39 = tpu.memref_slice %arg8[%dma_start3A_38] : memref<2560xi32, #tpu.memory_space<vmem>> -> memref<32xi32, #tpu.memory_space<vmem>>
    %dma_start3A_40 = arith.constant 0 : i32
    %dma_start3A_41 = arith.constant 0 : i32
    %dma_start3A_42 = tpu.memref_slice %arg5[%dma_start3A_40, %dma_start3A_41] : memref<1000000x128xf32, #tpu.memory_space<hbm>> -> memref<1000000x128xf32, #tpu.memory_space<hbm>>
    tpu.enqueue_indirect_dma source(%dma_start3A_42 : memref<1000000x128xf32, #tpu.memory_space<hbm>>) target(%dma_start3A_37 : memref<32x128xf32, #tpu.memory_space<vmem>>) offsets(%dma_start3A_39 : memref<32xi32, #tpu.memory_space<vmem>>) semaphore(%arg16 : memref<!tpu.dma_semaphore, #tpu.memory_space<semaphore_mem>>)
    %dma_start3A_43 = arith.constant 128 : i32
    %dma_start3A_44 = arith.constant 0 : i32
    %dma_start3A_45 = tpu.memref_slice %arg11[%dma_start3A_43, %dma_start3A_44] : memref<160x128xf32, #tpu.memory_space<vmem>> -> memref<32x128xf32, #tpu.memory_space<vmem>>
    %dma_start3A_46 = arith.constant 128 : i32
    %dma_start3A_47 = tpu.memref_slice %arg8[%dma_start3A_46] : memref<2560xi32, #tpu.memory_space<vmem>> -> memref<32xi32, #tpu.memory_space<vmem>>
    %dma_start3A_48 = arith.constant 0 : i32
    %dma_start3A_49 = arith.constant 0 : i32
    %dma_start3A_50 = tpu.memref_slice %arg5[%dma_start3A_48, %dma_start3A_49] : memref<1000000x128xf32, #tpu.memory_space<hbm>> -> memref<1000000x128xf32, #tpu.memory_space<hbm>>
    tpu.enqueue_indirect_dma source(%dma_start3A_50 : memref<1000000x128xf32, #tpu.memory_space<hbm>>) target(%dma_start3A_45 : memref<32x128xf32, #tpu.memory_space<vmem>>) offsets(%dma_start3A_47 : memref<32xi32, #tpu.memory_space<vmem>>) semaphore(%arg16 : memref<!tpu.dma_semaphore, #tpu.memory_space<semaphore_mem>>)
    %scan3A = arith.constant 0 : i32
    %scan3A_51 = arith.constant 0 : i32
    %scan3A_52 = arith.constant 8 : i32
    %scan3A_53 = arith.addi %scan3A_51, %scan3A_52 : i32
    %scan3A_54 = arith.constant 1 : i32
    scf.for %scan3A_67 = %scan3A_51 to %scan3A_53 step %scan3A_54  : i32 {
      %mul3A_68 = arith.constant 2 : i32
      %mul3A_69 = arith.muli %mul3A_68, %scan3A_67 : i32
      %add3A_70 = arith.constant 0 : i32
      %add3A_71 = arith.addi %mul3A_69, %add3A_70 : i32
      %add3A_72 = arith.constant 1 : i32
      %add3A_73 = arith.addi %add3A_71, %add3A_72 : i32
      %lt3A = arith.constant 16 : i32
      %lt3A_74 = arith.cmpi slt, %add3A_73, %lt3A : i32
      %convert_element_type3A = arith.extui %lt3A_74 : i1 to i32
      %cond3A = arith.constant 0 : i32
      %cond3A_75 = arith.cmpi ne, %convert_element_type3A, %cond3A : i32
      scf.if %cond3A_75 {
        %add3A_149 = arith.constant 1 : i32
        %add3A_150 = arith.addi %add3A_71, %add3A_149 : i32
        %mul3A_151 = arith.constant 32 : i32
        %mul3A_152 = arith.muli %add3A_150, %mul3A_151 : i32
        %dma_start3A_153 = tpu.memref_slice %arg7[%mul3A_152] : memref<512xi32, #tpu.memory_space<vmem>> -> memref<32xi32, #tpu.memory_space<vmem>>
        %dma_start3A_154 = arith.constant 0 : i32
        %dma_start3A_155 = arith.constant 0 : i32
        %dma_start3A_156 = tpu.memref_slice %arg4[%dma_start3A_154, %dma_start3A_155] : memref<1000000x128xf32, #tpu.memory_space<hbm>> -> memref<1000000x128xf32, #tpu.memory_space<hbm>>
        tpu.enqueue_indirect_dma source(%dma_start3A_156 : memref<1000000x128xf32, #tpu.memory_space<hbm>>) target(%arg10 : memref<32x128xf32, #tpu.memory_space<vmem>>) offsets(%dma_start3A_153 : memref<32xi32, #tpu.memory_space<vmem>>) semaphore(%arg17 : memref<!tpu.dma_semaphore, #tpu.memory_space<semaphore_mem>>)
        %mul3A_157 = arith.constant 32 : i32
        %mul3A_158 = arith.muli %add3A_150, %mul3A_157 : i32
        %mul3A_159 = arith.constant 5 : i32
        %mul3A_160 = arith.muli %mul3A_158, %mul3A_159 : i32
        %add3A_161 = arith.constant 0 : i32
        %add3A_162 = arith.addi %mul3A_160, %add3A_161 : i32
        %dma_start3A_163 = arith.constant 0 : i32
        %dma_start3A_164 = arith.constant 0 : i32
        %dma_start3A_165 = tpu.memref_slice %arg12[%dma_start3A_163, %dma_start3A_164] : memref<160x128xf32, #tpu.memory_space<vmem>> -> memref<32x128xf32, #tpu.memory_space<vmem>>
        %dma_start3A_166 = tpu.memref_slice %arg8[%add3A_162] : memref<2560xi32, #tpu.memory_space<vmem>> -> memref<32xi32, #tpu.memory_space<vmem>>
        %dma_start3A_167 = arith.constant 0 : i32
        %dma_start3A_168 = arith.constant 0 : i32
        %dma_start3A_169 = tpu.memref_slice %arg5[%dma_start3A_167, %dma_start3A_168] : memref<1000000x128xf32, #tpu.memory_space<hbm>> -> memref<1000000x128xf32, #tpu.memory_space<hbm>>
        tpu.enqueue_indirect_dma source(%dma_start3A_169 : memref<1000000x128xf32, #tpu.memory_space<hbm>>) target(%dma_start3A_165 : memref<32x128xf32, #tpu.memory_space<vmem>>) offsets(%dma_start3A_166 : memref<32xi32, #tpu.memory_space<vmem>>) semaphore(%arg17 : memref<!tpu.dma_semaphore, #tpu.memory_space<semaphore_mem>>)
        %mul3A_170 = arith.constant 32 : i32
        %mul3A_171 = arith.muli %add3A_150, %mul3A_170 : i32
        %mul3A_172 = arith.constant 5 : i32
        %mul3A_173 = arith.muli %mul3A_171, %mul3A_172 : i32
        %add3A_174 = arith.constant 32 : i32
        %add3A_175 = arith.addi %mul3A_173, %add3A_174 : i32
        %dma_start3A_176 = arith.constant 32 : i32
        %dma_start3A_177 = arith.constant 0 : i32
        %dma_start3A_178 = tpu.memref_slice %arg12[%dma_start3A_176, %dma_start3A_177] : memref<160x128xf32, #tpu.memory_space<vmem>> -> memref<32x128xf32, #tpu.memory_space<vmem>>
        %dma_start3A_179 = tpu.memref_slice %arg8[%add3A_175] : memref<2560xi32, #tpu.memory_space<vmem>> -> memref<32xi32, #tpu.memory_space<vmem>>
        %dma_start3A_180 = arith.constant 0 : i32
        %dma_start3A_181 = arith.constant 0 : i32
        %dma_start3A_182 = tpu.memref_slice %arg5[%dma_start3A_180, %dma_start3A_181] : memref<1000000x128xf32, #tpu.memory_space<hbm>> -> memref<1000000x128xf32, #tpu.memory_space<hbm>>
        tpu.enqueue_indirect_dma source(%dma_start3A_182 : memref<1000000x128xf32, #tpu.memory_space<hbm>>) target(%dma_start3A_178 : memref<32x128xf32, #tpu.memory_space<vmem>>) offsets(%dma_start3A_179 : memref<32xi32, #tpu.memory_space<vmem>>) semaphore(%arg17 : memref<!tpu.dma_semaphore, #tpu.memory_space<semaphore_mem>>)
        %mul3A_183 = arith.constant 32 : i32
        %mul3A_184 = arith.muli %add3A_150, %mul3A_183 : i32
        %mul3A_185 = arith.constant 5 : i32
        %mul3A_186 = arith.muli %mul3A_184, %mul3A_185 : i32
        %add3A_187 = arith.constant 64 : i32
        %add3A_188 = arith.addi %mul3A_186, %add3A_187 : i32
        %dma_start3A_189 = arith.constant 64 : i32
        %dma_start3A_190 = arith.constant 0 : i32
        %dma_start3A_191 = tpu.memref_slice %arg12[%dma_start3A_189, %dma_start3A_190] : memref<160x128xf32, #tpu.memory_space<vmem>> -> memref<32x128xf32, #tpu.memory_space<vmem>>
        %dma_start3A_192 = tpu.memref_slice %arg8[%add3A_188] : memref<2560xi32, #tpu.memory_space<vmem>> -> memref<32xi32, #tpu.memory_space<vmem>>
        %dma_start3A_193 = arith.constant 0 : i32
        %dma_start3A_194 = arith.constant 0 : i32
        %dma_start3A_195 = tpu.memref_slice %arg5[%dma_start3A_193, %dma_start3A_194] : memref<1000000x128xf32, #tpu.memory_space<hbm>> -> memref<1000000x128xf32, #tpu.memory_space<hbm>>
        tpu.enqueue_indirect_dma source(%dma_start3A_195 : memref<1000000x128xf32, #tpu.memory_space<hbm>>) target(%dma_start3A_191 : memref<32x128xf32, #tpu.memory_space<vmem>>) offsets(%dma_start3A_192 : memref<32xi32, #tpu.memory_space<vmem>>) semaphore(%arg17 : memref<!tpu.dma_semaphore, #tpu.memory_space<semaphore_mem>>)
        %mul3A_196 = arith.constant 32 : i32
        %mul3A_197 = arith.muli %add3A_150, %mul3A_196 : i32
        %mul3A_198 = arith.constant 5 : i32
        %mul3A_199 = arith.muli %mul3A_197, %mul3A_198 : i32
        %add3A_200 = arith.constant 96 : i32
        %add3A_201 = arith.addi %mul3A_199, %add3A_200 : i32
        %dma_start3A_202 = arith.constant 96 : i32
        %dma_start3A_203 = arith.constant 0 : i32
        %dma_start3A_204 = tpu.memref_slice %arg12[%dma_start3A_202, %dma_start3A_203] : memref<160x128xf32, #tpu.memory_space<vmem>> -> memref<32x128xf32, #tpu.memory_space<vmem>>
        %dma_start3A_205 = tpu.memref_slice %arg8[%add3A_201] : memref<2560xi32, #tpu.memory_space<vmem>> -> memref<32xi32, #tpu.memory_space<vmem>>
        %dma_start3A_206 = arith.constant 0 : i32
        %dma_start3A_207 = arith.constant 0 : i32
        %dma_start3A_208 = tpu.memref_slice %arg5[%dma_start3A_206, %dma_start3A_207] : memref<1000000x128xf32, #tpu.memory_space<hbm>> -> memref<1000000x128xf32, #tpu.memory_space<hbm>>
        tpu.enqueue_indirect_dma source(%dma_start3A_208 : memref<1000000x128xf32, #tpu.memory_space<hbm>>) target(%dma_start3A_204 : memref<32x128xf32, #tpu.memory_space<vmem>>) offsets(%dma_start3A_205 : memref<32xi32, #tpu.memory_space<vmem>>) semaphore(%arg17 : memref<!tpu.dma_semaphore, #tpu.memory_space<semaphore_mem>>)
        %mul3A_209 = arith.constant 32 : i32
        %mul3A_210 = arith.muli %add3A_150, %mul3A_209 : i32
        %mul3A_211 = arith.constant 5 : i32
        %mul3A_212 = arith.muli %mul3A_210, %mul3A_211 : i32
        %add3A_213 = arith.constant 128 : i32
        %add3A_214 = arith.addi %mul3A_212, %add3A_213 : i32
        %dma_start3A_215 = arith.constant 128 : i32
        %dma_start3A_216 = arith.constant 0 : i32
        %dma_start3A_217 = tpu.memref_slice %arg12[%dma_start3A_215, %dma_start3A_216] : memref<160x128xf32, #tpu.memory_space<vmem>> -> memref<32x128xf32, #tpu.memory_space<vmem>>
        %dma_start3A_218 = tpu.memref_slice %arg8[%add3A_214] : memref<2560xi32, #tpu.memory_space<vmem>> -> memref<32xi32, #tpu.memory_space<vmem>>
        %dma_start3A_219 = arith.constant 0 : i32
        %dma_start3A_220 = arith.constant 0 : i32
        %dma_start3A_221 = tpu.memref_slice %arg5[%dma_start3A_219, %dma_start3A_220] : memref<1000000x128xf32, #tpu.memory_space<hbm>> -> memref<1000000x128xf32, #tpu.memory_space<hbm>>
        tpu.enqueue_indirect_dma source(%dma_start3A_221 : memref<1000000x128xf32, #tpu.memory_space<hbm>>) target(%dma_start3A_217 : memref<32x128xf32, #tpu.memory_space<vmem>>) offsets(%dma_start3A_218 : memref<32xi32, #tpu.memory_space<vmem>>) semaphore(%arg17 : memref<!tpu.dma_semaphore, #tpu.memory_space<semaphore_mem>>)
      } else {
      }
      %dma_wait3A_76 = arith.constant 0 : i32
      %dma_wait3A_77 = arith.constant 0 : i32
      %dma_wait3A_78 = tpu.memref_slice %arg4[%dma_wait3A_76, %dma_wait3A_77] : memref<1000000x128xf32, #tpu.memory_space<hbm>> -> memref<32x128xf32, #tpu.memory_space<hbm>>
      %dma_wait3A_79 = arith.constant 0 : i32
      %dma_wait3A_80 = arith.constant 0 : i32
      %dma_wait3A_81 = tpu.memref_slice %arg4[%dma_wait3A_79, %dma_wait3A_80] : memref<1000000x128xf32, #tpu.memory_space<hbm>> -> memref<32x128xf32, #tpu.memory_space<hbm>>
      tpu.wait_dma2 semaphore(%arg16 : memref<!tpu.dma_semaphore, #tpu.memory_space<semaphore_mem>>) src(%dma_wait3A_81 : memref<32x128xf32, #tpu.memory_space<hbm>>) dst(%arg9 : memref<32x128xf32, #tpu.memory_space<vmem>>)
      %dma_wait3A_82 = arith.constant 0 : i32
      %dma_wait3A_83 = arith.constant 0 : i32
      %dma_wait3A_84 = tpu.memref_slice %arg5[%dma_wait3A_82, %dma_wait3A_83] : memref<1000000x128xf32, #tpu.memory_space<hbm>> -> memref<160x128xf32, #tpu.memory_space<hbm>>
      %dma_wait3A_85 = arith.constant 0 : i32
      %dma_wait3A_86 = arith.constant 0 : i32
      %dma_wait3A_87 = tpu.memref_slice %arg5[%dma_wait3A_85, %dma_wait3A_86] : memref<1000000x128xf32, #tpu.memory_space<hbm>> -> memref<160x128xf32, #tpu.memory_space<hbm>>
      tpu.wait_dma2 semaphore(%arg16 : memref<!tpu.dma_semaphore, #tpu.memory_space<semaphore_mem>>) src(%dma_wait3A_87 : memref<160x128xf32, #tpu.memory_space<hbm>>) dst(%arg11 : memref<160x128xf32, #tpu.memory_space<vmem>>)
      %ge3A = arith.constant 2 : i32
      %ge3A_88 = arith.cmpi sge, %add3A_71, %ge3A : i32
      %convert_element_type3A_89 = arith.extui %ge3A_88 : i1 to i32
      %cond3A_90 = arith.constant 0 : i32
      %cond3A_91 = arith.cmpi ne, %convert_element_type3A_89, %cond3A_90 : i32
      scf.if %cond3A_91 {
        %dma_wait3A_149 = arith.constant 0 : i32
        %dma_wait3A_150 = arith.constant 0 : i32
        %dma_wait3A_151 = tpu.memref_slice %arg6[%dma_wait3A_149, %dma_wait3A_150] : memref<16384x5xf32, #tpu.memory_space<hbm>> -> memref<32x5xf32, #tpu.memory_space<hbm>>
        %dma_wait3A_152 = arith.constant 0 : i32
        %dma_wait3A_153 = arith.constant 0 : i32
        %dma_wait3A_154 = tpu.memref_slice %arg6[%dma_wait3A_152, %dma_wait3A_153] : memref<16384x5xf32, #tpu.memory_space<hbm>> -> memref<32x5xf32, #tpu.memory_space<hbm>>
        tpu.wait_dma2 semaphore(%arg18 : memref<!tpu.dma_semaphore, #tpu.memory_space<semaphore_mem>>) src(%arg13 : memref<32x5xf32, #tpu.memory_space<vmem>>) dst(%dma_wait3A_154 : memref<32x5xf32, #tpu.memory_space<hbm>>)
      } else {
      }
      %parallel_loop3A = arith.constant 0 : i32
      %parallel_loop3A_92 = arith.constant 32 : i32
      %parallel_loop3A_93 = arith.constant 1 : i32
      scf.for %parallel_loop3A_149 = %parallel_loop3A to %parallel_loop3A_92 step %parallel_loop3A_93  : i32 {
        %parallel_loop3A_150 = arith.index_cast %parallel_loop3A_149 : i32 to index
        %parallel_loop3A_151 = arith.constant 0 : index
        %parallel_loop3A_152 = tpu.vector_load %arg9[%parallel_loop3A_150, %parallel_loop3A_151] {strides = array<i32>} : memref<32x128xf32, #tpu.memory_space<vmem>>, vector<16xf32>,
        %parallel_loop3A_153 = arith.index_cast %parallel_loop3A_149 : i32 to index
        %parallel_loop3A_154 = arith.constant 16 : index
        %parallel_loop3A_155 = tpu.vector_load %arg9[%parallel_loop3A_153, %parallel_loop3A_154] {strides = array<i32>} : memref<32x128xf32, #tpu.memory_space<vmem>>, vector<16xf32>,
        %parallel_loop3A_156 = arith.index_cast %parallel_loop3A_149 : i32 to index
        %parallel_loop3A_157 = arith.constant 32 : index
        %parallel_loop3A_158 = tpu.vector_load %arg9[%parallel_loop3A_156, %parallel_loop3A_157] {strides = array<i32>} : memref<32x128xf32, #tpu.memory_space<vmem>>, vector<16xf32>,
        %parallel_loop3A_159 = arith.index_cast %parallel_loop3A_149 : i32 to index
        %parallel_loop3A_160 = arith.constant 48 : index
        %parallel_loop3A_161 = tpu.vector_load %arg9[%parallel_loop3A_159, %parallel_loop3A_160] {strides = array<i32>} : memref<32x128xf32, #tpu.memory_space<vmem>>, vector<16xf32>,
        %parallel_loop3A_162 = arith.index_cast %parallel_loop3A_149 : i32 to index
        %parallel_loop3A_163 = arith.constant 64 : index
        %parallel_loop3A_164 = tpu.vector_load %arg9[%parallel_loop3A_162, %parallel_loop3A_163] {strides = array<i32>} : memref<32x128xf32, #tpu.memory_space<vmem>>, vector<16xf32>,
        %parallel_loop3A_165 = arith.index_cast %parallel_loop3A_149 : i32 to index
        %parallel_loop3A_166 = arith.constant 80 : index
        %parallel_loop3A_167 = tpu.vector_load %arg9[%parallel_loop3A_165, %parallel_loop3A_166] {strides = array<i32>} : memref<32x128xf32, #tpu.memory_space<vmem>>, vector<16xf32>,
        %parallel_loop3A_168 = arith.index_cast %parallel_loop3A_149 : i32 to index
        %parallel_loop3A_169 = arith.constant 96 : index
        %parallel_loop3A_170 = tpu.vector_load %arg9[%parallel_loop3A_168, %parallel_loop3A_169] {strides = array<i32>} : memref<32x128xf32, #tpu.memory_space<vmem>>, vector<16xf32>,
        %parallel_loop3A_171 = arith.index_cast %parallel_loop3A_149 : i32 to index
        %parallel_loop3A_172 = arith.constant 112 : index
        %parallel_loop3A_173 = tpu.vector_load %arg9[%parallel_loop3A_171, %parallel_loop3A_172] {strides = array<i32>} : memref<32x128xf32, #tpu.memory_space<vmem>>, vector<16xf32>,
        %parallel_loop3A_174 = arith.constant 5 : i32
        %parallel_loop3A_175 = arith.muli %parallel_loop3A_149, %parallel_loop3A_174 : i32
        %parallel_loop3A_176 = arith.constant 0 : i32
        %parallel_loop3A_177 = arith.addi %parallel_loop3A_175, %parallel_loop3A_176 : i32
        %parallel_loop3A_178 = arith.index_cast %parallel_loop3A_177 : i32 to index
        %parallel_loop3A_179 = arith.constant 0 : index
        %parallel_loop3A_180 = tpu.vector_load %arg11[%parallel_loop3A_178, %parallel_loop3A_179] {strides = array<i32>} : memref<160x128xf32, #tpu.memory_space<vmem>>, vector<16xf32>,
        %parallel_loop3A_181 = arith.mulf %parallel_loop3A_152, %parallel_loop3A_180 : vector<16xf32>
        %parallel_loop3A_182 = arith.index_cast %parallel_loop3A_177 : i32 to index
        %parallel_loop3A_183 = arith.constant 16 : index
        %parallel_loop3A_184 = tpu.vector_load %arg11[%parallel_loop3A_182, %parallel_loop3A_183] {strides = array<i32>} : memref<160x128xf32, #tpu.memory_space<vmem>>, vector<16xf32>,
        %parallel_loop3A_185 = arith.mulf %parallel_loop3A_155, %parallel_loop3A_184 : vector<16xf32>
        %parallel_loop3A_186 = arith.index_cast %parallel_loop3A_177 : i32 to index
        %parallel_loop3A_187 = arith.constant 32 : index
        %parallel_loop3A_188 = tpu.vector_load %arg11[%parallel_loop3A_186, %parallel_loop3A_187] {strides = array<i32>} : memref<160x128xf32, #tpu.memory_space<vmem>>, vector<16xf32>,
        %parallel_loop3A_189 = arith.mulf %parallel_loop3A_158, %parallel_loop3A_188 : vector<16xf32>
        %parallel_loop3A_190 = arith.addf %parallel_loop3A_181, %parallel_loop3A_189 : vector<16xf32>
        %parallel_loop3A_191 = arith.index_cast %parallel_loop3A_177 : i32 to index
        %parallel_loop3A_192 = arith.constant 48 : index
        %parallel_loop3A_193 = tpu.vector_load %arg11[%parallel_loop3A_191, %parallel_loop3A_192] {strides = array<i32>} : memref<160x128xf32, #tpu.memory_space<vmem>>, vector<16xf32>,
        %parallel_loop3A_194 = arith.mulf %parallel_loop3A_161, %parallel_loop3A_193 : vector<16xf32>
        %parallel_loop3A_195 = arith.addf %parallel_loop3A_185, %parallel_loop3A_194 : vector<16xf32>
        %parallel_loop3A_196 = arith.index_cast %parallel_loop3A_177 : i32 to index
        %parallel_loop3A_197 = arith.constant 64 : index
        %parallel_loop3A_198 = tpu.vector_load %arg11[%parallel_loop3A_196, %parallel_loop3A_197] {strides = array<i32>} : memref<160x128xf32, #tpu.memory_space<vmem>>, vector<16xf32>,
        %parallel_loop3A_199 = arith.mulf %parallel_loop3A_164, %parallel_loop3A_198 : vector<16xf32>
        %parallel_loop3A_200 = arith.addf %parallel_loop3A_190, %parallel_loop3A_199 : vector<16xf32>
        %parallel_loop3A_201 = arith.index_cast %parallel_loop3A_177 : i32 to index
        %parallel_loop3A_202 = arith.constant 80 : index
        %parallel_loop3A_203 = tpu.vector_load %arg11[%parallel_loop3A_201, %parallel_loop3A_202] {strides = array<i32>} : memref<160x128xf32, #tpu.memory_space<vmem>>, vector<16xf32>,
        %parallel_loop3A_204 = arith.mulf %parallel_loop3A_167, %parallel_loop3A_203 : vector<16xf32>
        %parallel_loop3A_205 = arith.addf %parallel_loop3A_195, %parallel_loop3A_204 : vector<16xf32>
        %parallel_loop3A_206 = arith.index_cast %parallel_loop3A_177 : i32 to index
        %parallel_loop3A_207 = arith.constant 96 : index
        %parallel_loop3A_208 = tpu.vector_load %arg11[%parallel_loop3A_206, %parallel_loop3A_207] {strides = array<i32>} : memref<160x128xf32, #tpu.memory_space<vmem>>, vector<16xf32>,
        %parallel_loop3A_209 = arith.mulf %parallel_loop3A_170, %parallel_loop3A_208 : vector<16xf32>
        %parallel_loop3A_210 = arith.addf %parallel_loop3A_200, %parallel_loop3A_209 : vector<16xf32>
        %parallel_loop3A_211 = arith.index_cast %parallel_loop3A_177 : i32 to index
        %parallel_loop3A_212 = arith.constant 112 : index
        %parallel_loop3A_213 = tpu.vector_load %arg11[%parallel_loop3A_211, %parallel_loop3A_212] {strides = array<i32>} : memref<160x128xf32, #tpu.memory_space<vmem>>, vector<16xf32>,
        %parallel_loop3A_214 = arith.mulf %parallel_loop3A_173, %parallel_loop3A_213 : vector<16xf32>
        %parallel_loop3A_215 = arith.addf %parallel_loop3A_205, %parallel_loop3A_214 : vector<16xf32>
        %parallel_loop3A_216 = arith.addf %parallel_loop3A_210, %parallel_loop3A_215 : vector<16xf32>
        %parallel_loop3A_217 = arith.constant 15 : i32
        %parallel_loop3A_218 = vector.broadcast %parallel_loop3A_217 : i32 to vector<16xi32>
        %parallel_loop3A_219 = tpu.iota {dimensions = array<i32: 0>} : vector<16xi32>
        %parallel_loop3A_220 = arith.subi %parallel_loop3A_218, %parallel_loop3A_219 : vector<16xi32>
        %parallel_loop3A_221 = tpu.dynamic_gather %parallel_loop3A_216[%parallel_loop3A_220] in [0] : vector<16xf32>, vector<16xi32> -> vector<16xf32>
        %parallel_loop3A_222 = arith.addf %parallel_loop3A_216, %parallel_loop3A_221 : vector<16xf32>
        %parallel_loop3A_223 = arith.constant 0 : i32
        %parallel_loop3A_224 = arith.addi %parallel_loop3A_223, %parallel_loop3A_149 : i32
        %parallel_loop3A_225 = arith.index_cast %parallel_loop3A_224 : i32 to index
        %parallel_loop3A_226 = arith.constant 0 : index
        %parallel_loop3A_227 = tpu.vector_load %arg15[%parallel_loop3A_225, %parallel_loop3A_226] {strides = array<i32>} : memref<160x17xf32, #tpu.memory_space<vmem>>, vector<16xf32>,
        tpu.vector_store %arg15[%parallel_loop3A_225, %parallel_loop3A_226], %parallel_loop3A_222 {strides = array<i32>} : memref<160x17xf32, #tpu.memory_space<vmem>>, vector<16xf32>,
        %parallel_loop3A_228 = arith.constant 5 : i32
        %parallel_loop3A_229 = arith.muli %parallel_loop3A_149, %parallel_loop3A_228 : i32
        %parallel_loop3A_230 = arith.constant 1 : i32
        %parallel_loop3A_231 = arith.addi %parallel_loop3A_229, %parallel_loop3A_230 : i32
        %parallel_loop3A_232 = arith.index_cast %parallel_loop3A_231 : i32 to index
        %parallel_loop3A_233 = arith.constant 0 : index
        %parallel_loop3A_234 = tpu.vector_load %arg11[%parallel_loop3A_232, %parallel_loop3A_233] {strides = array<i32>} : memref<160x128xf32, #tpu.memory_space<vmem>>, vector<16xf32>,
        %parallel_loop3A_235 = arith.mulf %parallel_loop3A_152, %parallel_loop3A_234 : vector<16xf32>
        %parallel_loop3A_236 = arith.index_cast %parallel_loop3A_231 : i32 to index
        %parallel_loop3A_237 = arith.constant 16 : index
        %parallel_loop3A_238 = tpu.vector_load %arg11[%parallel_loop3A_236, %parallel_loop3A_237] {strides = array<i32>} : memref<160x128xf32, #tpu.memory_space<vmem>>, vector<16xf32>,
        %parallel_loop3A_239 = arith.mulf %parallel_loop3A_155, %parallel_loop3A_238 : vector<16xf32>
        %parallel_loop3A_240 = arith.index_cast %parallel_loop3A_231 : i32 to index
        %parallel_loop3A_241 = arith.constant 32 : index
        %parallel_loop3A_242 = tpu.vector_load %arg11[%parallel_loop3A_240, %parallel_loop3A_241] {strides = array<i32>} : memref<160x128xf32, #tpu.memory_space<vmem>>, vector<16xf32>,
        %parallel_loop3A_243 = arith.mulf %parallel_loop3A_158, %parallel_loop3A_242 : vector<16xf32>
        %parallel_loop3A_244 = arith.addf %parallel_loop3A_235, %parallel_loop3A_243 : vector<16xf32>
        %parallel_loop3A_245 = arith.index_cast %parallel_loop3A_231 : i32 to index
        %parallel_loop3A_246 = arith.constant 48 : index
        %parallel_loop3A_247 = tpu.vector_load %arg11[%parallel_loop3A_245, %parallel_loop3A_246] {strides = array<i32>} : memref<160x128xf32, #tpu.memory_space<vmem>>, vector<16xf32>,
        %parallel_loop3A_248 = arith.mulf %parallel_loop3A_161, %parallel_loop3A_247 : vector<16xf32>
        %parallel_loop3A_249 = arith.addf %parallel_loop3A_239, %parallel_loop3A_248 : vector<16xf32>
        %parallel_loop3A_250 = arith.index_cast %parallel_loop3A_231 : i32 to index
        %parallel_loop3A_251 = arith.constant 64 : index
        %parallel_loop3A_252 = tpu.vector_load %arg11[%parallel_loop3A_250, %parallel_loop3A_251] {strides = array<i32>} : memref<160x128xf32, #tpu.memory_space<vmem>>, vector<16xf32>,
        %parallel_loop3A_253 = arith.mulf %parallel_loop3A_164, %parallel_loop3A_252 : vector<16xf32>
        %parallel_loop3A_254 = arith.addf %parallel_loop3A_244, %parallel_loop3A_253 : vector<16xf32>
        %parallel_loop3A_255 = arith.index_cast %parallel_loop3A_231 : i32 to index
        %parallel_loop3A_256 = arith.constant 80 : index
        %parallel_loop3A_257 = tpu.vector_load %arg11[%parallel_loop3A_255, %parallel_loop3A_256] {strides = array<i32>} : memref<160x128xf32, #tpu.memory_space<vmem>>, vector<16xf32>,
        %parallel_loop3A_258 = arith.mulf %parallel_loop3A_167, %parallel_loop3A_257 : vector<16xf32>
        %parallel_loop3A_259 = arith.addf %parallel_loop3A_249, %parallel_loop3A_258 : vector<16xf32>
        %parallel_loop3A_260 = arith.index_cast %parallel_loop3A_231 : i32 to index
        %parallel_loop3A_261 = arith.constant 96 : index
        %parallel_loop3A_262 = tpu.vector_load %arg11[%parallel_loop3A_260, %parallel_loop3A_261] {strides = array<i32>} : memref<160x128xf32, #tpu.memory_space<vmem>>, vector<16xf32>,
        %parallel_loop3A_263 = arith.mulf %parallel_loop3A_170, %parallel_loop3A_262 : vector<16xf32>
        %parallel_loop3A_264 = arith.addf %parallel_loop3A_254, %parallel_loop3A_263 : vector<16xf32>
        %parallel_loop3A_265 = arith.index_cast %parallel_loop3A_231 : i32 to index
        %parallel_loop3A_266 = arith.constant 112 : index
        %parallel_loop3A_267 = tpu.vector_load %arg11[%parallel_loop3A_265, %parallel_loop3A_266] {strides = array<i32>} : memref<160x128xf32, #tpu.memory_space<vmem>>, vector<16xf32>,
        %parallel_loop3A_268 = arith.mulf %parallel_loop3A_173, %parallel_loop3A_267 : vector<16xf32>
        %parallel_loop3A_269 = arith.addf %parallel_loop3A_259, %parallel_loop3A_268 : vector<16xf32>
        %parallel_loop3A_270 = arith.addf %parallel_loop3A_264, %parallel_loop3A_269 : vector<16xf32>
        %parallel_loop3A_271 = arith.constant 15 : i32
        %parallel_loop3A_272 = vector.broadcast %parallel_loop3A_271 : i32 to vector<16xi32>
        %parallel_loop3A_273 = tpu.iota {dimensions = array<i32: 0>} : vector<16xi32>
        %parallel_loop3A_274 = arith.subi %parallel_loop3A_272, %parallel_loop3A_273 : vector<16xi32>
        %parallel_loop3A_275 = tpu.dynamic_gather %parallel_loop3A_270[%parallel_loop3A_274] in [0] : vector<16xf32>, vector<16xi32> -> vector<16xf32>
        %parallel_loop3A_276 = arith.addf %parallel_loop3A_270, %parallel_loop3A_275 : vector<16xf32>
        %parallel_loop3A_277 = arith.constant 32 : i32
        %parallel_loop3A_278 = arith.addi %parallel_loop3A_277, %parallel_loop3A_149 : i32
        %parallel_loop3A_279 = arith.index_cast %parallel_loop3A_278 : i32 to index
        %parallel_loop3A_280 = arith.constant 0 : index
        %parallel_loop3A_281 = tpu.vector_load %arg15[%parallel_loop3A_279, %parallel_loop3A_280] {strides = array<i32>} : memref<160x17xf32, #tpu.memory_space<vmem>>, vector<16xf32>,
        tpu.vector_store %arg15[%parallel_loop3A_279, %parallel_loop3A_280], %parallel_loop3A_276 {strides = array<i32>} : memref<160x17xf32, #tpu.memory_space<vmem>>, vector<16xf32>,
        %parallel_loop3A_282 = arith.constant 5 : i32
        %parallel_loop3A_283 = arith.muli %parallel_loop3A_149, %parallel_loop3A_282 : i32
        %parallel_loop3A_284 = arith.constant 2 : i32
        %parallel_loop3A_285 = arith.addi %parallel_loop3A_283, %parallel_loop3A_284 : i32
        %parallel_loop3A_286 = arith.index_cast %parallel_loop3A_285 : i32 to index
        %parallel_loop3A_287 = arith.constant 0 : index
        %parallel_loop3A_288 = tpu.vector_load %arg11[%parallel_loop3A_286, %parallel_loop3A_287] {strides = array<i32>} : memref<160x128xf32, #tpu.memory_space<vmem>>, vector<16xf32>,
        %parallel_loop3A_289 = arith.mulf %parallel_loop3A_152, %parallel_loop3A_288 : vector<16xf32>
        %parallel_loop3A_290 = arith.index_cast %parallel_loop3A_285 : i32 to index
        %parallel_loop3A_291 = arith.constant 16 : index
        %parallel_loop3A_292 = tpu.vector_load %arg11[%parallel_loop3A_290, %parallel_loop3A_291] {strides = array<i32>} : memref<160x128xf32, #tpu.memory_space<vmem>>, vector<16xf32>,
        %parallel_loop3A_293 = arith.mulf %parallel_loop3A_155, %parallel_loop3A_292 : vector<16xf32>
        %parallel_loop3A_294 = arith.index_cast %parallel_loop3A_285 : i32 to index
        %parallel_loop3A_295 = arith.constant 32 : index
        %parallel_loop3A_296 = tpu.vector_load %arg11[%parallel_loop3A_294, %parallel_loop3A_295] {strides = array<i32>} : memref<160x128xf32, #tpu.memory_space<vmem>>, vector<16xf32>,
        %parallel_loop3A_297 = arith.mulf %parallel_loop3A_158, %parallel_loop3A_296 : vector<16xf32>
        %parallel_loop3A_298 = arith.addf %parallel_loop3A_289, %parallel_loop3A_297 : vector<16xf32>
        %parallel_loop3A_299 = arith.index_cast %parallel_loop3A_285 : i32 to index
        %parallel_loop3A_300 = arith.constant 48 : index
        %parallel_loop3A_301 = tpu.vector_load %arg11[%parallel_loop3A_299, %parallel_loop3A_300] {strides = array<i32>} : memref<160x128xf32, #tpu.memory_space<vmem>>, vector<16xf32>,
        %parallel_loop3A_302 = arith.mulf %parallel_loop3A_161, %parallel_loop3A_301 : vector<16xf32>
        %parallel_loop3A_303 = arith.addf %parallel_loop3A_293, %parallel_loop3A_302 : vector<16xf32>
        %parallel_loop3A_304 = arith.index_cast %parallel_loop3A_285 : i32 to index
        %parallel_loop3A_305 = arith.constant 64 : index
        %parallel_loop3A_306 = tpu.vector_load %arg11[%parallel_loop3A_304, %parallel_loop3A_305] {strides = array<i32>} : memref<160x128xf32, #tpu.memory_space<vmem>>, vector<16xf32>,
        %parallel_loop3A_307 = arith.mulf %parallel_loop3A_164, %parallel_loop3A_306 : vector<16xf32>
        %parallel_loop3A_308 = arith.addf %parallel_loop3A_298, %parallel_loop3A_307 : vector<16xf32>
        %parallel_loop3A_309 = arith.index_cast %parallel_loop3A_285 : i32 to index
        %parallel_loop3A_310 = arith.constant 80 : index
        %parallel_loop3A_311 = tpu.vector_load %arg11[%parallel_loop3A_309, %parallel_loop3A_310] {strides = array<i32>} : memref<160x128xf32, #tpu.memory_space<vmem>>, vector<16xf32>,
        %parallel_loop3A_312 = arith.mulf %parallel_loop3A_167, %parallel_loop3A_311 : vector<16xf32>
        %parallel_loop3A_313 = arith.addf %parallel_loop3A_303, %parallel_loop3A_312 : vector<16xf32>
        %parallel_loop3A_314 = arith.index_cast %parallel_loop3A_285 : i32 to index
        %parallel_loop3A_315 = arith.constant 96 : index
        %parallel_loop3A_316 = tpu.vector_load %arg11[%parallel_loop3A_314, %parallel_loop3A_315] {strides = array<i32>} : memref<160x128xf32, #tpu.memory_space<vmem>>, vector<16xf32>,
        %parallel_loop3A_317 = arith.mulf %parallel_loop3A_170, %parallel_loop3A_316 : vector<16xf32>
        %parallel_loop3A_318 = arith.addf %parallel_loop3A_308, %parallel_loop3A_317 : vector<16xf32>
        %parallel_loop3A_319 = arith.index_cast %parallel_loop3A_285 : i32 to index
        %parallel_loop3A_320 = arith.constant 112 : index
        %parallel_loop3A_321 = tpu.vector_load %arg11[%parallel_loop3A_319, %parallel_loop3A_320] {strides = array<i32>} : memref<160x128xf32, #tpu.memory_space<vmem>>, vector<16xf32>,
        %parallel_loop3A_322 = arith.mulf %parallel_loop3A_173, %parallel_loop3A_321 : vector<16xf32>
        %parallel_loop3A_323 = arith.addf %parallel_loop3A_313, %parallel_loop3A_322 : vector<16xf32>
        %parallel_loop3A_324 = arith.addf %parallel_loop3A_318, %parallel_loop3A_323 : vector<16xf32>
        %parallel_loop3A_325 = arith.constant 15 : i32
        %parallel_loop3A_326 = vector.broadcast %parallel_loop3A_325 : i32 to vector<16xi32>
        %parallel_loop3A_327 = tpu.iota {dimensions = array<i32: 0>} : vector<16xi32>
        %parallel_loop3A_328 = arith.subi %parallel_loop3A_326, %parallel_loop3A_327 : vector<16xi32>
        %parallel_loop3A_329 = tpu.dynamic_gather %parallel_loop3A_324[%parallel_loop3A_328] in [0] : vector<16xf32>, vector<16xi32> -> vector<16xf32>
        %parallel_loop3A_330 = arith.addf %parallel_loop3A_324, %parallel_loop3A_329 : vector<16xf32>
        %parallel_loop3A_331 = arith.constant 64 : i32
        %parallel_loop3A_332 = arith.addi %parallel_loop3A_331, %parallel_loop3A_149 : i32
        %parallel_loop3A_333 = arith.index_cast %parallel_loop3A_332 : i32 to index
        %parallel_loop3A_334 = arith.constant 0 : index
        %parallel_loop3A_335 = tpu.vector_load %arg15[%parallel_loop3A_333, %parallel_loop3A_334] {strides = array<i32>} : memref<160x17xf32, #tpu.memory_space<vmem>>, vector<16xf32>,
        tpu.vector_store %arg15[%parallel_loop3A_333, %parallel_loop3A_334], %parallel_loop3A_330 {strides = array<i32>} : memref<160x17xf32, #tpu.memory_space<vmem>>, vector<16xf32>,
        %parallel_loop3A_336 = arith.constant 5 : i32
        %parallel_loop3A_337 = arith.muli %parallel_loop3A_149, %parallel_loop3A_336 : i32
        %parallel_loop3A_338 = arith.constant 3 : i32
        %parallel_loop3A_339 = arith.addi %parallel_loop3A_337, %parallel_loop3A_338 : i32
        %parallel_loop3A_340 = arith.index_cast %parallel_loop3A_339 : i32 to index
        %parallel_loop3A_341 = arith.constant 0 : index
        %parallel_loop3A_342 = tpu.vector_load %arg11[%parallel_loop3A_340, %parallel_loop3A_341] {strides = array<i32>} : memref<160x128xf32, #tpu.memory_space<vmem>>, vector<16xf32>,
        %parallel_loop3A_343 = arith.mulf %parallel_loop3A_152, %parallel_loop3A_342 : vector<16xf32>
        %parallel_loop3A_344 = arith.index_cast %parallel_loop3A_339 : i32 to index
        %parallel_loop3A_345 = arith.constant 16 : index
        %parallel_loop3A_346 = tpu.vector_load %arg11[%parallel_loop3A_344, %parallel_loop3A_345] {strides = array<i32>} : memref<160x128xf32, #tpu.memory_space<vmem>>, vector<16xf32>,
        %parallel_loop3A_347 = arith.mulf %parallel_loop3A_155, %parallel_loop3A_346 : vector<16xf32>
        %parallel_loop3A_348 = arith.index_cast %parallel_loop3A_339 : i32 to index
        %parallel_loop3A_349 = arith.constant 32 : index
        %parallel_loop3A_350 = tpu.vector_load %arg11[%parallel_loop3A_348, %parallel_loop3A_349] {strides = array<i32>} : memref<160x128xf32, #tpu.memory_space<vmem>>, vector<16xf32>,
        %parallel_loop3A_351 = arith.mulf %parallel_loop3A_158, %parallel_loop3A_350 : vector<16xf32>
        %parallel_loop3A_352 = arith.addf %parallel_loop3A_343, %parallel_loop3A_351 : vector<16xf32>
        %parallel_loop3A_353 = arith.index_cast %parallel_loop3A_339 : i32 to index
        %parallel_loop3A_354 = arith.constant 48 : index
        %parallel_loop3A_355 = tpu.vector_load %arg11[%parallel_loop3A_353, %parallel_loop3A_354] {strides = array<i32>} : memref<160x128xf32, #tpu.memory_space<vmem>>, vector<16xf32>,
        %parallel_loop3A_356 = arith.mulf %parallel_loop3A_161, %parallel_loop3A_355 : vector<16xf32>
        %parallel_loop3A_357 = arith.addf %parallel_loop3A_347, %parallel_loop3A_356 : vector<16xf32>
        %parallel_loop3A_358 = arith.index_cast %parallel_loop3A_339 : i32 to index
        %parallel_loop3A_359 = arith.constant 64 : index
        %parallel_loop3A_360 = tpu.vector_load %arg11[%parallel_loop3A_358, %parallel_loop3A_359] {strides = array<i32>} : memref<160x128xf32, #tpu.memory_space<vmem>>, vector<16xf32>,
        %parallel_loop3A_361 = arith.mulf %parallel_loop3A_164, %parallel_loop3A_360 : vector<16xf32>
        %parallel_loop3A_362 = arith.addf %parallel_loop3A_352, %parallel_loop3A_361 : vector<16xf32>
        %parallel_loop3A_363 = arith.index_cast %parallel_loop3A_339 : i32 to index
        %parallel_loop3A_364 = arith.constant 80 : index
        %parallel_loop3A_365 = tpu.vector_load %arg11[%parallel_loop3A_363, %parallel_loop3A_364] {strides = array<i32>} : memref<160x128xf32, #tpu.memory_space<vmem>>, vector<16xf32>,
        %parallel_loop3A_366 = arith.mulf %parallel_loop3A_167, %parallel_loop3A_365 : vector<16xf32>
        %parallel_loop3A_367 = arith.addf %parallel_loop3A_357, %parallel_loop3A_366 : vector<16xf32>
        %parallel_loop3A_368 = arith.index_cast %parallel_loop3A_339 : i32 to index
        %parallel_loop3A_369 = arith.constant 96 : index
        %parallel_loop3A_370 = tpu.vector_load %arg11[%parallel_loop3A_368, %parallel_loop3A_369] {strides = array<i32>} : memref<160x128xf32, #tpu.memory_space<vmem>>, vector<16xf32>,
        %parallel_loop3A_371 = arith.mulf %parallel_loop3A_170, %parallel_loop3A_370 : vector<16xf32>
        %parallel_loop3A_372 = arith.addf %parallel_loop3A_362, %parallel_loop3A_371 : vector<16xf32>
        %parallel_loop3A_373 = arith.index_cast %parallel_loop3A_339 : i32 to index
        %parallel_loop3A_374 = arith.constant 112 : index
        %parallel_loop3A_375 = tpu.vector_load %arg11[%parallel_loop3A_373, %parallel_loop3A_374] {strides = array<i32>} : memref<160x128xf32, #tpu.memory_space<vmem>>, vector<16xf32>,
        %parallel_loop3A_376 = arith.mulf %parallel_loop3A_173, %parallel_loop3A_375 : vector<16xf32>
        %parallel_loop3A_377 = arith.addf %parallel_loop3A_367, %parallel_loop3A_376 : vector<16xf32>
        %parallel_loop3A_378 = arith.addf %parallel_loop3A_372, %parallel_loop3A_377 : vector<16xf32>
        %parallel_loop3A_379 = arith.constant 15 : i32
        %parallel_loop3A_380 = vector.broadcast %parallel_loop3A_379 : i32 to vector<16xi32>
        %parallel_loop3A_381 = tpu.iota {dimensions = array<i32: 0>} : vector<16xi32>
        %parallel_loop3A_382 = arith.subi %parallel_loop3A_380, %parallel_loop3A_381 : vector<16xi32>
        %parallel_loop3A_383 = tpu.dynamic_gather %parallel_loop3A_378[%parallel_loop3A_382] in [0] : vector<16xf32>, vector<16xi32> -> vector<16xf32>
        %parallel_loop3A_384 = arith.addf %parallel_loop3A_378, %parallel_loop3A_383 : vector<16xf32>
        %parallel_loop3A_385 = arith.constant 96 : i32
        %parallel_loop3A_386 = arith.addi %parallel_loop3A_385, %parallel_loop3A_149 : i32
        %parallel_loop3A_387 = arith.index_cast %parallel_loop3A_386 : i32 to index
        %parallel_loop3A_388 = arith.constant 0 : index
        %parallel_loop3A_389 = tpu.vector_load %arg15[%parallel_loop3A_387, %parallel_loop3A_388] {strides = array<i32>} : memref<160x17xf32, #tpu.memory_space<vmem>>, vector<16xf32>,
        tpu.vector_store %arg15[%parallel_loop3A_387, %parallel_loop3A_388], %parallel_loop3A_384 {strides = array<i32>} : memref<160x17xf32, #tpu.memory_space<vmem>>, vector<16xf32>,
        %parallel_loop3A_390 = arith.constant 5 : i32
        %parallel_loop3A_391 = arith.muli %parallel_loop3A_149, %parallel_loop3A_390 : i32
        %parallel_loop3A_392 = arith.constant 4 : i32
        %parallel_loop3A_393 = arith.addi %parallel_loop3A_391, %parallel_loop3A_392 : i32
        %parallel_loop3A_394 = arith.index_cast %parallel_loop3A_393 : i32 to index
        %parallel_loop3A_395 = arith.constant 0 : index
        %parallel_loop3A_396 = tpu.vector_load %arg11[%parallel_loop3A_394, %parallel_loop3A_395] {strides = array<i32>} : memref<160x128xf32, #tpu.memory_space<vmem>>, vector<16xf32>,
        %parallel_loop3A_397 = arith.mulf %parallel_loop3A_152, %parallel_loop3A_396 : vector<16xf32>
        %parallel_loop3A_398 = arith.index_cast %parallel_loop3A_393 : i32 to index
        %parallel_loop3A_399 = arith.constant 16 : index
        %parallel_loop3A_400 = tpu.vector_load %arg11[%parallel_loop3A_398, %parallel_loop3A_399] {strides = array<i32>} : memref<160x128xf32, #tpu.memory_space<vmem>>, vector<16xf32>,
        %parallel_loop3A_401 = arith.mulf %parallel_loop3A_155, %parallel_loop3A_400 : vector<16xf32>
        %parallel_loop3A_402 = arith.index_cast %parallel_loop3A_393 : i32 to index
        %parallel_loop3A_403 = arith.constant 32 : index
        %parallel_loop3A_404 = tpu.vector_load %arg11[%parallel_loop3A_402, %parallel_loop3A_403] {strides = array<i32>} : memref<160x128xf32, #tpu.memory_space<vmem>>, vector<16xf32>,
        %parallel_loop3A_405 = arith.mulf %parallel_loop3A_158, %parallel_loop3A_404 : vector<16xf32>
        %parallel_loop3A_406 = arith.addf %parallel_loop3A_397, %parallel_loop3A_405 : vector<16xf32>
        %parallel_loop3A_407 = arith.index_cast %parallel_loop3A_393 : i32 to index
        %parallel_loop3A_408 = arith.constant 48 : index
        %parallel_loop3A_409 = tpu.vector_load %arg11[%parallel_loop3A_407, %parallel_loop3A_408] {strides = array<i32>} : memref<160x128xf32, #tpu.memory_space<vmem>>, vector<16xf32>,
        %parallel_loop3A_410 = arith.mulf %parallel_loop3A_161, %parallel_loop3A_409 : vector<16xf32>
        %parallel_loop3A_411 = arith.addf %parallel_loop3A_401, %parallel_loop3A_410 : vector<16xf32>
        %parallel_loop3A_412 = arith.index_cast %parallel_loop3A_393 : i32 to index
        %parallel_loop3A_413 = arith.constant 64 : index
        %parallel_loop3A_414 = tpu.vector_load %arg11[%parallel_loop3A_412, %parallel_loop3A_413] {strides = array<i32>} : memref<160x128xf32, #tpu.memory_space<vmem>>, vector<16xf32>,
        %parallel_loop3A_415 = arith.mulf %parallel_loop3A_164, %parallel_loop3A_414 : vector<16xf32>
        %parallel_loop3A_416 = arith.addf %parallel_loop3A_406, %parallel_loop3A_415 : vector<16xf32>
        %parallel_loop3A_417 = arith.index_cast %parallel_loop3A_393 : i32 to index
        %parallel_loop3A_418 = arith.constant 80 : index
        %parallel_loop3A_419 = tpu.vector_load %arg11[%parallel_loop3A_417, %parallel_loop3A_418] {strides = array<i32>} : memref<160x128xf32, #tpu.memory_space<vmem>>, vector<16xf32>,
        %parallel_loop3A_420 = arith.mulf %parallel_loop3A_167, %parallel_loop3A_419 : vector<16xf32>
        %parallel_loop3A_421 = arith.addf %parallel_loop3A_411, %parallel_loop3A_420 : vector<16xf32>
        %parallel_loop3A_422 = arith.index_cast %parallel_loop3A_393 : i32 to index
        %parallel_loop3A_423 = arith.constant 96 : index
        %parallel_loop3A_424 = tpu.vector_load %arg11[%parallel_loop3A_422, %parallel_loop3A_423] {strides = array<i32>} : memref<160x128xf32, #tpu.memory_space<vmem>>, vector<16xf32>,
        %parallel_loop3A_425 = arith.mulf %parallel_loop3A_170, %parallel_loop3A_424 : vector<16xf32>
        %parallel_loop3A_426 = arith.addf %parallel_loop3A_416, %parallel_loop3A_425 : vector<16xf32>
        %parallel_loop3A_427 = arith.index_cast %parallel_loop3A_393 : i32 to index
        %parallel_loop3A_428 = arith.constant 112 : index
        %parallel_loop3A_429 = tpu.vector_load %arg11[%parallel_loop3A_427, %parallel_loop3A_428] {strides = array<i32>} : memref<160x128xf32, #tpu.memory_space<vmem>>, vector<16xf32>,
        %parallel_loop3A_430 = arith.mulf %parallel_loop3A_173, %parallel_loop3A_429 : vector<16xf32>
        %parallel_loop3A_431 = arith.addf %parallel_loop3A_421, %parallel_loop3A_430 : vector<16xf32>
        %parallel_loop3A_432 = arith.addf %parallel_loop3A_426, %parallel_loop3A_431 : vector<16xf32>
        %parallel_loop3A_433 = arith.constant 15 : i32
        %parallel_loop3A_434 = vector.broadcast %parallel_loop3A_433 : i32 to vector<16xi32>
        %parallel_loop3A_435 = tpu.iota {dimensions = array<i32: 0>} : vector<16xi32>
        %parallel_loop3A_436 = arith.subi %parallel_loop3A_434, %parallel_loop3A_435 : vector<16xi32>
        %parallel_loop3A_437 = tpu.dynamic_gather %parallel_loop3A_432[%parallel_loop3A_436] in [0] : vector<16xf32>, vector<16xi32> -> vector<16xf32>
        %parallel_loop3A_438 = arith.addf %parallel_loop3A_432, %parallel_loop3A_437 : vector<16xf32>
        %parallel_loop3A_439 = arith.constant 128 : i32
        %parallel_loop3A_440 = arith.addi %parallel_loop3A_439, %parallel_loop3A_149 : i32
        %parallel_loop3A_441 = arith.index_cast %parallel_loop3A_440 : i32 to index
        %parallel_loop3A_442 = arith.constant 0 : index
        %parallel_loop3A_443 = tpu.vector_load %arg15[%parallel_loop3A_441, %parallel_loop3A_442] {strides = array<i32>} : memref<160x17xf32, #tpu.memory_space<vmem>>, vector<16xf32>,
        tpu.vector_store %arg15[%parallel_loop3A_441, %parallel_loop3A_442], %parallel_loop3A_438 {strides = array<i32>} : memref<160x17xf32, #tpu.memory_space<vmem>>, vector<16xf32>,
      } {sc.loop_unroll_factor = 2 : i64, sc.parallel_access}
      %parallel_loop3A_94 = arith.constant 0 : i32
      %parallel_loop3A_95 = arith.constant 10 : i32
      %parallel_loop3A_96 = arith.constant 1 : i32
      scf.for %parallel_loop3A_149 = %parallel_loop3A_94 to %parallel_loop3A_95 step %parallel_loop3A_96  : i32 {
        %parallel_loop3A_150 = arith.constant 5 : i32
        %parallel_loop3A_151 = arith.divsi %parallel_loop3A_149, %parallel_loop3A_150 : i32
        %parallel_loop3A_152 = arith.constant 0 : i32
        %parallel_loop3A_153 = arith.cmpi sgt, %parallel_loop3A_149, %parallel_loop3A_152 : i32
        %parallel_loop3A_154 = arith.extui %parallel_loop3A_153 : i1 to i32
        %parallel_loop3A_155 = arith.constant 0 : i32
        %parallel_loop3A_156 = arith.cmpi slt, %parallel_loop3A_149, %parallel_loop3A_155 : i32
        %parallel_loop3A_157 = arith.extui %parallel_loop3A_156 : i1 to i32
        %parallel_loop3A_158 = arith.subi %parallel_loop3A_154, %parallel_loop3A_157 : i32
        %parallel_loop3A_159 = arith.constant 0 : i32
        %parallel_loop3A_160 = arith.cmpi sgt, %parallel_loop3A_150, %parallel_loop3A_159 : i32
        %parallel_loop3A_161 = arith.extui %parallel_loop3A_160 : i1 to i32
        %parallel_loop3A_162 = arith.constant 0 : i32
        %parallel_loop3A_163 = arith.cmpi slt, %parallel_loop3A_150, %parallel_loop3A_162 : i32
        %parallel_loop3A_164 = arith.extui %parallel_loop3A_163 : i1 to i32
        %parallel_loop3A_165 = arith.subi %parallel_loop3A_161, %parallel_loop3A_164 : i32
        %parallel_loop3A_166 = arith.cmpi ne, %parallel_loop3A_158, %parallel_loop3A_165 : i32
        %parallel_loop3A_167 = arith.remsi %parallel_loop3A_149, %parallel_loop3A_150 : i32
        %parallel_loop3A_168 = arith.constant 0 : i32
        %parallel_loop3A_169 = arith.cmpi ne, %parallel_loop3A_167, %parallel_loop3A_168 : i32
        %parallel_loop3A_170 = arith.andi %parallel_loop3A_166, %parallel_loop3A_169 : i1
        %parallel_loop3A_171 = arith.constant 1 : i32
        %parallel_loop3A_172 = arith.subi %parallel_loop3A_151, %parallel_loop3A_171 : i32
        %parallel_loop3A_173 = arith.select %parallel_loop3A_170, %parallel_loop3A_172, %parallel_loop3A_151 : i32
        %parallel_loop3A_174 = arith.constant 5 : i32
        %parallel_loop3A_175 = arith.constant 0 : i32
        %parallel_loop3A_176 = arith.cmpi eq, %parallel_loop3A_174, %parallel_loop3A_175 : i32
        %parallel_loop3A_177 = arith.constant 1 : i32
        %parallel_loop3A_178 = arith.select %parallel_loop3A_176, %parallel_loop3A_177, %parallel_loop3A_174 : i32
        %parallel_loop3A_179 = arith.remsi %parallel_loop3A_149, %parallel_loop3A_178 : i32
        %parallel_loop3A_180 = arith.constant 0 : i32
        %parallel_loop3A_181 = arith.cmpi ne, %parallel_loop3A_179, %parallel_loop3A_180 : i32
        %parallel_loop3A_182 = arith.constant 0 : i32
        %parallel_loop3A_183 = arith.cmpi slt, %parallel_loop3A_179, %parallel_loop3A_182 : i32
        %parallel_loop3A_184 = arith.constant 0 : i32
        %parallel_loop3A_185 = arith.cmpi slt, %parallel_loop3A_178, %parallel_loop3A_184 : i32
        %parallel_loop3A_186 = arith.xori %parallel_loop3A_183, %parallel_loop3A_185 : i1
        %parallel_loop3A_187 = arith.andi %parallel_loop3A_186, %parallel_loop3A_181 : i1
        %parallel_loop3A_188 = arith.addi %parallel_loop3A_179, %parallel_loop3A_178 : i32
        %parallel_loop3A_189 = arith.select %parallel_loop3A_187, %parallel_loop3A_188, %parallel_loop3A_179 : i32
        %parallel_loop3A_190 = arith.constant 0 : i32
        %parallel_loop3A_191 = vector.broadcast %parallel_loop3A_190 : i32 to vector<16xi32>
        %parallel_loop3A_192 = arith.constant 32 : i32
        %parallel_loop3A_193 = arith.muli %parallel_loop3A_189, %parallel_loop3A_192 : i32
        %parallel_loop3A_194 = vector.broadcast %parallel_loop3A_193 : i32 to vector<16xi32>
        %parallel_loop3A_195 = arith.addi %parallel_loop3A_191, %parallel_loop3A_194 : vector<16xi32>
        %parallel_loop3A_196 = arith.constant 16 : i32
        %parallel_loop3A_197 = arith.muli %parallel_loop3A_173, %parallel_loop3A_196 : i32
        %parallel_loop3A_198 = vector.broadcast %parallel_loop3A_197 : i32 to vector<16xi32>
        %parallel_loop3A_199 = arith.addi %parallel_loop3A_195, %parallel_loop3A_198 : vector<16xi32>
        %parallel_loop3A_200 = arith.addi %parallel_loop3A_199, %iota3A : vector<16xi32>
        %parallel_loop3A_201 = arith.constant 0 : i32
        %parallel_loop3A_202 = vector.broadcast %parallel_loop3A_201 : i32 to vector<16xi32>
        %parallel_loop3A_203 = tpu.vector_load_idx %arg15[%parallel_loop3A_200, %parallel_loop3A_202] : memref<160x17xf32, #tpu.memory_space<vmem>>[vector<16xi32>, vector<16xi32>], vector<16xf32>,
        %parallel_loop3A_204 = arith.constant 1 : i32
        %parallel_loop3A_205 = vector.broadcast %parallel_loop3A_204 : i32 to vector<16xi32>
        %parallel_loop3A_206 = tpu.vector_load_idx %arg15[%parallel_loop3A_200, %parallel_loop3A_205] : memref<160x17xf32, #tpu.memory_space<vmem>>[vector<16xi32>, vector<16xi32>], vector<16xf32>,
        %parallel_loop3A_207 = arith.constant 2 : i32
        %parallel_loop3A_208 = vector.broadcast %parallel_loop3A_207 : i32 to vector<16xi32>
        %parallel_loop3A_209 = tpu.vector_load_idx %arg15[%parallel_loop3A_200, %parallel_loop3A_208] : memref<160x17xf32, #tpu.memory_space<vmem>>[vector<16xi32>, vector<16xi32>], vector<16xf32>,
        %parallel_loop3A_210 = arith.constant 3 : i32
        %parallel_loop3A_211 = vector.broadcast %parallel_loop3A_210 : i32 to vector<16xi32>
        %parallel_loop3A_212 = tpu.vector_load_idx %arg15[%parallel_loop3A_200, %parallel_loop3A_211] : memref<160x17xf32, #tpu.memory_space<vmem>>[vector<16xi32>, vector<16xi32>], vector<16xf32>,
        %parallel_loop3A_213 = arith.constant 4 : i32
        %parallel_loop3A_214 = vector.broadcast %parallel_loop3A_213 : i32 to vector<16xi32>
        %parallel_loop3A_215 = tpu.vector_load_idx %arg15[%parallel_loop3A_200, %parallel_loop3A_214] : memref<160x17xf32, #tpu.memory_space<vmem>>[vector<16xi32>, vector<16xi32>], vector<16xf32>,
        %parallel_loop3A_216 = arith.constant 5 : i32
        %parallel_loop3A_217 = vector.broadcast %parallel_loop3A_216 : i32 to vector<16xi32>
        %parallel_loop3A_218 = tpu.vector_load_idx %arg15[%parallel_loop3A_200, %parallel_loop3A_217] : memref<160x17xf32, #tpu.memory_space<vmem>>[vector<16xi32>, vector<16xi32>], vector<16xf32>,
        %parallel_loop3A_219 = arith.constant 6 : i32
        %parallel_loop3A_220 = vector.broadcast %parallel_loop3A_219 : i32 to vector<16xi32>
        %parallel_loop3A_221 = tpu.vector_load_idx %arg15[%parallel_loop3A_200, %parallel_loop3A_220] : memref<160x17xf32, #tpu.memory_space<vmem>>[vector<16xi32>, vector<16xi32>], vector<16xf32>,
        %parallel_loop3A_222 = arith.constant 7 : i32
        %parallel_loop3A_223 = vector.broadcast %parallel_loop3A_222 : i32 to vector<16xi32>
        %parallel_loop3A_224 = tpu.vector_load_idx %arg15[%parallel_loop3A_200, %parallel_loop3A_223] : memref<160x17xf32, #tpu.memory_space<vmem>>[vector<16xi32>, vector<16xi32>], vector<16xf32>,
        %parallel_loop3A_225 = arith.addf %parallel_loop3A_203, %parallel_loop3A_206 : vector<16xf32>
        %parallel_loop3A_226 = arith.addf %parallel_loop3A_209, %parallel_loop3A_212 : vector<16xf32>
        %parallel_loop3A_227 = arith.addf %parallel_loop3A_215, %parallel_loop3A_218 : vector<16xf32>
        %parallel_loop3A_228 = arith.addf %parallel_loop3A_221, %parallel_loop3A_224 : vector<16xf32>
        %parallel_loop3A_229 = arith.addf %parallel_loop3A_225, %parallel_loop3A_226 : vector<16xf32>
        %parallel_loop3A_230 = arith.addf %parallel_loop3A_227, %parallel_loop3A_228 : vector<16xf32>
        %parallel_loop3A_231 = arith.addf %parallel_loop3A_229, %parallel_loop3A_230 : vector<16xf32>
        %parallel_loop3A_232 = arith.constant 16 : i32
        %parallel_loop3A_233 = arith.muli %parallel_loop3A_173, %parallel_loop3A_232 : i32
        %parallel_loop3A_234 = vector.broadcast %parallel_loop3A_233 : i32 to vector<16xi32>
        %parallel_loop3A_235 = arith.addi %parallel_loop3A_234, %iota3A : vector<16xi32>
        %parallel_loop3A_236 = vector.broadcast %parallel_loop3A_189 : i32 to vector<16xi32>
        tpu.vector_store_idx %arg13[%parallel_loop3A_235, %parallel_loop3A_236], %parallel_loop3A_231 : memref<32x5xf32, #tpu.memory_space<vmem>>[vector<16xi32>, vector<16xi32>], vector<16xf32>,
      } {sc.loop_unroll_factor = 2 : i64, sc.parallel_access}
      %mul3A_97 = arith.constant 16 : i32
      %mul3A_98 = arith.muli %add3A, %mul3A_97 : i32
      %add3A_99 = arith.addi %mul3A_98, %add3A_71 : i32
      %mul3A_100 = arith.constant 32 : i32
      %mul3A_101 = arith.muli %add3A_99, %mul3A_100 : i32
      %dma_start3A_102 = arith.constant 0 : i32
      %dma_start3A_103 = tpu.memref_slice %arg6[%mul3A_101, %dma_start3A_102] : memref<16384x5xf32, #tpu.memory_space<hbm>> -> memref<32x5xf32, #tpu.memory_space<hbm>>
      %dma_start3A_104 = arith.constant 0 : i32
      %dma_start3A_105 = tpu.memref_slice %arg6[%mul3A_101, %dma_start3A_104] : memref<16384x5xf32, #tpu.memory_space<hbm>> -> memref<32x5xf32, #tpu.memory_space<hbm>>
      tpu.enqueue_dma source(%arg13 : memref<32x5xf32, #tpu.memory_space<vmem>>) target(%dma_start3A_105 : memref<32x5xf32, #tpu.memory_space<hbm>>) target_semaphore(%arg18 : memref<!tpu.dma_semaphore, #tpu.memory_space<semaphore_mem>>)
      %mul3A_106 = arith.constant 2 : i32
      %mul3A_107 = arith.muli %mul3A_106, %scan3A_67 : i32
      %add3A_108 = arith.constant 1 : i32
      %add3A_109 = arith.addi %mul3A_107, %add3A_108 : i32
      %add3A_110 = arith.constant 1 : i32
      %add3A_111 = arith.addi %add3A_109, %add3A_110 : i32
      %lt3A_112 = arith.constant 16 : i32
      %lt3A_113 = arith.cmpi slt, %add3A_111, %lt3A_112 : i32
      %convert_element_type3A_114 = arith.extui %lt3A_113 : i1 to i32
      %cond3A_115 = arith.constant 0 : i32
      %cond3A_116 = arith.cmpi ne, %convert_element_type3A_114, %cond3A_115 : i32
      scf.if %cond3A_116 {
        %add3A_149 = arith.constant 1 : i32
        %add3A_150 = arith.addi %add3A_109, %add3A_149 : i32
        %mul3A_151 = arith.constant 32 : i32
        %mul3A_152 = arith.muli %add3A_150, %mul3A_151 : i32
        %dma_start3A_153 = tpu.memref_slice %arg7[%mul3A_152] : memref<512xi32, #tpu.memory_space<vmem>> -> memref<32xi32, #tpu.memory_space<vmem>>
        %dma_start3A_154 = arith.constant 0 : i32
        %dma_start3A_155 = arith.constant 0 : i32
        %dma_start3A_156 = tpu.memref_slice %arg4[%dma_start3A_154, %dma_start3A_155] : memref<1000000x128xf32, #tpu.memory_space<hbm>> -> memref<1000000x128xf32, #tpu.memory_space<hbm>>
        tpu.enqueue_indirect_dma source(%dma_start3A_156 : memref<1000000x128xf32, #tpu.memory_space<hbm>>) target(%arg9 : memref<32x128xf32, #tpu.memory_space<vmem>>) offsets(%dma_start3A_153 : memref<32xi32, #tpu.memory_space<vmem>>) semaphore(%arg16 : memref<!tpu.dma_semaphore, #tpu.memory_space<semaphore_mem>>)
        %mul3A_157 = arith.constant 32 : i32
        %mul3A_158 = arith.muli %add3A_150, %mul3A_157 : i32
        %mul3A_159 = arith.constant 5 : i32
        %mul3A_160 = arith.muli %mul3A_158, %mul3A_159 : i32
        %add3A_161 = arith.constant 0 : i32
        %add3A_162 = arith.addi %mul3A_160, %add3A_161 : i32
        %dma_start3A_163 = arith.constant 0 : i32
        %dma_start3A_164 = arith.constant 0 : i32
        %dma_start3A_165 = tpu.memref_slice %arg11[%dma_start3A_163, %dma_start3A_164] : memref<160x128xf32, #tpu.memory_space<vmem>> -> memref<32x128xf32, #tpu.memory_space<vmem>>
        %dma_start3A_166 = tpu.memref_slice %arg8[%add3A_162] : memref<2560xi32, #tpu.memory_space<vmem>> -> memref<32xi32, #tpu.memory_space<vmem>>
        %dma_start3A_167 = arith.constant 0 : i32
        %dma_start3A_168 = arith.constant 0 : i32
        %dma_start3A_169 = tpu.memref_slice %arg5[%dma_start3A_167, %dma_start3A_168] : memref<1000000x128xf32, #tpu.memory_space<hbm>> -> memref<1000000x128xf32, #tpu.memory_space<hbm>>
        tpu.enqueue_indirect_dma source(%dma_start3A_169 : memref<1000000x128xf32, #tpu.memory_space<hbm>>) target(%dma_start3A_165 : memref<32x128xf32, #tpu.memory_space<vmem>>) offsets(%dma_start3A_166 : memref<32xi32, #tpu.memory_space<vmem>>) semaphore(%arg16 : memref<!tpu.dma_semaphore, #tpu.memory_space<semaphore_mem>>)
        %mul3A_170 = arith.constant 32 : i32
        %mul3A_171 = arith.muli %add3A_150, %mul3A_170 : i32
        %mul3A_172 = arith.constant 5 : i32
        %mul3A_173 = arith.muli %mul3A_171, %mul3A_172 : i32
        %add3A_174 = arith.constant 32 : i32
        %add3A_175 = arith.addi %mul3A_173, %add3A_174 : i32
        %dma_start3A_176 = arith.constant 32 : i32
        %dma_start3A_177 = arith.constant 0 : i32
        %dma_start3A_178 = tpu.memref_slice %arg11[%dma_start3A_176, %dma_start3A_177] : memref<160x128xf32, #tpu.memory_space<vmem>> -> memref<32x128xf32, #tpu.memory_space<vmem>>
        %dma_start3A_179 = tpu.memref_slice %arg8[%add3A_175] : memref<2560xi32, #tpu.memory_space<vmem>> -> memref<32xi32, #tpu.memory_space<vmem>>
        %dma_start3A_180 = arith.constant 0 : i32
        %dma_start3A_181 = arith.constant 0 : i32
        %dma_start3A_182 = tpu.memref_slice %arg5[%dma_start3A_180, %dma_start3A_181] : memref<1000000x128xf32, #tpu.memory_space<hbm>> -> memref<1000000x128xf32, #tpu.memory_space<hbm>>
        tpu.enqueue_indirect_dma source(%dma_start3A_182 : memref<1000000x128xf32, #tpu.memory_space<hbm>>) target(%dma_start3A_178 : memref<32x128xf32, #tpu.memory_space<vmem>>) offsets(%dma_start3A_179 : memref<32xi32, #tpu.memory_space<vmem>>) semaphore(%arg16 : memref<!tpu.dma_semaphore, #tpu.memory_space<semaphore_mem>>)
        %mul3A_183 = arith.constant 32 : i32
        %mul3A_184 = arith.muli %add3A_150, %mul3A_183 : i32
        %mul3A_185 = arith.constant 5 : i32
        %mul3A_186 = arith.muli %mul3A_184, %mul3A_185 : i32
        %add3A_187 = arith.constant 64 : i32
        %add3A_188 = arith.addi %mul3A_186, %add3A_187 : i32
        %dma_start3A_189 = arith.constant 64 : i32
        %dma_start3A_190 = arith.constant 0 : i32
        %dma_start3A_191 = tpu.memref_slice %arg11[%dma_start3A_189, %dma_start3A_190] : memref<160x128xf32, #tpu.memory_space<vmem>> -> memref<32x128xf32, #tpu.memory_space<vmem>>
        %dma_start3A_192 = tpu.memref_slice %arg8[%add3A_188] : memref<2560xi32, #tpu.memory_space<vmem>> -> memref<32xi32, #tpu.memory_space<vmem>>
        %dma_start3A_193 = arith.constant 0 : i32
        %dma_start3A_194 = arith.constant 0 : i32
        %dma_start3A_195 = tpu.memref_slice %arg5[%dma_start3A_193, %dma_start3A_194] : memref<1000000x128xf32, #tpu.memory_space<hbm>> -> memref<1000000x128xf32, #tpu.memory_space<hbm>>
        tpu.enqueue_indirect_dma source(%dma_start3A_195 : memref<1000000x128xf32, #tpu.memory_space<hbm>>) target(%dma_start3A_191 : memref<32x128xf32, #tpu.memory_space<vmem>>) offsets(%dma_start3A_192 : memref<32xi32, #tpu.memory_space<vmem>>) semaphore(%arg16 : memref<!tpu.dma_semaphore, #tpu.memory_space<semaphore_mem>>)
        %mul3A_196 = arith.constant 32 : i32
        %mul3A_197 = arith.muli %add3A_150, %mul3A_196 : i32
        %mul3A_198 = arith.constant 5 : i32
        %mul3A_199 = arith.muli %mul3A_197, %mul3A_198 : i32
        %add3A_200 = arith.constant 96 : i32
        %add3A_201 = arith.addi %mul3A_199, %add3A_200 : i32
        %dma_start3A_202 = arith.constant 96 : i32
        %dma_start3A_203 = arith.constant 0 : i32
        %dma_start3A_204 = tpu.memref_slice %arg11[%dma_start3A_202, %dma_start3A_203] : memref<160x128xf32, #tpu.memory_space<vmem>> -> memref<32x128xf32, #tpu.memory_space<vmem>>
        %dma_start3A_205 = tpu.memref_slice %arg8[%add3A_201] : memref<2560xi32, #tpu.memory_space<vmem>> -> memref<32xi32, #tpu.memory_space<vmem>>
        %dma_start3A_206 = arith.constant 0 : i32
        %dma_start3A_207 = arith.constant 0 : i32
        %dma_start3A_208 = tpu.memref_slice %arg5[%dma_start3A_206, %dma_start3A_207] : memref<1000000x128xf32, #tpu.memory_space<hbm>> -> memref<1000000x128xf32, #tpu.memory_space<hbm>>
        tpu.enqueue_indirect_dma source(%dma_start3A_208 : memref<1000000x128xf32, #tpu.memory_space<hbm>>) target(%dma_start3A_204 : memref<32x128xf32, #tpu.memory_space<vmem>>) offsets(%dma_start3A_205 : memref<32xi32, #tpu.memory_space<vmem>>) semaphore(%arg16 : memref<!tpu.dma_semaphore, #tpu.memory_space<semaphore_mem>>)
        %mul3A_209 = arith.constant 32 : i32
        %mul3A_210 = arith.muli %add3A_150, %mul3A_209 : i32
        %mul3A_211 = arith.constant 5 : i32
        %mul3A_212 = arith.muli %mul3A_210, %mul3A_211 : i32
        %add3A_213 = arith.constant 128 : i32
        %add3A_214 = arith.addi %mul3A_212, %add3A_213 : i32
        %dma_start3A_215 = arith.constant 128 : i32
        %dma_start3A_216 = arith.constant 0 : i32
        %dma_start3A_217 = tpu.memref_slice %arg11[%dma_start3A_215, %dma_start3A_216] : memref<160x128xf32, #tpu.memory_space<vmem>> -> memref<32x128xf32, #tpu.memory_space<vmem>>
        %dma_start3A_218 = tpu.memref_slice %arg8[%add3A_214] : memref<2560xi32, #tpu.memory_space<vmem>> -> memref<32xi32, #tpu.memory_space<vmem>>
        %dma_start3A_219 = arith.constant 0 : i32
        %dma_start3A_220 = arith.constant 0 : i32
        %dma_start3A_221 = tpu.memref_slice %arg5[%dma_start3A_219, %dma_start3A_220] : memref<1000000x128xf32, #tpu.memory_space<hbm>> -> memref<1000000x128xf32, #tpu.memory_space<hbm>>
        tpu.enqueue_indirect_dma source(%dma_start3A_221 : memref<1000000x128xf32, #tpu.memory_space<hbm>>) target(%dma_start3A_217 : memref<32x128xf32, #tpu.memory_space<vmem>>) offsets(%dma_start3A_218 : memref<32xi32, #tpu.memory_space<vmem>>) semaphore(%arg16 : memref<!tpu.dma_semaphore, #tpu.memory_space<semaphore_mem>>)
      } else {
      }
      %dma_wait3A_117 = arith.constant 0 : i32
      %dma_wait3A_118 = arith.constant 0 : i32
      %dma_wait3A_119 = tpu.memref_slice %arg4[%dma_wait3A_117, %dma_wait3A_118] : memref<1000000x128xf32, #tpu.memory_space<hbm>> -> memref<32x128xf32, #tpu.memory_space<hbm>>
      %dma_wait3A_120 = arith.constant 0 : i32
      %dma_wait3A_121 = arith.constant 0 : i32
      %dma_wait3A_122 = tpu.memref_slice %arg4[%dma_wait3A_120, %dma_wait3A_121] : memref<1000000x128xf32, #tpu.memory_space<hbm>> -> memref<32x128xf32, #tpu.memory_space<hbm>>
      tpu.wait_dma2 semaphore(%arg17 : memref<!tpu.dma_semaphore, #tpu.memory_space<semaphore_mem>>) src(%dma_wait3A_122 : memref<32x128xf32, #tpu.memory_space<hbm>>) dst(%arg10 : memref<32x128xf32, #tpu.memory_space<vmem>>)
      %dma_wait3A_123 = arith.constant 0 : i32
      %dma_wait3A_124 = arith.constant 0 : i32
      %dma_wait3A_125 = tpu.memref_slice %arg5[%dma_wait3A_123, %dma_wait3A_124] : memref<1000000x128xf32, #tpu.memory_space<hbm>> -> memref<160x128xf32, #tpu.memory_space<hbm>>
      %dma_wait3A_126 = arith.constant 0 : i32
      %dma_wait3A_127 = arith.constant 0 : i32
      %dma_wait3A_128 = tpu.memref_slice %arg5[%dma_wait3A_126, %dma_wait3A_127] : memref<1000000x128xf32, #tpu.memory_space<hbm>> -> memref<160x128xf32, #tpu.memory_space<hbm>>
      tpu.wait_dma2 semaphore(%arg17 : memref<!tpu.dma_semaphore, #tpu.memory_space<semaphore_mem>>) src(%dma_wait3A_128 : memref<160x128xf32, #tpu.memory_space<hbm>>) dst(%arg12 : memref<160x128xf32, #tpu.memory_space<vmem>>)
      %ge3A_129 = arith.constant 2 : i32
      %ge3A_130 = arith.cmpi sge, %add3A_109, %ge3A_129 : i32
      %convert_element_type3A_131 = arith.extui %ge3A_130 : i1 to i32
      %cond3A_132 = arith.constant 0 : i32
      %cond3A_133 = arith.cmpi ne, %convert_element_type3A_131, %cond3A_132 : i32
      scf.if %cond3A_133 {
        %dma_wait3A_149 = arith.constant 0 : i32
        %dma_wait3A_150 = arith.constant 0 : i32
        %dma_wait3A_151 = tpu.memref_slice %arg6[%dma_wait3A_149, %dma_wait3A_150] : memref<16384x5xf32, #tpu.memory_space<hbm>> -> memref<32x5xf32, #tpu.memory_space<hbm>>
        %dma_wait3A_152 = arith.constant 0 : i32
        %dma_wait3A_153 = arith.constant 0 : i32
        %dma_wait3A_154 = tpu.memref_slice %arg6[%dma_wait3A_152, %dma_wait3A_153] : memref<16384x5xf32, #tpu.memory_space<hbm>> -> memref<32x5xf32, #tpu.memory_space<hbm>>
        tpu.wait_dma2 semaphore(%arg18 : memref<!tpu.dma_semaphore, #tpu.memory_space<semaphore_mem>>) src(%arg14 : memref<32x5xf32, #tpu.memory_space<vmem>>) dst(%dma_wait3A_154 : memref<32x5xf32, #tpu.memory_space<hbm>>)
      } else {
      }
      %parallel_loop3A_134 = arith.constant 0 : i32
      %parallel_loop3A_135 = arith.constant 32 : i32
      %parallel_loop3A_136 = arith.constant 1 : i32
      scf.for %parallel_loop3A_149 = %parallel_loop3A_134 to %parallel_loop3A_135 step %parallel_loop3A_136  : i32 {
        %parallel_loop3A_150 = arith.index_cast %parallel_loop3A_149 : i32 to index
        %parallel_loop3A_151 = arith.constant 0 : index
        %parallel_loop3A_152 = tpu.vector_load %arg10[%parallel_loop3A_150, %parallel_loop3A_151] {strides = array<i32>} : memref<32x128xf32, #tpu.memory_space<vmem>>, vector<16xf32>,
        %parallel_loop3A_153 = arith.index_cast %parallel_loop3A_149 : i32 to index
        %parallel_loop3A_154 = arith.constant 16 : index
        %parallel_loop3A_155 = tpu.vector_load %arg10[%parallel_loop3A_153, %parallel_loop3A_154] {strides = array<i32>} : memref<32x128xf32, #tpu.memory_space<vmem>>, vector<16xf32>,
        %parallel_loop3A_156 = arith.index_cast %parallel_loop3A_149 : i32 to index
        %parallel_loop3A_157 = arith.constant 32 : index
        %parallel_loop3A_158 = tpu.vector_load %arg10[%parallel_loop3A_156, %parallel_loop3A_157] {strides = array<i32>} : memref<32x128xf32, #tpu.memory_space<vmem>>, vector<16xf32>,
        %parallel_loop3A_159 = arith.index_cast %parallel_loop3A_149 : i32 to index
        %parallel_loop3A_160 = arith.constant 48 : index
        %parallel_loop3A_161 = tpu.vector_load %arg10[%parallel_loop3A_159, %parallel_loop3A_160] {strides = array<i32>} : memref<32x128xf32, #tpu.memory_space<vmem>>, vector<16xf32>,
        %parallel_loop3A_162 = arith.index_cast %parallel_loop3A_149 : i32 to index
        %parallel_loop3A_163 = arith.constant 64 : index
        %parallel_loop3A_164 = tpu.vector_load %arg10[%parallel_loop3A_162, %parallel_loop3A_163] {strides = array<i32>} : memref<32x128xf32, #tpu.memory_space<vmem>>, vector<16xf32>,
        %parallel_loop3A_165 = arith.index_cast %parallel_loop3A_149 : i32 to index
        %parallel_loop3A_166 = arith.constant 80 : index
        %parallel_loop3A_167 = tpu.vector_load %arg10[%parallel_loop3A_165, %parallel_loop3A_166] {strides = array<i32>} : memref<32x128xf32, #tpu.memory_space<vmem>>, vector<16xf32>,
        %parallel_loop3A_168 = arith.index_cast %parallel_loop3A_149 : i32 to index
        %parallel_loop3A_169 = arith.constant 96 : index
        %parallel_loop3A_170 = tpu.vector_load %arg10[%parallel_loop3A_168, %parallel_loop3A_169] {strides = array<i32>} : memref<32x128xf32, #tpu.memory_space<vmem>>, vector<16xf32>,
        %parallel_loop3A_171 = arith.index_cast %parallel_loop3A_149 : i32 to index
        %parallel_loop3A_172 = arith.constant 112 : index
        %parallel_loop3A_173 = tpu.vector_load %arg10[%parallel_loop3A_171, %parallel_loop3A_172] {strides = array<i32>} : memref<32x128xf32, #tpu.memory_space<vmem>>, vector<16xf32>,
        %parallel_loop3A_174 = arith.constant 5 : i32
        %parallel_loop3A_175 = arith.muli %parallel_loop3A_149, %parallel_loop3A_174 : i32
        %parallel_loop3A_176 = arith.constant 0 : i32
        %parallel_loop3A_177 = arith.addi %parallel_loop3A_175, %parallel_loop3A_176 : i32
        %parallel_loop3A_178 = arith.index_cast %parallel_loop3A_177 : i32 to index
        %parallel_loop3A_179 = arith.constant 0 : index
        %parallel_loop3A_180 = tpu.vector_load %arg12[%parallel_loop3A_178, %parallel_loop3A_179] {strides = array<i32>} : memref<160x128xf32, #tpu.memory_space<vmem>>, vector<16xf32>,
        %parallel_loop3A_181 = arith.mulf %parallel_loop3A_152, %parallel_loop3A_180 : vector<16xf32>
        %parallel_loop3A_182 = arith.index_cast %parallel_loop3A_177 : i32 to index
        %parallel_loop3A_183 = arith.constant 16 : index
        %parallel_loop3A_184 = tpu.vector_load %arg12[%parallel_loop3A_182, %parallel_loop3A_183] {strides = array<i32>} : memref<160x128xf32, #tpu.memory_space<vmem>>, vector<16xf32>,
        %parallel_loop3A_185 = arith.mulf %parallel_loop3A_155, %parallel_loop3A_184 : vector<16xf32>
        %parallel_loop3A_186 = arith.index_cast %parallel_loop3A_177 : i32 to index
        %parallel_loop3A_187 = arith.constant 32 : index
        %parallel_loop3A_188 = tpu.vector_load %arg12[%parallel_loop3A_186, %parallel_loop3A_187] {strides = array<i32>} : memref<160x128xf32, #tpu.memory_space<vmem>>, vector<16xf32>,
        %parallel_loop3A_189 = arith.mulf %parallel_loop3A_158, %parallel_loop3A_188 : vector<16xf32>
        %parallel_loop3A_190 = arith.addf %parallel_loop3A_181, %parallel_loop3A_189 : vector<16xf32>
        %parallel_loop3A_191 = arith.index_cast %parallel_loop3A_177 : i32 to index
        %parallel_loop3A_192 = arith.constant 48 : index
        %parallel_loop3A_193 = tpu.vector_load %arg12[%parallel_loop3A_191, %parallel_loop3A_192] {strides = array<i32>} : memref<160x128xf32, #tpu.memory_space<vmem>>, vector<16xf32>,
        %parallel_loop3A_194 = arith.mulf %parallel_loop3A_161, %parallel_loop3A_193 : vector<16xf32>
        %parallel_loop3A_195 = arith.addf %parallel_loop3A_185, %parallel_loop3A_194 : vector<16xf32>
        %parallel_loop3A_196 = arith.index_cast %parallel_loop3A_177 : i32 to index
        %parallel_loop3A_197 = arith.constant 64 : index
        %parallel_loop3A_198 = tpu.vector_load %arg12[%parallel_loop3A_196, %parallel_loop3A_197] {strides = array<i32>} : memref<160x128xf32, #tpu.memory_space<vmem>>, vector<16xf32>,
        %parallel_loop3A_199 = arith.mulf %parallel_loop3A_164, %parallel_loop3A_198 : vector<16xf32>
        %parallel_loop3A_200 = arith.addf %parallel_loop3A_190, %parallel_loop3A_199 : vector<16xf32>
        %parallel_loop3A_201 = arith.index_cast %parallel_loop3A_177 : i32 to index
        %parallel_loop3A_202 = arith.constant 80 : index
        %parallel_loop3A_203 = tpu.vector_load %arg12[%parallel_loop3A_201, %parallel_loop3A_202] {strides = array<i32>} : memref<160x128xf32, #tpu.memory_space<vmem>>, vector<16xf32>,
        %parallel_loop3A_204 = arith.mulf %parallel_loop3A_167, %parallel_loop3A_203 : vector<16xf32>
        %parallel_loop3A_205 = arith.addf %parallel_loop3A_195, %parallel_loop3A_204 : vector<16xf32>
        %parallel_loop3A_206 = arith.index_cast %parallel_loop3A_177 : i32 to index
        %parallel_loop3A_207 = arith.constant 96 : index
        %parallel_loop3A_208 = tpu.vector_load %arg12[%parallel_loop3A_206, %parallel_loop3A_207] {strides = array<i32>} : memref<160x128xf32, #tpu.memory_space<vmem>>, vector<16xf32>,
        %parallel_loop3A_209 = arith.mulf %parallel_loop3A_170, %parallel_loop3A_208 : vector<16xf32>
        %parallel_loop3A_210 = arith.addf %parallel_loop3A_200, %parallel_loop3A_209 : vector<16xf32>
        %parallel_loop3A_211 = arith.index_cast %parallel_loop3A_177 : i32 to index
        %parallel_loop3A_212 = arith.constant 112 : index
        %parallel_loop3A_213 = tpu.vector_load %arg12[%parallel_loop3A_211, %parallel_loop3A_212] {strides = array<i32>} : memref<160x128xf32, #tpu.memory_space<vmem>>, vector<16xf32>,
        %parallel_loop3A_214 = arith.mulf %parallel_loop3A_173, %parallel_loop3A_213 : vector<16xf32>
        %parallel_loop3A_215 = arith.addf %parallel_loop3A_205, %parallel_loop3A_214 : vector<16xf32>
        %parallel_loop3A_216 = arith.addf %parallel_loop3A_210, %parallel_loop3A_215 : vector<16xf32>
        %parallel_loop3A_217 = arith.constant 15 : i32
        %parallel_loop3A_218 = vector.broadcast %parallel_loop3A_217 : i32 to vector<16xi32>
        %parallel_loop3A_219 = tpu.iota {dimensions = array<i32: 0>} : vector<16xi32>
        %parallel_loop3A_220 = arith.subi %parallel_loop3A_218, %parallel_loop3A_219 : vector<16xi32>
        %parallel_loop3A_221 = tpu.dynamic_gather %parallel_loop3A_216[%parallel_loop3A_220] in [0] : vector<16xf32>, vector<16xi32> -> vector<16xf32>
        %parallel_loop3A_222 = arith.addf %parallel_loop3A_216, %parallel_loop3A_221 : vector<16xf32>
        %parallel_loop3A_223 = arith.constant 0 : i32
        %parallel_loop3A_224 = arith.addi %parallel_loop3A_223, %parallel_loop3A_149 : i32
        %parallel_loop3A_225 = arith.index_cast %parallel_loop3A_224 : i32 to index
        %parallel_loop3A_226 = arith.constant 0 : index
        %parallel_loop3A_227 = tpu.vector_load %arg15[%parallel_loop3A_225, %parallel_loop3A_226] {strides = array<i32>} : memref<160x17xf32, #tpu.memory_space<vmem>>, vector<16xf32>,
        tpu.vector_store %arg15[%parallel_loop3A_225, %parallel_loop3A_226], %parallel_loop3A_222 {strides = array<i32>} : memref<160x17xf32, #tpu.memory_space<vmem>>, vector<16xf32>,
        %parallel_loop3A_228 = arith.constant 5 : i32
        %parallel_loop3A_229 = arith.muli %parallel_loop3A_149, %parallel_loop3A_228 : i32
        %parallel_loop3A_230 = arith.constant 1 : i32
        %parallel_loop3A_231 = arith.addi %parallel_loop3A_229, %parallel_loop3A_230 : i32
        %parallel_loop3A_232 = arith.index_cast %parallel_loop3A_231 : i32 to index
        %parallel_loop3A_233 = arith.constant 0 : index
        %parallel_loop3A_234 = tpu.vector_load %arg12[%parallel_loop3A_232, %parallel_loop3A_233] {strides = array<i32>} : memref<160x128xf32, #tpu.memory_space<vmem>>, vector<16xf32>,
        %parallel_loop3A_235 = arith.mulf %parallel_loop3A_152, %parallel_loop3A_234 : vector<16xf32>
        %parallel_loop3A_236 = arith.index_cast %parallel_loop3A_231 : i32 to index
        %parallel_loop3A_237 = arith.constant 16 : index
        %parallel_loop3A_238 = tpu.vector_load %arg12[%parallel_loop3A_236, %parallel_loop3A_237] {strides = array<i32>} : memref<160x128xf32, #tpu.memory_space<vmem>>, vector<16xf32>,
        %parallel_loop3A_239 = arith.mulf %parallel_loop3A_155, %parallel_loop3A_238 : vector<16xf32>
        %parallel_loop3A_240 = arith.index_cast %parallel_loop3A_231 : i32 to index
        %parallel_loop3A_241 = arith.constant 32 : index
        %parallel_loop3A_242 = tpu.vector_load %arg12[%parallel_loop3A_240, %parallel_loop3A_241] {strides = array<i32>} : memref<160x128xf32, #tpu.memory_space<vmem>>, vector<16xf32>,
        %parallel_loop3A_243 = arith.mulf %parallel_loop3A_158, %parallel_loop3A_242 : vector<16xf32>
        %parallel_loop3A_244 = arith.addf %parallel_loop3A_235, %parallel_loop3A_243 : vector<16xf32>
        %parallel_loop3A_245 = arith.index_cast %parallel_loop3A_231 : i32 to index
        %parallel_loop3A_246 = arith.constant 48 : index
        %parallel_loop3A_247 = tpu.vector_load %arg12[%parallel_loop3A_245, %parallel_loop3A_246] {strides = array<i32>} : memref<160x128xf32, #tpu.memory_space<vmem>>, vector<16xf32>,
        %parallel_loop3A_248 = arith.mulf %parallel_loop3A_161, %parallel_loop3A_247 : vector<16xf32>
        %parallel_loop3A_249 = arith.addf %parallel_loop3A_239, %parallel_loop3A_248 : vector<16xf32>
        %parallel_loop3A_250 = arith.index_cast %parallel_loop3A_231 : i32 to index
        %parallel_loop3A_251 = arith.constant 64 : index
        %parallel_loop3A_252 = tpu.vector_load %arg12[%parallel_loop3A_250, %parallel_loop3A_251] {strides = array<i32>} : memref<160x128xf32, #tpu.memory_space<vmem>>, vector<16xf32>,
        %parallel_loop3A_253 = arith.mulf %parallel_loop3A_164, %parallel_loop3A_252 : vector<16xf32>
        %parallel_loop3A_254 = arith.addf %parallel_loop3A_244, %parallel_loop3A_253 : vector<16xf32>
        %parallel_loop3A_255 = arith.index_cast %parallel_loop3A_231 : i32 to index
        %parallel_loop3A_256 = arith.constant 80 : index
        %parallel_loop3A_257 = tpu.vector_load %arg12[%parallel_loop3A_255, %parallel_loop3A_256] {strides = array<i32>} : memref<160x128xf32, #tpu.memory_space<vmem>>, vector<16xf32>,
        %parallel_loop3A_258 = arith.mulf %parallel_loop3A_167, %parallel_loop3A_257 : vector<16xf32>
        %parallel_loop3A_259 = arith.addf %parallel_loop3A_249, %parallel_loop3A_258 : vector<16xf32>
        %parallel_loop3A_260 = arith.index_cast %parallel_loop3A_231 : i32 to index
        %parallel_loop3A_261 = arith.constant 96 : index
        %parallel_loop3A_262 = tpu.vector_load %arg12[%parallel_loop3A_260, %parallel_loop3A_261] {strides = array<i32>} : memref<160x128xf32, #tpu.memory_space<vmem>>, vector<16xf32>,
        %parallel_loop3A_263 = arith.mulf %parallel_loop3A_170, %parallel_loop3A_262 : vector<16xf32>
        %parallel_loop3A_264 = arith.addf %parallel_loop3A_254, %parallel_loop3A_263 : vector<16xf32>
        %parallel_loop3A_265 = arith.index_cast %parallel_loop3A_231 : i32 to index
        %parallel_loop3A_266 = arith.constant 112 : index
        %parallel_loop3A_267 = tpu.vector_load %arg12[%parallel_loop3A_265, %parallel_loop3A_266] {strides = array<i32>} : memref<160x128xf32, #tpu.memory_space<vmem>>, vector<16xf32>,
        %parallel_loop3A_268 = arith.mulf %parallel_loop3A_173, %parallel_loop3A_267 : vector<16xf32>
        %parallel_loop3A_269 = arith.addf %parallel_loop3A_259, %parallel_loop3A_268 : vector<16xf32>
        %parallel_loop3A_270 = arith.addf %parallel_loop3A_264, %parallel_loop3A_269 : vector<16xf32>
        %parallel_loop3A_271 = arith.constant 15 : i32
        %parallel_loop3A_272 = vector.broadcast %parallel_loop3A_271 : i32 to vector<16xi32>
        %parallel_loop3A_273 = tpu.iota {dimensions = array<i32: 0>} : vector<16xi32>
        %parallel_loop3A_274 = arith.subi %parallel_loop3A_272, %parallel_loop3A_273 : vector<16xi32>
        %parallel_loop3A_275 = tpu.dynamic_gather %parallel_loop3A_270[%parallel_loop3A_274] in [0] : vector<16xf32>, vector<16xi32> -> vector<16xf32>
        %parallel_loop3A_276 = arith.addf %parallel_loop3A_270, %parallel_loop3A_275 : vector<16xf32>
        %parallel_loop3A_277 = arith.constant 32 : i32
        %parallel_loop3A_278 = arith.addi %parallel_loop3A_277, %parallel_loop3A_149 : i32
        %parallel_loop3A_279 = arith.index_cast %parallel_loop3A_278 : i32 to index
        %parallel_loop3A_280 = arith.constant 0 : index
        %parallel_loop3A_281 = tpu.vector_load %arg15[%parallel_loop3A_279, %parallel_loop3A_280] {strides = array<i32>} : memref<160x17xf32, #tpu.memory_space<vmem>>, vector<16xf32>,
        tpu.vector_store %arg15[%parallel_loop3A_279, %parallel_loop3A_280], %parallel_loop3A_276 {strides = array<i32>} : memref<160x17xf32, #tpu.memory_space<vmem>>, vector<16xf32>,
        %parallel_loop3A_282 = arith.constant 5 : i32
        %parallel_loop3A_283 = arith.muli %parallel_loop3A_149, %parallel_loop3A_282 : i32
        %parallel_loop3A_284 = arith.constant 2 : i32
        %parallel_loop3A_285 = arith.addi %parallel_loop3A_283, %parallel_loop3A_284 : i32
        %parallel_loop3A_286 = arith.index_cast %parallel_loop3A_285 : i32 to index
        %parallel_loop3A_287 = arith.constant 0 : index
        %parallel_loop3A_288 = tpu.vector_load %arg12[%parallel_loop3A_286, %parallel_loop3A_287] {strides = array<i32>} : memref<160x128xf32, #tpu.memory_space<vmem>>, vector<16xf32>,
        %parallel_loop3A_289 = arith.mulf %parallel_loop3A_152, %parallel_loop3A_288 : vector<16xf32>
        %parallel_loop3A_290 = arith.index_cast %parallel_loop3A_285 : i32 to index
        %parallel_loop3A_291 = arith.constant 16 : index
        %parallel_loop3A_292 = tpu.vector_load %arg12[%parallel_loop3A_290, %parallel_loop3A_291] {strides = array<i32>} : memref<160x128xf32, #tpu.memory_space<vmem>>, vector<16xf32>,
        %parallel_loop3A_293 = arith.mulf %parallel_loop3A_155, %parallel_loop3A_292 : vector<16xf32>
        %parallel_loop3A_294 = arith.index_cast %parallel_loop3A_285 : i32 to index
        %parallel_loop3A_295 = arith.constant 32 : index
        %parallel_loop3A_296 = tpu.vector_load %arg12[%parallel_loop3A_294, %parallel_loop3A_295] {strides = array<i32>} : memref<160x128xf32, #tpu.memory_space<vmem>>, vector<16xf32>,
        %parallel_loop3A_297 = arith.mulf %parallel_loop3A_158, %parallel_loop3A_296 : vector<16xf32>
        %parallel_loop3A_298 = arith.addf %parallel_loop3A_289, %parallel_loop3A_297 : vector<16xf32>
        %parallel_loop3A_299 = arith.index_cast %parallel_loop3A_285 : i32 to index
        %parallel_loop3A_300 = arith.constant 48 : index
        %parallel_loop3A_301 = tpu.vector_load %arg12[%parallel_loop3A_299, %parallel_loop3A_300] {strides = array<i32>} : memref<160x128xf32, #tpu.memory_space<vmem>>, vector<16xf32>,
        %parallel_loop3A_302 = arith.mulf %parallel_loop3A_161, %parallel_loop3A_301 : vector<16xf32>
        %parallel_loop3A_303 = arith.addf %parallel_loop3A_293, %parallel_loop3A_302 : vector<16xf32>
        %parallel_loop3A_304 = arith.index_cast %parallel_loop3A_285 : i32 to index
        %parallel_loop3A_305 = arith.constant 64 : index
        %parallel_loop3A_306 = tpu.vector_load %arg12[%parallel_loop3A_304, %parallel_loop3A_305] {strides = array<i32>} : memref<160x128xf32, #tpu.memory_space<vmem>>, vector<16xf32>,
        %parallel_loop3A_307 = arith.mulf %parallel_loop3A_164, %parallel_loop3A_306 : vector<16xf32>
        %parallel_loop3A_308 = arith.addf %parallel_loop3A_298, %parallel_loop3A_307 : vector<16xf32>
        %parallel_loop3A_309 = arith.index_cast %parallel_loop3A_285 : i32 to index
        %parallel_loop3A_310 = arith.constant 80 : index
        %parallel_loop3A_311 = tpu.vector_load %arg12[%parallel_loop3A_309, %parallel_loop3A_310] {strides = array<i32>} : memref<160x128xf32, #tpu.memory_space<vmem>>, vector<16xf32>,
        %parallel_loop3A_312 = arith.mulf %parallel_loop3A_167, %parallel_loop3A_311 : vector<16xf32>
        %parallel_loop3A_313 = arith.addf %parallel_loop3A_303, %parallel_loop3A_312 : vector<16xf32>
        %parallel_loop3A_314 = arith.index_cast %parallel_loop3A_285 : i32 to index
        %parallel_loop3A_315 = arith.constant 96 : index
        %parallel_loop3A_316 = tpu.vector_load %arg12[%parallel_loop3A_314, %parallel_loop3A_315] {strides = array<i32>} : memref<160x128xf32, #tpu.memory_space<vmem>>, vector<16xf32>,
        %parallel_loop3A_317 = arith.mulf %parallel_loop3A_170, %parallel_loop3A_316 : vector<16xf32>
        %parallel_loop3A_318 = arith.addf %parallel_loop3A_308, %parallel_loop3A_317 : vector<16xf32>
        %parallel_loop3A_319 = arith.index_cast %parallel_loop3A_285 : i32 to index
        %parallel_loop3A_320 = arith.constant 112 : index
        %parallel_loop3A_321 = tpu.vector_load %arg12[%parallel_loop3A_319, %parallel_loop3A_320] {strides = array<i32>} : memref<160x128xf32, #tpu.memory_space<vmem>>, vector<16xf32>,
        %parallel_loop3A_322 = arith.mulf %parallel_loop3A_173, %parallel_loop3A_321 : vector<16xf32>
        %parallel_loop3A_323 = arith.addf %parallel_loop3A_313, %parallel_loop3A_322 : vector<16xf32>
        %parallel_loop3A_324 = arith.addf %parallel_loop3A_318, %parallel_loop3A_323 : vector<16xf32>
        %parallel_loop3A_325 = arith.constant 15 : i32
        %parallel_loop3A_326 = vector.broadcast %parallel_loop3A_325 : i32 to vector<16xi32>
        %parallel_loop3A_327 = tpu.iota {dimensions = array<i32: 0>} : vector<16xi32>
        %parallel_loop3A_328 = arith.subi %parallel_loop3A_326, %parallel_loop3A_327 : vector<16xi32>
        %parallel_loop3A_329 = tpu.dynamic_gather %parallel_loop3A_324[%parallel_loop3A_328] in [0] : vector<16xf32>, vector<16xi32> -> vector<16xf32>
        %parallel_loop3A_330 = arith.addf %parallel_loop3A_324, %parallel_loop3A_329 : vector<16xf32>
        %parallel_loop3A_331 = arith.constant 64 : i32
        %parallel_loop3A_332 = arith.addi %parallel_loop3A_331, %parallel_loop3A_149 : i32
        %parallel_loop3A_333 = arith.index_cast %parallel_loop3A_332 : i32 to index
        %parallel_loop3A_334 = arith.constant 0 : index
        %parallel_loop3A_335 = tpu.vector_load %arg15[%parallel_loop3A_333, %parallel_loop3A_334] {strides = array<i32>} : memref<160x17xf32, #tpu.memory_space<vmem>>, vector<16xf32>,
        tpu.vector_store %arg15[%parallel_loop3A_333, %parallel_loop3A_334], %parallel_loop3A_330 {strides = array<i32>} : memref<160x17xf32, #tpu.memory_space<vmem>>, vector<16xf32>,
        %parallel_loop3A_336 = arith.constant 5 : i32
        %parallel_loop3A_337 = arith.muli %parallel_loop3A_149, %parallel_loop3A_336 : i32
        %parallel_loop3A_338 = arith.constant 3 : i32
        %parallel_loop3A_339 = arith.addi %parallel_loop3A_337, %parallel_loop3A_338 : i32
        %parallel_loop3A_340 = arith.index_cast %parallel_loop3A_339 : i32 to index
        %parallel_loop3A_341 = arith.constant 0 : index
        %parallel_loop3A_342 = tpu.vector_load %arg12[%parallel_loop3A_340, %parallel_loop3A_341] {strides = array<i32>} : memref<160x128xf32, #tpu.memory_space<vmem>>, vector<16xf32>,
        %parallel_loop3A_343 = arith.mulf %parallel_loop3A_152, %parallel_loop3A_342 : vector<16xf32>
        %parallel_loop3A_344 = arith.index_cast %parallel_loop3A_339 : i32 to index
        %parallel_loop3A_345 = arith.constant 16 : index
        %parallel_loop3A_346 = tpu.vector_load %arg12[%parallel_loop3A_344, %parallel_loop3A_345] {strides = array<i32>} : memref<160x128xf32, #tpu.memory_space<vmem>>, vector<16xf32>,
        %parallel_loop3A_347 = arith.mulf %parallel_loop3A_155, %parallel_loop3A_346 : vector<16xf32>
        %parallel_loop3A_348 = arith.index_cast %parallel_loop3A_339 : i32 to index
        %parallel_loop3A_349 = arith.constant 32 : index
        %parallel_loop3A_350 = tpu.vector_load %arg12[%parallel_loop3A_348, %parallel_loop3A_349] {strides = array<i32>} : memref<160x128xf32, #tpu.memory_space<vmem>>, vector<16xf32>,
        %parallel_loop3A_351 = arith.mulf %parallel_loop3A_158, %parallel_loop3A_350 : vector<16xf32>
        %parallel_loop3A_352 = arith.addf %parallel_loop3A_343, %parallel_loop3A_351 : vector<16xf32>
        %parallel_loop3A_353 = arith.index_cast %parallel_loop3A_339 : i32 to index
        %parallel_loop3A_354 = arith.constant 48 : index
        %parallel_loop3A_355 = tpu.vector_load %arg12[%parallel_loop3A_353, %parallel_loop3A_354] {strides = array<i32>} : memref<160x128xf32, #tpu.memory_space<vmem>>, vector<16xf32>,
        %parallel_loop3A_356 = arith.mulf %parallel_loop3A_161, %parallel_loop3A_355 : vector<16xf32>
        %parallel_loop3A_357 = arith.addf %parallel_loop3A_347, %parallel_loop3A_356 : vector<16xf32>
        %parallel_loop3A_358 = arith.index_cast %parallel_loop3A_339 : i32 to index
        %parallel_loop3A_359 = arith.constant 64 : index
        %parallel_loop3A_360 = tpu.vector_load %arg12[%parallel_loop3A_358, %parallel_loop3A_359] {strides = array<i32>} : memref<160x128xf32, #tpu.memory_space<vmem>>, vector<16xf32>,
        %parallel_loop3A_361 = arith.mulf %parallel_loop3A_164, %parallel_loop3A_360 : vector<16xf32>
        %parallel_loop3A_362 = arith.addf %parallel_loop3A_352, %parallel_loop3A_361 : vector<16xf32>
        %parallel_loop3A_363 = arith.index_cast %parallel_loop3A_339 : i32 to index
        %parallel_loop3A_364 = arith.constant 80 : index
        %parallel_loop3A_365 = tpu.vector_load %arg12[%parallel_loop3A_363, %parallel_loop3A_364] {strides = array<i32>} : memref<160x128xf32, #tpu.memory_space<vmem>>, vector<16xf32>,
        %parallel_loop3A_366 = arith.mulf %parallel_loop3A_167, %parallel_loop3A_365 : vector<16xf32>
        %parallel_loop3A_367 = arith.addf %parallel_loop3A_357, %parallel_loop3A_366 : vector<16xf32>
        %parallel_loop3A_368 = arith.index_cast %parallel_loop3A_339 : i32 to index
        %parallel_loop3A_369 = arith.constant 96 : index
        %parallel_loop3A_370 = tpu.vector_load %arg12[%parallel_loop3A_368, %parallel_loop3A_369] {strides = array<i32>} : memref<160x128xf32, #tpu.memory_space<vmem>>, vector<16xf32>,
        %parallel_loop3A_371 = arith.mulf %parallel_loop3A_170, %parallel_loop3A_370 : vector<16xf32>
        %parallel_loop3A_372 = arith.addf %parallel_loop3A_362, %parallel_loop3A_371 : vector<16xf32>
        %parallel_loop3A_373 = arith.index_cast %parallel_loop3A_339 : i32 to index
        %parallel_loop3A_374 = arith.constant 112 : index
        %parallel_loop3A_375 = tpu.vector_load %arg12[%parallel_loop3A_373, %parallel_loop3A_374] {strides = array<i32>} : memref<160x128xf32, #tpu.memory_space<vmem>>, vector<16xf32>,
        %parallel_loop3A_376 = arith.mulf %parallel_loop3A_173, %parallel_loop3A_375 : vector<16xf32>
        %parallel_loop3A_377 = arith.addf %parallel_loop3A_367, %parallel_loop3A_376 : vector<16xf32>
        %parallel_loop3A_378 = arith.addf %parallel_loop3A_372, %parallel_loop3A_377 : vector<16xf32>
        %parallel_loop3A_379 = arith.constant 15 : i32
        %parallel_loop3A_380 = vector.broadcast %parallel_loop3A_379 : i32 to vector<16xi32>
        %parallel_loop3A_381 = tpu.iota {dimensions = array<i32: 0>} : vector<16xi32>
        %parallel_loop3A_382 = arith.subi %parallel_loop3A_380, %parallel_loop3A_381 : vector<16xi32>
        %parallel_loop3A_383 = tpu.dynamic_gather %parallel_loop3A_378[%parallel_loop3A_382] in [0] : vector<16xf32>, vector<16xi32> -> vector<16xf32>
        %parallel_loop3A_384 = arith.addf %parallel_loop3A_378, %parallel_loop3A_383 : vector<16xf32>
        %parallel_loop3A_385 = arith.constant 96 : i32
        %parallel_loop3A_386 = arith.addi %parallel_loop3A_385, %parallel_loop3A_149 : i32
        %parallel_loop3A_387 = arith.index_cast %parallel_loop3A_386 : i32 to index
        %parallel_loop3A_388 = arith.constant 0 : index
        %parallel_loop3A_389 = tpu.vector_load %arg15[%parallel_loop3A_387, %parallel_loop3A_388] {strides = array<i32>} : memref<160x17xf32, #tpu.memory_space<vmem>>, vector<16xf32>,
        tpu.vector_store %arg15[%parallel_loop3A_387, %parallel_loop3A_388], %parallel_loop3A_384 {strides = array<i32>} : memref<160x17xf32, #tpu.memory_space<vmem>>, vector<16xf32>,
        %parallel_loop3A_390 = arith.constant 5 : i32
        %parallel_loop3A_391 = arith.muli %parallel_loop3A_149, %parallel_loop3A_390 : i32
        %parallel_loop3A_392 = arith.constant 4 : i32
        %parallel_loop3A_393 = arith.addi %parallel_loop3A_391, %parallel_loop3A_392 : i32
        %parallel_loop3A_394 = arith.index_cast %parallel_loop3A_393 : i32 to index
        %parallel_loop3A_395 = arith.constant 0 : index
        %parallel_loop3A_396 = tpu.vector_load %arg12[%parallel_loop3A_394, %parallel_loop3A_395] {strides = array<i32>} : memref<160x128xf32, #tpu.memory_space<vmem>>, vector<16xf32>,
        %parallel_loop3A_397 = arith.mulf %parallel_loop3A_152, %parallel_loop3A_396 : vector<16xf32>
        %parallel_loop3A_398 = arith.index_cast %parallel_loop3A_393 : i32 to index
        %parallel_loop3A_399 = arith.constant 16 : index
        %parallel_loop3A_400 = tpu.vector_load %arg12[%parallel_loop3A_398, %parallel_loop3A_399] {strides = array<i32>} : memref<160x128xf32, #tpu.memory_space<vmem>>, vector<16xf32>,
        %parallel_loop3A_401 = arith.mulf %parallel_loop3A_155, %parallel_loop3A_400 : vector<16xf32>
        %parallel_loop3A_402 = arith.index_cast %parallel_loop3A_393 : i32 to index
        %parallel_loop3A_403 = arith.constant 32 : index
        %parallel_loop3A_404 = tpu.vector_load %arg12[%parallel_loop3A_402, %parallel_loop3A_403] {strides = array<i32>} : memref<160x128xf32, #tpu.memory_space<vmem>>, vector<16xf32>,
        %parallel_loop3A_405 = arith.mulf %parallel_loop3A_158, %parallel_loop3A_404 : vector<16xf32>
        %parallel_loop3A_406 = arith.addf %parallel_loop3A_397, %parallel_loop3A_405 : vector<16xf32>
        %parallel_loop3A_407 = arith.index_cast %parallel_loop3A_393 : i32 to index
        %parallel_loop3A_408 = arith.constant 48 : index
        %parallel_loop3A_409 = tpu.vector_load %arg12[%parallel_loop3A_407, %parallel_loop3A_408] {strides = array<i32>} : memref<160x128xf32, #tpu.memory_space<vmem>>, vector<16xf32>,
        %parallel_loop3A_410 = arith.mulf %parallel_loop3A_161, %parallel_loop3A_409 : vector<16xf32>
        %parallel_loop3A_411 = arith.addf %parallel_loop3A_401, %parallel_loop3A_410 : vector<16xf32>
        %parallel_loop3A_412 = arith.index_cast %parallel_loop3A_393 : i32 to index
        %parallel_loop3A_413 = arith.constant 64 : index
        %parallel_loop3A_414 = tpu.vector_load %arg12[%parallel_loop3A_412, %parallel_loop3A_413] {strides = array<i32>} : memref<160x128xf32, #tpu.memory_space<vmem>>, vector<16xf32>,
        %parallel_loop3A_415 = arith.mulf %parallel_loop3A_164, %parallel_loop3A_414 : vector<16xf32>
        %parallel_loop3A_416 = arith.addf %parallel_loop3A_406, %parallel_loop3A_415 : vector<16xf32>
        %parallel_loop3A_417 = arith.index_cast %parallel_loop3A_393 : i32 to index
        %parallel_loop3A_418 = arith.constant 80 : index
        %parallel_loop3A_419 = tpu.vector_load %arg12[%parallel_loop3A_417, %parallel_loop3A_418] {strides = array<i32>} : memref<160x128xf32, #tpu.memory_space<vmem>>, vector<16xf32>,
        %parallel_loop3A_420 = arith.mulf %parallel_loop3A_167, %parallel_loop3A_419 : vector<16xf32>
        %parallel_loop3A_421 = arith.addf %parallel_loop3A_411, %parallel_loop3A_420 : vector<16xf32>
        %parallel_loop3A_422 = arith.index_cast %parallel_loop3A_393 : i32 to index
        %parallel_loop3A_423 = arith.constant 96 : index
        %parallel_loop3A_424 = tpu.vector_load %arg12[%parallel_loop3A_422, %parallel_loop3A_423] {strides = array<i32>} : memref<160x128xf32, #tpu.memory_space<vmem>>, vector<16xf32>,
        %parallel_loop3A_425 = arith.mulf %parallel_loop3A_170, %parallel_loop3A_424 : vector<16xf32>
        %parallel_loop3A_426 = arith.addf %parallel_loop3A_416, %parallel_loop3A_425 : vector<16xf32>
        %parallel_loop3A_427 = arith.index_cast %parallel_loop3A_393 : i32 to index
        %parallel_loop3A_428 = arith.constant 112 : index
        %parallel_loop3A_429 = tpu.vector_load %arg12[%parallel_loop3A_427, %parallel_loop3A_428] {strides = array<i32>} : memref<160x128xf32, #tpu.memory_space<vmem>>, vector<16xf32>,
        %parallel_loop3A_430 = arith.mulf %parallel_loop3A_173, %parallel_loop3A_429 : vector<16xf32>
        %parallel_loop3A_431 = arith.addf %parallel_loop3A_421, %parallel_loop3A_430 : vector<16xf32>
        %parallel_loop3A_432 = arith.addf %parallel_loop3A_426, %parallel_loop3A_431 : vector<16xf32>
        %parallel_loop3A_433 = arith.constant 15 : i32
        %parallel_loop3A_434 = vector.broadcast %parallel_loop3A_433 : i32 to vector<16xi32>
        %parallel_loop3A_435 = tpu.iota {dimensions = array<i32: 0>} : vector<16xi32>
        %parallel_loop3A_436 = arith.subi %parallel_loop3A_434, %parallel_loop3A_435 : vector<16xi32>
        %parallel_loop3A_437 = tpu.dynamic_gather %parallel_loop3A_432[%parallel_loop3A_436] in [0] : vector<16xf32>, vector<16xi32> -> vector<16xf32>
        %parallel_loop3A_438 = arith.addf %parallel_loop3A_432, %parallel_loop3A_437 : vector<16xf32>
        %parallel_loop3A_439 = arith.constant 128 : i32
        %parallel_loop3A_440 = arith.addi %parallel_loop3A_439, %parallel_loop3A_149 : i32
        %parallel_loop3A_441 = arith.index_cast %parallel_loop3A_440 : i32 to index
        %parallel_loop3A_442 = arith.constant 0 : index
        %parallel_loop3A_443 = tpu.vector_load %arg15[%parallel_loop3A_441, %parallel_loop3A_442] {strides = array<i32>} : memref<160x17xf32, #tpu.memory_space<vmem>>, vector<16xf32>,
        tpu.vector_store %arg15[%parallel_loop3A_441, %parallel_loop3A_442], %parallel_loop3A_438 {strides = array<i32>} : memref<160x17xf32, #tpu.memory_space<vmem>>, vector<16xf32>,
      } {sc.loop_unroll_factor = 2 : i64, sc.parallel_access}
      %parallel_loop3A_137 = arith.constant 0 : i32
      %parallel_loop3A_138 = arith.constant 10 : i32
      %parallel_loop3A_139 = arith.constant 1 : i32
      scf.for %parallel_loop3A_149 = %parallel_loop3A_137 to %parallel_loop3A_138 step %parallel_loop3A_139  : i32 {
        %parallel_loop3A_150 = arith.constant 5 : i32
        %parallel_loop3A_151 = arith.divsi %parallel_loop3A_149, %parallel_loop3A_150 : i32
        %parallel_loop3A_152 = arith.constant 0 : i32
        %parallel_loop3A_153 = arith.cmpi sgt, %parallel_loop3A_149, %parallel_loop3A_152 : i32
        %parallel_loop3A_154 = arith.extui %parallel_loop3A_153 : i1 to i32
        %parallel_loop3A_155 = arith.constant 0 : i32
        %parallel_loop3A_156 = arith.cmpi slt, %parallel_loop3A_149, %parallel_loop3A_155 : i32
        %parallel_loop3A_157 = arith.extui %parallel_loop3A_156 : i1 to i32
        %parallel_loop3A_158 = arith.subi %parallel_loop3A_154, %parallel_loop3A_157 : i32
        %parallel_loop3A_159 = arith.constant 0 : i32
        %parallel_loop3A_160 = arith.cmpi sgt, %parallel_loop3A_150, %parallel_loop3A_159 : i32
        %parallel_loop3A_161 = arith.extui %parallel_loop3A_160 : i1 to i32
        %parallel_loop3A_162 = arith.constant 0 : i32
        %parallel_loop3A_163 = arith.cmpi slt, %parallel_loop3A_150, %parallel_loop3A_162 : i32
        %parallel_loop3A_164 = arith.extui %parallel_loop3A_163 : i1 to i32
        %parallel_loop3A_165 = arith.subi %parallel_loop3A_161, %parallel_loop3A_164 : i32
        %parallel_loop3A_166 = arith.cmpi ne, %parallel_loop3A_158, %parallel_loop3A_165 : i32
        %parallel_loop3A_167 = arith.remsi %parallel_loop3A_149, %parallel_loop3A_150 : i32
        %parallel_loop3A_168 = arith.constant 0 : i32
        %parallel_loop3A_169 = arith.cmpi ne, %parallel_loop3A_167, %parallel_loop3A_168 : i32
        %parallel_loop3A_170 = arith.andi %parallel_loop3A_166, %parallel_loop3A_169 : i1
        %parallel_loop3A_171 = arith.constant 1 : i32
        %parallel_loop3A_172 = arith.subi %parallel_loop3A_151, %parallel_loop3A_171 : i32
        %parallel_loop3A_173 = arith.select %parallel_loop3A_170, %parallel_loop3A_172, %parallel_loop3A_151 : i32
        %parallel_loop3A_174 = arith.constant 5 : i32
        %parallel_loop3A_175 = arith.constant 0 : i32
        %parallel_loop3A_176 = arith.cmpi eq, %parallel_loop3A_174, %parallel_loop3A_175 : i32
        %parallel_loop3A_177 = arith.constant 1 : i32
        %parallel_loop3A_178 = arith.select %parallel_loop3A_176, %parallel_loop3A_177, %parallel_loop3A_174 : i32
        %parallel_loop3A_179 = arith.remsi %parallel_loop3A_149, %parallel_loop3A_178 : i32
        %parallel_loop3A_180 = arith.constant 0 : i32
        %parallel_loop3A_181 = arith.cmpi ne, %parallel_loop3A_179, %parallel_loop3A_180 : i32
        %parallel_loop3A_182 = arith.constant 0 : i32
        %parallel_loop3A_183 = arith.cmpi slt, %parallel_loop3A_179, %parallel_loop3A_182 : i32
        %parallel_loop3A_184 = arith.constant 0 : i32
        %parallel_loop3A_185 = arith.cmpi slt, %parallel_loop3A_178, %parallel_loop3A_184 : i32
        %parallel_loop3A_186 = arith.xori %parallel_loop3A_183, %parallel_loop3A_185 : i1
        %parallel_loop3A_187 = arith.andi %parallel_loop3A_186, %parallel_loop3A_181 : i1
        %parallel_loop3A_188 = arith.addi %parallel_loop3A_179, %parallel_loop3A_178 : i32
        %parallel_loop3A_189 = arith.select %parallel_loop3A_187, %parallel_loop3A_188, %parallel_loop3A_179 : i32
        %parallel_loop3A_190 = arith.constant 0 : i32
        %parallel_loop3A_191 = vector.broadcast %parallel_loop3A_190 : i32 to vector<16xi32>
        %parallel_loop3A_192 = arith.constant 32 : i32
        %parallel_loop3A_193 = arith.muli %parallel_loop3A_189, %parallel_loop3A_192 : i32
        %parallel_loop3A_194 = vector.broadcast %parallel_loop3A_193 : i32 to vector<16xi32>
        %parallel_loop3A_195 = arith.addi %parallel_loop3A_191, %parallel_loop3A_194 : vector<16xi32>
        %parallel_loop3A_196 = arith.constant 16 : i32
        %parallel_loop3A_197 = arith.muli %parallel_loop3A_173, %parallel_loop3A_196 : i32
        %parallel_loop3A_198 = vector.broadcast %parallel_loop3A_197 : i32 to vector<16xi32>
        %parallel_loop3A_199 = arith.addi %parallel_loop3A_195, %parallel_loop3A_198 : vector<16xi32>
        %parallel_loop3A_200 = arith.addi %parallel_loop3A_199, %iota3A : vector<16xi32>
        %parallel_loop3A_201 = arith.constant 0 : i32
        %parallel_loop3A_202 = vector.broadcast %parallel_loop3A_201 : i32 to vector<16xi32>
        %parallel_loop3A_203 = tpu.vector_load_idx %arg15[%parallel_loop3A_200, %parallel_loop3A_202] : memref<160x17xf32, #tpu.memory_space<vmem>>[vector<16xi32>, vector<16xi32>], vector<16xf32>,
        %parallel_loop3A_204 = arith.constant 1 : i32
        %parallel_loop3A_205 = vector.broadcast %parallel_loop3A_204 : i32 to vector<16xi32>
        %parallel_loop3A_206 = tpu.vector_load_idx %arg15[%parallel_loop3A_200, %parallel_loop3A_205] : memref<160x17xf32, #tpu.memory_space<vmem>>[vector<16xi32>, vector<16xi32>], vector<16xf32>,
        %parallel_loop3A_207 = arith.constant 2 : i32
        %parallel_loop3A_208 = vector.broadcast %parallel_loop3A_207 : i32 to vector<16xi32>
        %parallel_loop3A_209 = tpu.vector_load_idx %arg15[%parallel_loop3A_200, %parallel_loop3A_208] : memref<160x17xf32, #tpu.memory_space<vmem>>[vector<16xi32>, vector<16xi32>], vector<16xf32>,
        %parallel_loop3A_210 = arith.constant 3 : i32
        %parallel_loop3A_211 = vector.broadcast %parallel_loop3A_210 : i32 to vector<16xi32>
        %parallel_loop3A_212 = tpu.vector_load_idx %arg15[%parallel_loop3A_200, %parallel_loop3A_211] : memref<160x17xf32, #tpu.memory_space<vmem>>[vector<16xi32>, vector<16xi32>], vector<16xf32>,
        %parallel_loop3A_213 = arith.constant 4 : i32
        %parallel_loop3A_214 = vector.broadcast %parallel_loop3A_213 : i32 to vector<16xi32>
        %parallel_loop3A_215 = tpu.vector_load_idx %arg15[%parallel_loop3A_200, %parallel_loop3A_214] : memref<160x17xf32, #tpu.memory_space<vmem>>[vector<16xi32>, vector<16xi32>], vector<16xf32>,
        %parallel_loop3A_216 = arith.constant 5 : i32
        %parallel_loop3A_217 = vector.broadcast %parallel_loop3A_216 : i32 to vector<16xi32>
        %parallel_loop3A_218 = tpu.vector_load_idx %arg15[%parallel_loop3A_200, %parallel_loop3A_217] : memref<160x17xf32, #tpu.memory_space<vmem>>[vector<16xi32>, vector<16xi32>], vector<16xf32>,
        %parallel_loop3A_219 = arith.constant 6 : i32
        %parallel_loop3A_220 = vector.broadcast %parallel_loop3A_219 : i32 to vector<16xi32>
        %parallel_loop3A_221 = tpu.vector_load_idx %arg15[%parallel_loop3A_200, %parallel_loop3A_220] : memref<160x17xf32, #tpu.memory_space<vmem>>[vector<16xi32>, vector<16xi32>], vector<16xf32>,
        %parallel_loop3A_222 = arith.constant 7 : i32
        %parallel_loop3A_223 = vector.broadcast %parallel_loop3A_222 : i32 to vector<16xi32>
        %parallel_loop3A_224 = tpu.vector_load_idx %arg15[%parallel_loop3A_200, %parallel_loop3A_223] : memref<160x17xf32, #tpu.memory_space<vmem>>[vector<16xi32>, vector<16xi32>], vector<16xf32>,
        %parallel_loop3A_225 = arith.addf %parallel_loop3A_203, %parallel_loop3A_206 : vector<16xf32>
        %parallel_loop3A_226 = arith.addf %parallel_loop3A_209, %parallel_loop3A_212 : vector<16xf32>
        %parallel_loop3A_227 = arith.addf %parallel_loop3A_215, %parallel_loop3A_218 : vector<16xf32>
        %parallel_loop3A_228 = arith.addf %parallel_loop3A_221, %parallel_loop3A_224 : vector<16xf32>
        %parallel_loop3A_229 = arith.addf %parallel_loop3A_225, %parallel_loop3A_226 : vector<16xf32>
        %parallel_loop3A_230 = arith.addf %parallel_loop3A_227, %parallel_loop3A_228 : vector<16xf32>
        %parallel_loop3A_231 = arith.addf %parallel_loop3A_229, %parallel_loop3A_230 : vector<16xf32>
        %parallel_loop3A_232 = arith.constant 16 : i32
        %parallel_loop3A_233 = arith.muli %parallel_loop3A_173, %parallel_loop3A_232 : i32
        %parallel_loop3A_234 = vector.broadcast %parallel_loop3A_233 : i32 to vector<16xi32>
        %parallel_loop3A_235 = arith.addi %parallel_loop3A_234, %iota3A : vector<16xi32>
        %parallel_loop3A_236 = vector.broadcast %parallel_loop3A_189 : i32 to vector<16xi32>
        tpu.vector_store_idx %arg14[%parallel_loop3A_235, %parallel_loop3A_236], %parallel_loop3A_231 : memref<32x5xf32, #tpu.memory_space<vmem>>[vector<16xi32>, vector<16xi32>], vector<16xf32>,
      } {sc.loop_unroll_factor = 2 : i64, sc.parallel_access}
      %mul3A_140 = arith.constant 16 : i32
      %mul3A_141 = arith.muli %add3A, %mul3A_140 : i32
      %add3A_142 = arith.addi %mul3A_141, %add3A_109 : i32
      %mul3A_143 = arith.constant 32 : i32
      %mul3A_144 = arith.muli %add3A_142, %mul3A_143 : i32
      %dma_start3A_145 = arith.constant 0 : i32
      %dma_start3A_146 = tpu.memref_slice %arg6[%mul3A_144, %dma_start3A_145] : memref<16384x5xf32, #tpu.memory_space<hbm>> -> memref<32x5xf32, #tpu.memory_space<hbm>>
      %dma_start3A_147 = arith.constant 0 : i32
      %dma_start3A_148 = tpu.memref_slice %arg6[%mul3A_144, %dma_start3A_147] : memref<16384x5xf32, #tpu.memory_space<hbm>> -> memref<32x5xf32, #tpu.memory_space<hbm>>
      tpu.enqueue_dma source(%arg14 : memref<32x5xf32, #tpu.memory_space<vmem>>) target(%dma_start3A_148 : memref<32x5xf32, #tpu.memory_space<hbm>>) target_semaphore(%arg18 : memref<!tpu.dma_semaphore, #tpu.memory_space<semaphore_mem>>)
    }
    %scan3A_55 = arith.constant 8 : i32
    %dma_wait3A = arith.constant 0 : i32
    %dma_wait3A_56 = arith.constant 0 : i32
    %dma_wait3A_57 = tpu.memref_slice %arg6[%dma_wait3A, %dma_wait3A_56] : memref<16384x5xf32, #tpu.memory_space<hbm>> -> memref<32x5xf32, #tpu.memory_space<hbm>>
    %dma_wait3A_58 = arith.constant 0 : i32
    %dma_wait3A_59 = arith.constant 0 : i32
    %dma_wait3A_60 = tpu.memref_slice %arg6[%dma_wait3A_58, %dma_wait3A_59] : memref<16384x5xf32, #tpu.memory_space<hbm>> -> memref<32x5xf32, #tpu.memory_space<hbm>>
    tpu.wait_dma2 semaphore(%arg18 : memref<!tpu.dma_semaphore, #tpu.memory_space<semaphore_mem>>) src(%arg13 : memref<32x5xf32, #tpu.memory_space<vmem>>) dst(%dma_wait3A_60 : memref<32x5xf32, #tpu.memory_space<hbm>>)
    %dma_wait3A_61 = arith.constant 0 : i32
    %dma_wait3A_62 = arith.constant 0 : i32
    %dma_wait3A_63 = tpu.memref_slice %arg6[%dma_wait3A_61, %dma_wait3A_62] : memref<16384x5xf32, #tpu.memory_space<hbm>> -> memref<32x5xf32, #tpu.memory_space<hbm>>
    %dma_wait3A_64 = arith.constant 0 : i32
    %dma_wait3A_65 = arith.constant 0 : i32
    %dma_wait3A_66 = tpu.memref_slice %arg6[%dma_wait3A_64, %dma_wait3A_65] : memref<16384x5xf32, #tpu.memory_space<hbm>> -> memref<32x5xf32, #tpu.memory_space<hbm>>
    tpu.wait_dma2 semaphore(%arg18 : memref<!tpu.dma_semaphore, #tpu.memory_space<semaphore_mem>>) src(%arg14 : memref<32x5xf32, #tpu.memory_space<vmem>>) dst(%dma_wait3A_66 : memref<32x5xf32, #tpu.memory_space<hbm>>)
    return
  }
}

</mosaic_0001>

<sc_bundles>
// kernel: kernel.3.cloned.1.call-start
scs
__scs_entry_jumppad:
0x0: {  	(pc) =	sbr.rel $0x88, $3  }
0x1: {  	(tag) =	ssettag $0x0;
	lr =	simm.s32 $0x1  }
0x2: {  	[smem:$0x3F9D] =	sst lr;
	_ =	strace $0xD0000000  }
0x3: {  	_ = 	snop  }
0x4: {  	_ = 	snop  }
0x5: {  	_ = 	snop  }
0x6: {  	_ = 	snop  }
0x7: {  	_ = 	snop  }
__scs_overlays_trampoline_lowered:
0x8: {  	[smem:$0x3FAC] =	sst s0  }
0x9: {  	[smem:$0x3FAD] =	sst s1  }
0xa: {  	[smem:$0x3FAE] =	sst s2  }
0xb: {  	[smem:$0x3FAF] =	sst s3  }
0xc: {  	[smem:$0x3FB0] =	sst s4  }
0xd: {  	[smem:$0x3FB1] =	sst s5  }
0xe: {  	[smem:$0x3FB2] =	sst s6  }
0xf: {  	[smem:$0x3FB3] =	sst s7  }
0x10: {  	[smem:$0x3FB4] =	sst s8  }
0x11: {  	[smem:$0x3FB5] =	sst s9;
	s0 =	simm.s32 @!p0 $0x0  }
0x12: {  	s1 =	sld [smem:$0x3F9B];
	s0 =	simm.s32 @p0 $0x1  }
0x13: {  	[smem:$0x3FB6] =	sst s0;
	s0 =	simm.s32 @!p1 $0x0  }
0x14: {  	s2 =	sld [smem:$0x3F9A];
	s0 =	simm.s32 @p1 $0x1  }
0x15: {  	[smem:$0x3FB7] =	sst s0;
	s0 =	simm.s32 @!p2 $0x0  }
0x16: {  	s3 =	sld [smem:$0x3FDB];
	s0 =	simm.s32 @p2 $0x1  }
0x17: {  	s4 =	simm.s32 $0x1BF5;
	[smem:$0x3FB9] =	sst s0  }
0x18: {  	s0 =	sld [smem:$0x3F9C];
	_ =	swait.ge [sflag:s4], $0x0  }
0x19: {  	s7 =	sld [smem:$0x3F9D]  }
0x1a: {  	s8 =	sadd.s32 $0xFFFFE003, lr  }
0x1b: {  	s9 =	sadd.s32 $0xFFFFFEF7, lr;
	s5 =	simm.s32 $0xFFFFFFFF;
	p2 =	slt.u32 s8, $0xFFFFF086  }
0x1c: {  	p1 =	slt.u32 s9, $0xF7A;
	s5 =	simm.s32 @!p2 $0x0  }
0x1d: {  	s5 =	simm.s32 @p1 $0x1;
	p0 =	seq.s32 s7, s2  }
0x1e: {  	s7 =	smul.u32 @!p0 $0xF7A, s2;
	p2 =	seq.s32 @!p0 s5, $0x0  }
0x1f: {  	s9 =	smul.u32 $0xF7A, s1;
	s8 =	simm.s32 @!p0 $0x1BF5;
	p2 =	por !p2, p0  }
0x20: {  	[sflag:s8] =	ssyncset.s32 @!p0 $0xFFFFF086;
	s6 =	sadd.s32 @!p0 s3, s7;
	s7 =	simm.s32 @!p0 $0x108  }
0x21: {  	s3 =	sadd.s32 s3, s9;
	s6 =	sadd.s32 @!p0 $0x88, s6;
	s7 =	simm.s32 @p2 $0x1082  }
0x22: {  	[simem:s7], [sflag:s8] =	dma.local @!p0 [hbm:s6], $0xF7A  }
0x23: {  	s9 =	sor.u32 $0xD0000000, s2;
	s6 =	simm.s32 $0x108;
	_ =	swait.ge @!p0 [sflag:s8], $0x0  }
0x24: {  	s3 =	sadd.s32 $0x88, s3;
	s6 =	simm.s32 @!p1 $0x1082;
	[sflag:s4] =	ssyncset.s32 $0xFFFFF086  }
0x25: {  	[simem:s6], [sflag:s4] =	dma.local [hbm:s3], $0xF7A  }
0x26: {  	[smem:$0x3F9D] =	sst s1;
	(tag) =	ssettag s2;
	_ =	strace s9  }
0x27: {  	s1 =	sld [smem:$0x3FAD]  }
0x28: {  	s2 =	sld [smem:$0x3FAE]  }
0x29: {  	s4 =	sld [smem:$0x3FB0]  }
0x2a: {  	p0 =	seq.s32 s5, $0x0;
	s5 =	sld [smem:$0x3FB1]  }
0x2b: {  	s6 =	sld [smem:$0x3FB2]  }
0x2c: {  	s7 =	sld [smem:$0x3FB3]  }
0x2d: {  	s3 =	simm.s32 $0x108;
	s8 =	sld [smem:$0x3FB4]  }
0x2e: {  	s3 =	simm.s32 @!p0 $0x1082;
	s9 =	sld [smem:$0x3FB5]  }
0x2f: {  	lr =	sadd.s32 s0, s3;
	s0 =	sld [smem:$0x3FAC]  }
0x30: {  	s3 =	sld [smem:$0x3FAF]  }
0x31: {  	[smem:$0x3FB8] =	sst s10  }
0x32: {  	s10 =	sld [smem:$0x3FB6];
	_ =	sdelay $0x3  }
0x33: {  	p0 =	seq.s32 s10, $0x1;
	s10 =	sld [smem:$0x3FB8];
	_ =	sdelay $0x3  }
0x34: {  	[smem:$0x3FB8] =	sst s10  }
0x35: {  	s10 =	sld [smem:$0x3FB7];
	_ =	sdelay $0x3  }
0x36: {  	p1 =	seq.s32 s10, $0x1;
	s10 =	sld [smem:$0x3FB8];
	_ =	sdelay $0x3  }
0x37: {  	[smem:$0x3FB8] =	sst s10  }
0x38: {  	s10 =	sld [smem:$0x3FB9]  }
0x39: {  	_ = 	snop;
	(pc) =	sbr.ind lr, $3  }
0x3a: {  	_ = 	snop  }
0x3b: {  	_ = 	snop  }
0x3c: {  	p2 =	seq.s32 s10, $0x1;
	s10 =	sld [smem:$0x3FB8]  }
0x3d: {  	_ =	shalt  }
0x3e: {  	_ =	shalt  }
0x3f: {  	_ =	shalt  }
0x40: {  	_ =	shalt  }
0x41: {  	_ =	shalt  }
0x42: {  	_ =	shalt  }
0x43: {  	_ =	shalt  }
0x44: {  	_ =	shalt  }
0x45: {  	_ =	shalt  }
0x46: {  	_ =	shalt  }
0x47: {  	_ =	shalt  }
0x48: {  	_ =	shalt  }
0x49: {  	_ =	shalt  }
0x4a: {  	_ =	shalt  }
0x4b: {  	_ =	shalt  }
0x4c: {  	_ =	shalt  }
0x4d: {  	_ =	shalt  }
0x4e: {  	_ =	shalt  }
0x4f: {  	_ =	shalt  }
0x50: {  	_ =	shalt  }
0x51: {  	_ =	shalt  }
0x52: {  	_ =	shalt  }
0x53: {  	_ =	shalt  }
0x54: {  	_ =	shalt  }
0x55: {  	_ =	shalt  }
0x56: {  	_ =	shalt  }
0x57: {  	_ =	shalt  }
0x58: {  	_ =	shalt  }
0x59: {  	_ =	shalt  }
0x5a: {  	_ =	shalt  }
0x5b: {  	_ =	shalt  }
0x5c: {  	_ =	shalt  }
0x5d: {  	_ =	shalt  }
0x5e: {  	_ =	shalt  }
0x5f: {  	_ =	shalt  }
0x60: {  	_ =	shalt  }
0x61: {  	_ =	shalt  }
0x62: {  	_ =	shalt  }
0x63: {  	_ =	shalt  }
0x64: {  	_ =	shalt  }
0x65: {  	_ =	shalt  }
0x66: {  	_ =	shalt  }
0x67: {  	_ =	shalt  }
0x68: {  	_ =	shalt  }
0x69: {  	_ =	shalt  }
0x6a: {  	_ =	shalt  }
0x6b: {  	_ =	shalt  }
0x6c: {  	_ =	shalt  }
0x6d: {  	_ =	shalt  }
0x6e: {  	_ =	shalt  }
0x6f: {  	_ =	shalt  }
0x70: {  	_ =	shalt  }
0x71: {  	_ =	shalt  }
0x72: {  	_ =	shalt  }
0x73: {  	_ =	shalt  }
0x74: {  	_ =	shalt  }
0x75: {  	_ =	shalt  }
0x76: {  	_ =	shalt  }
0x77: {  	_ =	shalt  }
0x78: {  	_ =	shalt  }
0x79: {  	_ =	shalt  }
0x7a: {  	_ =	shalt  }
0x7b: {  	_ =	shalt  }
0x7c: {  	_ =	shalt  }
0x7d: {  	_ =	shalt  }
0x7e: {  	_ =	shalt  }
0x7f: {  	_ =	shalt  }
0x80: {  	_ =	shalt  }
0x81: {  	_ =	shalt  }
0x82: {  	_ =	shalt  }
0x83: {  	_ =	shalt  }
0x84: {  	_ =	shalt  }
0x85: {  	_ =	shalt  }
0x86: {  	_ =	shalt  }
0x87: {  	_ =	shalt  }
.Lfunc_end0:
.L_simem_size_0:
called_computation_lowered:
.L_overlay_start_0:
0x88: {  	s2 =	sld [smem:$0x3FD9]  }
0x89: {  	s3 =	sld [smem:$0x3FFE];
	_ =	sdelay $0x1  }
0x8a: {  	s1 =	srdreg.scid  }
0x8b: {  	s0 =	sand.u32 $0x1, s1  }
0x8c: {  	s17 =	sshll.u32 s0, $0xA;
	s2 =	sadd.s32 s3, s2  }
0x8d: {  	s2 =	sadd.s32 s2, s17  }
0x8e: {  	[smem:$0x3FC4] =	sst s2  }
0x8f: {  	_ = 	snop  }
0x90: {  	s2 =	sld [smem:$0x3FC9]  }
0x91: {  	s18 =	sld [smem:$0x3FC7]  }
0x92: {  	s4 =	sld [smem:$0x3FC6]  }
0x93: {  	s5 =	sld [smem:$0x3FD0];
	(tm) =	ssettm $0x1  }
0x94: {  	s6 =	sld [smem:$0x3FFB];
	_ =	sdelay $0x3  }
0x95: {  	_ =	strace s6  }
0x96: {  	s6 =	sld [smem:$0x3FFC];
	_ =	sdelay $0x3  }
0x97: {  	_ =	strace s6  }
0x98: {  	s6 =	sld [smem:$0x3FFD];
	_ =	sdelay $0x3  }
0x99: {  	_ =	strace s6  }
0x9a: {  	_ =	strace $0x8FFFFFFF  }
0x9b: {  	s19 =	sld [smem:$0x3FDB];
	_ =	sdelay $0x1  }
0x9c: {  	s7 =	simm.s32 $_scs_section_size  }
0x9d: {  	s8 =	simm.s32 $_size__tile_overlayer_lowered;
	s9 =	simm.s32 $_tile_overlayer_lowered  }
0x9e: {  	s22 =	simm.s32 $0x1BFF;
	s21 =	sshll.u32 s9, $0x1;
	s6 =	sadd.s32 s7, s19  }
0x9f: {  	s10 =	simm.s32 $0x0;
	s20 =	sshll.u32 s8, $0x1;
	s8 =	sadd.s32 s21, s6  }
0xa0: {  	[timem:s10], [sflag:s22] =	dma.local [hbm:s8], s20  }
0xa1: {  	_ =	swait.ge [sflag:s22], s20  }
0xa2: {  	s7 =	ssub.s32 $0x0, s20;
	[sflag:s22] =	ssyncset.done $0x0  }
0xa3: {  	[sflag:s22] =	ssyncadd.s32 s7;
	_ =	sdelay $0x1  }
0xa4: {  	s23 =	simm.s32 $0x1B8B  }
0xa5: {  	_ =	swait.ge [sflag:s23], $0x1  }
0xa6: {  	[sflag:s23] =	ssyncset.done $0x0  }
0xa7: {  	s25 =	simm.s32 $0x1B8E;
	s24 =	sld [smem:$0x3FFE];
	[sflag:s23] =	ssyncadd.s32 $0xFFFFFFFF  }
0xa8: {  	s26 =	simm.s32 $execute0_lowered;
	[smem:$0x3FD2] =	sst s25  }
0xa9: {  	s8 =	sshll.u32 s26, $0x1;
	_ =	strace $0x80000046;
	[dreg:$0x1] =	wrdreg $0xFFFFFFFF  }
0xaa: {  	s28 =	simm.s32 $_size_execute0_lowered;
	s6 =	sadd.s32 s6, s8;
	[dreg:$0x0] =	wrdreg $0x0  }
0xab: {  	s8 =	sshll.u32 s28, $0x1;
	[dreg:$0x2] =	wrdreg s6  }
0xac: {  	[dreg:$0x3] =	wrdreg s8  }
0xad: {  	[dreg:$0x4] =	wrdreg $0xC0  }
0xae: {  	_ =	task [dreg:s10], $0x5FFFF  }
0xaf: {  	[dreg:$0x1] =	wrdreg $0xFFFFFFFF  }
0xb0: {  	[dreg:$0x0] =	wrdreg $0x60  }
0xb1: {  	[dreg:$0x2] =	wrdreg s2  }
0xb2: {  	[dreg:$0x3] =	wrdreg s5  }
0xb3: {  	[dreg:$0x4] =	wrdreg s18  }
0xb4: {  	[dreg:$0x5] =	wrdreg s4  }
0xb5: {  	[dreg:$0x6] =	wrdreg s24  }
0xb6: {  	[dreg:$0x7] =	wrdreg $0x9  }
0xb7: {  	_ =	task.clear_ibuf [dreg:s10], $0x8FFFF;
	_ =	strace $0x90000046  }
0xb8: {  	s29 =	simm.s32 $0x9;
	_ =	strace $0x80000048  }
0xb9: {  	_ =	swait.ge [sflag:s29], $0x1  }
0xba: {  	[sflag:s29] =	ssyncadd.s32 $0xFFFFFFFF  }
0xbb: {  	_ =	strace $0x90000048  }
0xbc: {  	_ =	sfence  }
0xbd: {  	s30 =	sld [smem:$0x0];
	_ =	sdelay $0x2  }
0xbe: {  	s31 =	sshll.u32 s1, $0xD;
	s1 =	sshrl.u32 s1, $0x2  }
0xbf: {  	s3 =	sand.u32 $0x4000, s31;
	s1 =	sadd.s32 s1, s30  }
0xc0: {  	s0 =	sor.u32 s3, s0;
	s1 =	sshll.u32 s1, $0x11  }
0xc1: {  	s0 =	sor.u32 s1, s0  }
0xc2: {  	s0 =	sadd.s32 $0x8F2B, s0  }
0xc3: {  	[sflag:s0] =	ssyncadd.remote.s32 $0x1  }
0xc4: {  	_ =	sfence.sel $0xFFFF  }
0xc5: {  	[dreg:$0x0] =	wrdreg $0xFFFFFFFF;
	(pc) =	sbr.abs _section_cstart, $3  }
0xc6: {  	[dreg:$0x1] =	wrdreg $0xFFFFFFFF  }
0xc7: {  	_ =	task.clear_ibuf [dreg:s10], $0x2FFFF;
	_ =	strace $0x9FFFFFFF  }
0xc8: {  	(tm) =	ssettm $0x7FFFFFFF  }
0xc9: {  	_ =	shalt  }
tec
execute0_lowered:
.L_overlay_start_1:
0x0: {  	(tag) =	ssettag $0x1  }
0x1: {  	s0 =	rddreg [dreg:$0x0]  }
0x2: {  	s2 =	rddreg [dreg:$0x1]  }
0x3: {  	s1 =	rddreg [dreg:$0x2]  }
0x4: {  	s3 =	rddreg [dreg:$0x3]  }
0x5: {  	s5 =	rddreg [dreg:$0x4]  }
0x6: {  	s6 =	srdreg.scid;
	s7 =	stileid.u32  }
0x7: {  	s4 =	simm.s32 $0x0;
	s12 =	simm.s32 $0x20;
	s28 =	simm.s32 $0xAC00  }
0x8: {  	s29 =	simm.s32 $0xBC00;
	s30 =	simm.s32 $0x1;
	s31 =	simm.s32 $0xEC00  }
0x9: {  	s13 =	simm.s32 $0xDC00;
	s15 =	simm.s32 $0x0;
	s6 =	sand.u32 $0x1, s6  }
0xa: {  	s7 =	sshll.u32 s7, $0x1;
	[smem:$0x7FF] =	sst s4;
	s5 =	sadd.s32 $0x400, s5  }
0xb: {  	s8 =	ssub.s32 $0x2, s6;
	s6 =	sor.u32 s6, s7;
	_ =	strace $0x80000047  }
0xc: {  	s23 =	sshrl.u32 s8, $0x1;
	s9 =	smul.u32 $0x140, s6;
	s24 =	sshll.u32 s6, $0x6  }
.Ltmp0:
0xd: {  	s7 =	ssub.s32 s8, s23;
	s0 =	sadd.s32 s0, s24;
	(pc) =	sbr.rel .LBB2_1-.Ltmp0, $4  }
0xe: {  	v1 =	vlaneseq.u32;
	s8 =	sshll.u32 s6, $0x4;
	s23 =	simm.s32 $0x1C00;
	s24 =	simm.s32 $0x7C00  }
0xf: {  	v0 =	vmul.u32 $0xFFFFFFFF, v1;
	[dreg:$0x6] =	wrdreg s0;
	s25 =	sadd.s32 s2, s9;
	s26 =	smax.u32 s7, $0x1  }
0x10: {  	s0 =	simm.s32 $0xCC00;
	s2 =	simm.s32 $0x2;
	[dreg:$0x7] =	wrdreg s25  }
0x11: {  	v1 =	vmul.u32 $0x80, v1;
	v0 =	vadd.s32 $0xF, v0;
	[dreg:$0x8] =	wrdreg s26;
	s25 =	simm.s32 $0x8C00;
	s26 =	simm.s32 $0x9C00  }
.LBB2_19:
0x12: {  	s7 =	simm.s32 $0x3  }
0x13: {  	_ =	swait.ge [sflag:s7], $0x1000  }
0x14: {  	[sflag:s7] =	ssyncset.done $0x0  }
0x15: {  	[sflag:s7] =	ssyncadd.s32 $0xFFFFF000  }
0x16: {  	_ =	swait.ge [sflag:s7], $0x1000  }
0x17: {  	s15 =	sadd.s32 $0x1, s15;
	s6 =	rddreg [dreg:$0x8]  }
0x18: {  	p0 =	sne.s32 s15, s6  }
.Ltmp1:
0x19: {  	_ = 	snop;
	(pc) =	sbr.rel @!p0 .LBB2_20-.Ltmp1, $3  }
0x1a: {  	_ =	sdelay $0x1  }
0x1b: {  	[sflag:s7] =	ssyncset.done $0x0  }
0x1c: {  	[sflag:s7] =	ssyncadd.s32 $0xFFFFF000  }
.LBB2_1:
0x1d: {  	s6 =	rddreg [dreg:$0x6];
	s7 =	simm.s32 $0x4  }
0x1e: {  	[tilespmem:s4], [sflag:$0x4] =	stream.linear.gather [hbm4b:s6+s4], $0x200, $0x38;
	[tilespmem:$0x13C00] =	vst v63  }
0x1f: {  	_ =	swait.ge [sflag:s7], $0x200  }
0x20: {  	[sflag:s7] =	ssyncset.done $0x0  }
0x21: {  	s9 =	simm.s32 $0x200;
	s22 =	rddreg [dreg:$0x7];
	[sflag:s7] =	ssyncadd.s32 $0xFFFFFE00  }
0x22: {  	[tilespmem:s9], [sflag:$0x4] =	stream.linear.gather [hbm4b:s22+s4], $0xA00, $0x38;
	[tilespmem:$0x13C00] =	vst v63  }
0x23: {  	_ =	swait.ge [sflag:s7], $0xA00  }
0x24: {  	[sflag:s7] =	ssyncset.done $0x0  }
0x25: {  	s10 =	simm.s32 $0xC00;
	[sflag:s7] =	ssyncadd.s32 $0xFFFFF600  }
0x26: {  	[tilespmem:s10], [sflag:$0x1] =	stream.indirect.gather [hbm4b:s1+s12], $0x80, s4, s12, $0xb8;
	[tilespmem:$0x13C00] =	vst v63  }
0x27: {  	s11 =	simm.s32 $0x2C00  }
0x28: {  	[tilespmem:s11], [sflag:$0x1] =	stream.indirect.gather [hbm4b:s3+s12], $0x80, s9, s12, $0xb8;
	[tilespmem:$0x13C00] =	vst v63  }
0x29: {  	s14 =	simm.s32 $0x220;
	s16 =	simm.s32 $0x3C00  }
0x2a: {  	[tilespmem:s16], [sflag:$0x1] =	stream.indirect.gather [hbm4b:s3+s12], $0x80, s14, s12, $0xb8;
	[tilespmem:$0x13C00] =	vst v63  }
0x2b: {  	s17 =	simm.s32 $0x240;
	s18 =	simm.s32 $0x4C00  }
0x2c: {  	[tilespmem:s18], [sflag:$0x1] =	stream.indirect.gather [hbm4b:s3+s12], $0x80, s17, s12, $0xb8;
	[tilespmem:$0x13C00] =	vst v63  }
0x2d: {  	s19 =	simm.s32 $0x260;
	s20 =	simm.s32 $0x5C00  }
0x2e: {  	[tilespmem:s20], [sflag:$0x1] =	stream.indirect.gather [hbm4b:s3+s12], $0x80, s19, s12, $0xb8;
	[tilespmem:$0x13C00] =	vst v63  }
0x2f: {  	s21 =	simm.s32 $0x280;
	s22 =	simm.s32 $0x6C00;
	s16 =	simm.s32 $0x0  }
0x30: {  	[tilespmem:s22], [sflag:$0x1] =	stream.indirect.gather [hbm4b:s3+s12], $0x80, s21, s12, $0xb8;
	[tilespmem:$0x13C00] =	vst v63  }
.LBB2_2:
0x31: {  	s17 =	sshllo.u32 s16, $0x1  }
0x32: {  	s6 =	sshll.u32 s17, $0x5  }
0x33: {  	s7 =	smul.u32 $0x280, s17;
	s6 =	sand.u32 $0x3FFFFFE0, s6  }
0x34: {  	[tilespmem:s23], [sflag:$0x2] =	stream.indirect.gather [hbm4b:s1+s12], $0x80, s6, s12, $0xb8;
	[tilespmem:$0x13C00] =	vst v63  }
0x35: {  	s21 =	sshra.s32 s7, $0x2  }
0x36: {  	s7 =	sadd.s32 $0x200, s21  }
0x37: {  	[tilespmem:s24], [sflag:$0x2] =	stream.indirect.gather [hbm4b:s3+s12], $0x80, s7, s12, $0xb8;
	[tilespmem:$0x13C00] =	vst v63  }
0x38: {  	s22 =	sadd.s32 $0x220, s21  }
0x39: {  	[tilespmem:s25], [sflag:$0x2] =	stream.indirect.gather [hbm4b:s3+s12], $0x80, s22, s12, $0xb8;
	[tilespmem:$0x13C00] =	vst v63  }
0x3a: {  	s9 =	sadd.s32 $0x240, s21  }
0x3b: {  	[tilespmem:s26], [sflag:$0x2] =	stream.indirect.gather [hbm4b:s3+s12], $0x80, s9, s12, $0xb8;
	[tilespmem:$0x13C00] =	vst v63  }
0x3c: {  	s10 =	sadd.s32 $0x260, s21  }
0x3d: {  	[tilespmem:s28], [sflag:$0x2] =	stream.indirect.gather [hbm4b:s3+s12], $0x80, s10, s12, $0xb8;
	[tilespmem:$0x13C00] =	vst v63  }
0x3e: {  	s6 =	sadd.s32 $0x280, s21  }
0x3f: {  	[tilespmem:s29], [sflag:$0x2] =	stream.indirect.gather [hbm4b:s3+s12], $0x80, s6, s12, $0xb8;
	[tilespmem:$0x13C00] =	vst v63  }
0x40: {  	_ =	swait.ge [sflag:s30], $0x1000  }
0x41: {  	[sflag:s30] =	ssyncset.done $0x0  }
0x42: {  	[sflag:s30] =	ssyncadd.s32 $0xFFFFF000  }
0x43: {  	_ =	swait.ge [sflag:s30], $0x5000  }
0x44: {  	p0 =	seq.s32 s16, $0x0;
	[sflag:s30] =	ssyncset.done $0x0  }
0x45: {  	s6 =	simm.s32 @!p0 $0x3;
	[sflag:s30] =	ssyncadd.s32 $0xFFFFB000  }
0x46: {  	_ =	swait.ge @!p0 [sflag:s6], $0x1000  }
0x47: {  	[sflag:s6] =	ssyncset.done @!p0 $0x0  }
0x48: {  	s11 =	simm.s32 $0xC80;
	[sflag:s6] =	ssyncadd.s32 @!p0 $0xFFFFF000  }
0x49: {  	v61 =	vld [tilespmem:s11+$0x60]  }
0x4a: {  	v21 =	vld [tilespmem:s11+$0x70]  }
0x4b: {  	v58 =	vld [tilespmem:s11+$0x40]  }
0x4c: {  	v60 =	vld [tilespmem:s11+$0x50]  }
0x4d: {  	v53 =	vld [tilespmem:s11+$0x0]  }
0x4e: {  	v54 =	vld [tilespmem:s11+$0x10]  }
0x4f: {  	v55 =	vld [tilespmem:s11+$0x20]  }
0x50: {  	s19 =	simm.s32 $0x2E80;
	v57 =	vld [tilespmem:s11+$0x30]  }
0x51: {  	v2 =	vld [tilespmem:s19+$0x0]  }
0x52: {  	v3 =	vld [tilespmem:s19+$0x10]  }
0x53: {  	v4 =	vld [tilespmem:s19+$0x20]  }
0x54: {  	v5 =	vld [tilespmem:s19+$0x30]  }
0x55: {  	v6 =	vld [tilespmem:s19+$0x40]  }
0x56: {  	v7 =	vld [tilespmem:s19+$0x50]  }
0x57: {  	v8 =	vld [tilespmem:s19+$0x60]  }
0x58: {  	v9 =	vld [tilespmem:s19+$0x70];
	v2 =	vmul.f32 v2, v53;
	v4 =	vmul.f32 v4, v55  }
0x59: {  	v3 =	vmul.f32 v3, v54;
	v5 =	vmul.f32 v5, v57  }
0x5a: {  	v2 =	vadd.f32 v4, v2;
	v4 =	vmul.f32 v6, v58  }
0x5b: {  	v3 =	vadd.f32 v5, v3;
	v5 =	vmul.f32 v7, v60  }
0x5c: {  	v2 =	vadd.f32 v4, v2  }
0x5d: {  	v4 =	vmul.f32 v8, v61;
	v3 =	vadd.f32 v5, v3;
	v5 =	vmul.f32 v9, v21;
	_ =	sdelay $0x1  }
0x5e: {  	v6 =	vadd.f32 v4, v2;
	v3 =	vadd.f32 v5, v3  }
0x5f: {  	v10 =	vld [tilespmem:s19+$0xFFFFFD80]  }
0x60: {  	v11 =	vld [tilespmem:s19+$0xFFFFFDA0];
	v5 =	vadd.f32 v3, v6  }
0x61: {  	v12 =	vld [tilespmem:s19+$0xFFFFFDB0]  }
0x62: {  	v20 =	vld [tilespmem:s19+$0xFFFFFDC0];
	v6 =	vperm.xlane v5, v0  }
0x63: {  	v9 =	vld [tilespmem:s19+$0xFFFFFD90]  }
0x64: {  	v2 =	vld [tilespmem:s11+$0xFFFFFF90];
	v6 =	vadd.f32 v5, v6  }
0x65: {  	s18 =	simm.s32 $0xEC00;
	v4 =	vld [tilespmem:s11+$0xFFFFFFA0]  }
0x66: {  	v3 =	vld [tilespmem:s11+$0xFFFFFFB0];
	[tilespmem:s18+$0x80] =	vst v6  }
0x67: {  	v6 =	vld [tilespmem:s19+$0x80]  }
0x68: {  	v7 =	vld [tilespmem:s19+$0x90]  }
0x69: {  	v8 =	vld [tilespmem:s19+$0xA0]  }
0x6a: {  	v13 =	vld [tilespmem:s19+$0xB0]  }
0x6b: {  	v14 =	vld [tilespmem:s19+$0xC0]  }
0x6c: {  	v15 =	vld [tilespmem:s19+$0xD0]  }
0x6d: {  	v16 =	vld [tilespmem:s19+$0xE0]  }
0x6e: {  	v19 =	vld [tilespmem:s19+$0xF0];
	v17 =	vmul.f32 v6, v53;
	v18 =	vmul.f32 v7, v54  }
0x6f: {  	v5 =	vld [tilespmem:s11+$0xFFFFFF80];
	v8 =	vmul.f32 v8, v55;
	v13 =	vmul.f32 v13, v57  }
0x70: {  	v7 =	vld [tilespmem:s11+$0xFFFFFFC0];
	v14 =	vmul.f32 v14, v58  }
0x71: {  	v6 =	vld [tilespmem:s11+$0xFFFFFFD0];
	v15 =	vmul.f32 v15, v60;
	v17 =	vadd.f32 v8, v17;
	v13 =	vadd.f32 v13, v18  }
0x72: {  	v16 =	vmul.f32 v16, v61;
	v18 =	vld [tilespmem:s19+$0xFFFFFDD0]  }
0x73: {  	v8 =	vld [tilespmem:s11+$0xFFFFFFE0];
	v14 =	vadd.f32 v14, v17;
	v13 =	vadd.f32 v15, v13;
	v15 =	vmul.f32 v19, v21  }
0x74: {  	v11 =	vmul.f32 v11, v4;
	v17 =	vmul.f32 v9, v2;
	v9 =	vld [tilespmem:s11+$0xFFFFFFF0]  }
0x75: {  	v10 =	vmul.f32 v10, v5;
	v19 =	vld [tilespmem:s19+$0xFFFFFDE0];
	v14 =	vadd.f32 v16, v14;
	v13 =	vadd.f32 v15, v13  }
0x76: {  	v12 =	vmul.f32 v12, v3;
	v15 =	vld [tilespmem:s19+$0xFFFFFDF0]  }
0x77: {  	v10 =	vadd.f32 v11, v10;
	v13 =	vadd.f32 v13, v14  }
0x78: {  	v11 =	vmul.f32 v20, v7;
	v12 =	vadd.f32 v12, v17;
	v14 =	vmul.f32 v18, v6  }
0x79: {  	v16 =	vperm.xlane v13, v0  }
0x7a: {  	v10 =	vadd.f32 v11, v10;
	v11 =	vadd.f32 v14, v12  }
0x7b: {  	v12 =	vmul.f32 v19, v8;
	v14 =	vmul.f32 v15, v9;
	v13 =	vadd.f32 v13, v16;
	_ =	sdelay $0x1  }
0x7c: {  	v10 =	vadd.f32 v12, v10;
	v11 =	vadd.f32 v14, v11;
	[tilespmem:s18+$0x1080] =	vst v13  }
0x7d: {  	v12 =	vld [tilespmem:s19+$0x100]  }
0x7e: {  	v10 =	vadd.f32 v11, v10;
	v11 =	vld [tilespmem:s19+$0x110]  }
0x7f: {  	v13 =	vld [tilespmem:s19+$0x120]  }
0x80: {  	v15 =	vld [tilespmem:s19+$0x130];
	v14 =	vperm.xlane v10, v0  }
0x81: {  	v16 =	vld [tilespmem:s19+$0x140]  }
0x82: {  	v10 =	vadd.f32 v10, v14;
	v14 =	vld [tilespmem:s19+$0x150]  }
0x83: {  	v17 =	vld [tilespmem:s19+$0x160]  }
0x84: {  	v11 =	vmul.f32 v11, v54;
	[tilespmem:s18+$0x0] =	vst v10;
	v10 =	vmul.f32 v12, v53;
	v12 =	vld [tilespmem:s19+$0x170]  }
0x85: {  	v13 =	vmul.f32 v13, v55;
	v15 =	vmul.f32 v15, v57;
	v18 =	vld [tilespmem:s19+$0xFFFFFE00]  }
0x86: {  	v16 =	vmul.f32 v16, v58;
	v19 =	vld [tilespmem:s19+$0xFFFFFE10]  }
0x87: {  	v20 =	vld [tilespmem:s19+$0xFFFFFE20];
	v11 =	vadd.f32 v15, v11;
	v10 =	vadd.f32 v13, v10;
	v13 =	vmul.f32 v14, v60  }
0x88: {  	v15 =	vmul.f32 v17, v61;
	v14 =	vld [tilespmem:s19+$0xFFFFFE30]  }
0x89: {  	v17 =	vld [tilespmem:s19+$0xFFFFFE40];
	[tilespmem:$0x1FF50] =	vst v21;
	v10 =	vadd.f32 v16, v10;
	v11 =	vadd.f32 v13, v11;
	v12 =	vmul.f32 v12, v21  }
0x8a: {  	v13 =	vld [tilespmem:s19+$0xFFFFFE50]  }
0x8b: {  	v16 =	vld [tilespmem:s19+$0xFFFFFE60];
	v10 =	vadd.f32 v15, v10;
	v11 =	vadd.f32 v12, v11  }
0x8c: {  	v15 =	vmul.f32 v20, v4;
	v12 =	vmul.f32 v18, v5;
	v18 =	vld [tilespmem:s19+$0xFFFFFE70]  }
0x8d: {  	v19 =	vmul.f32 v19, v2;
	v14 =	vmul.f32 v14, v3;
	v10 =	vadd.f32 v11, v10  }
0x8e: {  	v11 =	vadd.f32 v15, v12;
	v12 =	vmul.f32 v17, v7  }
0x8f: {  	v14 =	vadd.f32 v14, v19;
	v13 =	vmul.f32 v13, v6;
	v15 =	vperm.xlane v10, v0  }
0x90: {  	s14 =	simm.s32 $0xD80;
	v11 =	vadd.f32 v12, v11;
	v12 =	vmul.f32 v16, v8  }
0x91: {  	v56 =	vld [tilespmem:s14+$0x60];
	v13 =	vadd.f32 v13, v14;
	v14 =	vmul.f32 v18, v9;
	v10 =	vadd.f32 v10, v15  }
0x92: {  	v59 =	vld [tilespmem:s14+$0x70]  }
0x93: {  	v48 =	vld [tilespmem:s14+$0x40];
	v11 =	vadd.f32 v12, v11;
	v12 =	vadd.f32 v14, v13;
	[tilespmem:s18+$0x2080] =	vst v10  }
0x94: {  	v10 =	vld [tilespmem:s19+$0x180]  }
0x95: {  	v11 =	vadd.f32 v12, v11;
	v12 =	vld [tilespmem:s19+$0x190]  }
0x96: {  	v13 =	vld [tilespmem:s19+$0x1A0]  }
0x97: {  	v15 =	vld [tilespmem:s19+$0x1B0];
	v14 =	vperm.xlane v11, v0  }
0x98: {  	v16 =	vld [tilespmem:s19+$0x1C0]  }
0x99: {  	v11 =	vadd.f32 v11, v14;
	v14 =	vld [tilespmem:s19+$0x1D0]  }
0x9a: {  	v17 =	vld [tilespmem:s19+$0x1E0]  }
0x9b: {  	v10 =	vmul.f32 v10, v53;
	v12 =	vmul.f32 v12, v54;
	[tilespmem:s18+$0x1000] =	vst v11;
	v11 =	vld [tilespmem:s19+$0x1F0]  }
0x9c: {  	v51 =	vld [tilespmem:s14+$0x50];
	v13 =	vmul.f32 v13, v55;
	v15 =	vmul.f32 v15, v57  }
0x9d: {  	v45 =	vld [tilespmem:s14+$0x0];
	v16 =	vmul.f32 v16, v58  }
0x9e: {  	v44 =	vld [tilespmem:s14+$0x10];
	v10 =	vadd.f32 v13, v10;
	v12 =	vadd.f32 v15, v12;
	v13 =	vmul.f32 v14, v60  }
0x9f: {  	v43 =	vld [tilespmem:s14+$0x20];
	v14 =	vmul.f32 v17, v61  }
0xa0: {  	s21 =	simm.s32 $0x3380;
	v42 =	vld [tilespmem:s14+$0x30];
	v10 =	vadd.f32 v16, v10;
	v12 =	vadd.f32 v13, v12;
	v11 =	vmul.f32 v11, v21  }
0xa1: {  	v20 =	vld [tilespmem:s21+$0x70]  }
0xa2: {  	v19 =	vld [tilespmem:s19+$0xFFFFFE80];
	v10 =	vadd.f32 v14, v10;
	v11 =	vadd.f32 v11, v12  }
0xa3: {  	v18 =	vld [tilespmem:s19+$0xFFFFFE90]  }
0xa4: {  	v16 =	vld [tilespmem:s21+$0x40];
	v10 =	vadd.f32 v11, v10  }
0xa5: {  	v13 =	vld [tilespmem:s21+$0x10]  }
0xa6: {  	v14 =	vld [tilespmem:s21+$0x30];
	v15 =	vperm.xlane v10, v0  }
0xa7: {  	v17 =	vld [tilespmem:s21+$0x50]  }
0xa8: {  	v12 =	vld [tilespmem:s21+$0x0];
	v10 =	vadd.f32 v10, v15  }
0xa9: {  	v11 =	vld [tilespmem:s21+$0x20]  }
0xaa: {  	v21 =	vld [tilespmem:s19+$0xFFFFFEA0];
	[tilespmem:s18+$0x3080] =	vst v10  }
0xab: {  	v10 =	vmul.f32 v13, v44;
	v13 =	vmul.f32 v14, v42;
	v14 =	vld [tilespmem:s19+$0x240]  }
0xac: {  	v15 =	vld [tilespmem:s21+$0x60]  }
0xad: {  	v34 =	vld [tilespmem:s19+$0x200]  }
0xae: {  	v12 =	vmul.f32 v12, v45;
	v11 =	vmul.f32 v11, v43;
	v35 =	vld [tilespmem:s19+$0x210]  }
0xaf: {  	v36 =	vld [tilespmem:s19+$0x220]  }
0xb0: {  	v11 =	vadd.f32 v11, v12;
	v12 =	vmul.f32 v16, v48;
	v62 =	vld [tilespmem:s19+$0x230];
	[tilespmem:$0x1FF20] =	vst v14  }
0xb1: {  	v10 =	vadd.f32 v13, v10;
	v13 =	vmul.f32 v17, v51;
	v14 =	vld [tilespmem:s19+$0x250]  }
0xb2: {  	v11 =	vadd.f32 v12, v11  }
0xb3: {  	v12 =	vmul.f32 v15, v56;
	v10 =	vadd.f32 v13, v10;
	v13 =	vmul.f32 v20, v59;
	_ =	sdelay $0x1  }
0xb4: {  	v11 =	vadd.f32 v12, v11;
	v13 =	vadd.f32 v13, v10  }
0xb5: {  	[tilespmem:$0x1FF30] =	vst v14  }
0xb6: {  	v13 =	vadd.f32 v13, v11;
	v12 =	vld [tilespmem:s14+$0xFFFFFF90]  }
0xb7: {  	v10 =	vld [tilespmem:s14+$0xFFFFFFA0]  }
0xb8: {  	v14 =	vperm.xlane v13, v0;
	v11 =	vld [tilespmem:s14+$0xFFFFFFB0]  }
0xb9: {  	v20 =	vld [tilespmem:s21+$0xFFFFFD80]  }
0xba: {  	v15 =	vld [tilespmem:s21+$0xFFFFFD90];
	v13 =	vadd.f32 v13, v14  }
0xbb: {  	s20 =	simm.s32 $0xED00;
	v22 =	vld [tilespmem:s21+$0xFFFFFDA0]  }
0xbc: {  	v23 =	vld [tilespmem:s21+$0xFFFFFDB0];
	[tilespmem:s20+$0x80] =	vst v13  }
0xbd: {  	v13 =	vld [tilespmem:s21+$0x80]  }
0xbe: {  	v16 =	vld [tilespmem:s21+$0xA0]  }
0xbf: {  	v14 =	vld [tilespmem:s21+$0x90]  }
0xc0: {  	v25 =	vld [tilespmem:s21+$0xC0]  }
0xc1: {  	v24 =	vld [tilespmem:s21+$0xB0]  }
0xc2: {  	v27 =	vld [tilespmem:s21+$0xE0]  }
0xc3: {  	v17 =	vld [tilespmem:s14+$0xFFFFFF80];
	v13 =	vmul.f32 v13, v45;
	v47 =	vmul.f32 v16, v43  }
0xc4: {  	v26 =	vld [tilespmem:s21+$0xD0]  }
0xc5: {  	v50 =	vld [tilespmem:s21+$0xFFFFFDC0];
	v25 =	vmul.f32 v25, v48;
	v47 =	vadd.f32 v47, v13  }
0xc6: {  	v29 =	vld [tilespmem:s21+$0xF0];
	v28 =	vmul.f32 v14, v44  }
0xc7: {  	v49 =	vld [tilespmem:s21+$0xFFFFFDE0];
	v24 =	vmul.f32 v24, v42;
	v27 =	vmul.f32 v27, v56;
	v25 =	vadd.f32 v25, v47  }
0xc8: {  	v14 =	vld [tilespmem:s14+$0xFFFFFFC0]  }
0xc9: {  	v26 =	vmul.f32 v26, v51;
	v24 =	vadd.f32 v24, v28;
	v25 =	vadd.f32 v27, v25;
	v27 =	vld [tilespmem:s19+$0x260]  }
0xca: {  	v16 =	vld [tilespmem:s14+$0xFFFFFFD0]  }
0xcb: {  	v28 =	vld [tilespmem:s21+$0xFFFFFDD0];
	v24 =	vadd.f32 v26, v24;
	v26 =	vmul.f32 v29, v59  }
0xcc: {  	v13 =	vld [tilespmem:s14+$0xFFFFFFE0]  }
0xcd: {  	v29 =	vmul.f32 v15, v12;
	v15 =	vld [tilespmem:s14+$0xFFFFFFF0];
	v24 =	vadd.f32 v26, v24  }
0xce: {  	v26 =	vld [tilespmem:s21+$0xFFFFFDF0];
	[tilespmem:$0x1FF40] =	vst v27  }
0xcf: {  	v24 =	vadd.f32 v24, v25;
	v25 =	vld [tilespmem:s19+$0x270];
	_ =	sdelay $0x2  }
0xd0: {  	v22 =	vmul.f32 v22, v10;
	v20 =	vmul.f32 v20, v17  }
0xd1: {  	v23 =	vmul.f32 v23, v11  }
0xd2: {  	v20 =	vadd.f32 v22, v20;
	v22 =	vmul.f32 v50, v14;
	[tilespmem:$0x1FF60] =	vst v25  }
0xd3: {  	v23 =	vadd.f32 v23, v29;
	v25 =	vmul.f32 v28, v16;
	v28 =	vperm.xlane v24, v0;
	v27 =	vld [tilespmem:s19+$0xFFFFFEB0]  }
0xd4: {  	v20 =	vadd.f32 v22, v20;
	v26 =	vmul.f32 v26, v15;
	v29 =	vld [tilespmem:s19+$0xFFFFFED0]  }
0xd5: {  	v22 =	vadd.f32 v25, v23;
	v23 =	vld [tilespmem:s19+$0xFFFFFEC0];
	v25 =	vmul.f32 v49, v13;
	v24 =	vadd.f32 v24, v28  }
0xd6: {  	v28 =	vld [tilespmem:s19+$0xFFFFFEE0]  }
0xd7: {  	v20 =	vadd.f32 v25, v20;
	v25 =	vld [tilespmem:s19+$0xFFFFFEF0];
	v22 =	vadd.f32 v26, v22;
	[tilespmem:s20+$0x1080] =	vst v24  }
0xd8: {  	v19 =	vmul.f32 v19, v5;
	v21 =	vmul.f32 v21, v4;
	v24 =	vld [tilespmem:s21+$0x100]  }
0xd9: {  	v18 =	vmul.f32 v18, v2;
	v26 =	vmul.f32 v27, v3;
	v20 =	vadd.f32 v22, v20;
	v22 =	vld [tilespmem:s21+$0x110]  }
0xda: {  	v19 =	vadd.f32 v21, v19;
	v21 =	vmul.f32 v23, v7;
	v23 =	vld [tilespmem:s21+$0x120]  }
0xdb: {  	v18 =	vadd.f32 v26, v18;
	v26 =	vmul.f32 v29, v6;
	v27 =	vperm.xlane v20, v0;
	v29 =	vld [tilespmem:s21+$0x130]  }
0xdc: {  	v19 =	vadd.f32 v21, v19;
	v21 =	vmul.f32 v28, v8;
	v28 =	vld [tilespmem:s21+$0x140]  }
0xdd: {  	v25 =	vmul.f32 v25, v9;
	v18 =	vadd.f32 v26, v18;
	v20 =	vadd.f32 v20, v27;
	v26 =	vld [tilespmem:s21+$0x150]  }
0xde: {  	v19 =	vadd.f32 v21, v19;
	v21 =	vld [tilespmem:s21+$0x160]  }
0xdf: {  	v22 =	vmul.f32 v22, v44;
	v18 =	vadd.f32 v25, v18;
	[tilespmem:s20+$0x0] =	vst v20;
	v20 =	vmul.f32 v24, v45;
	v24 =	vld [tilespmem:s21+$0x170]  }
0xe0: {  	v23 =	vmul.f32 v23, v43;
	v27 =	vmul.f32 v29, v42  }
0xe1: {  	v18 =	vadd.f32 v18, v19;
	v28 =	vmul.f32 v28, v48  }
0xe2: {  	v20 =	vadd.f32 v23, v20;
	v22 =	vadd.f32 v27, v22;
	v23 =	vmul.f32 v26, v51  }
0xe3: {  	v26 =	vperm.xlane v18, v0;
	v21 =	vmul.f32 v21, v56  }
0xe4: {  	v20 =	vadd.f32 v28, v20;
	v22 =	vadd.f32 v23, v22;
	v23 =	vmul.f32 v24, v59  }
0xe5: {  	v25 =	vld [tilespmem:s21+$0xFFFFFE00];
	v18 =	vadd.f32 v18, v26  }
0xe6: {  	v29 =	vld [tilespmem:s21+$0xFFFFFE20];
	v20 =	vadd.f32 v21, v20;
	v21 =	vadd.f32 v23, v22  }
0xe7: {  	v50 =	vld [tilespmem:s21+$0xFFFFFE40];
	[tilespmem:s18+$0x2000] =	vst v18  }
0xe8: {  	v20 =	vadd.f32 v21, v20;
	v21 =	vld [tilespmem:s19+$0xFFFFFF00]  }
0xe9: {  	v19 =	vld [tilespmem:s21+$0xFFFFFE10]  }
0xea: {  	v27 =	vld [tilespmem:s21+$0xFFFFFE30]  }
0xeb: {  	v24 =	vld [tilespmem:s21+$0xFFFFFE50]  }
0xec: {  	v26 =	vld [tilespmem:s21+$0xFFFFFE60];
	v22 =	vmul.f32 v29, v10;
	v18 =	vmul.f32 v25, v17  }
0xed: {  	v23 =	vld [tilespmem:s21+$0xFFFFFE70];
	[tilespmem:$0x1FF70] =	vst v21  }
0xee: {  	v18 =	vadd.f32 v22, v18;
	v22 =	vld [tilespmem:s19+$0xFFFFFF10];
	_ =	sdelay $0x3  }
0xef: {  	v19 =	vmul.f32 v19, v12;
	v25 =	vmul.f32 v27, v11  }
0xf0: {  	[tilespmem:$0x1FF90] =	vst v22  }
0xf1: {  	v19 =	vadd.f32 v25, v19;
	v25 =	vld [tilespmem:s19+$0xFFFFFF20];
	_ =	sdelay $0x4  }
0xf2: {  	[tilespmem:$0x1FF80] =	vst v25  }
0xf3: {  	v25 =	vld [tilespmem:s19+$0xFFFFFF30];
	_ =	sdelay $0x3  }
0xf4: {  	v22 =	vmul.f32 v24, v16  }
0xf5: {  	[tilespmem:$0x1FFA0] =	vst v25  }
0xf6: {  	v19 =	vadd.f32 v22, v19;
	v22 =	vmul.f32 v23, v15;
	v23 =	vld [tilespmem:s19+$0xFFFFFF40];
	_ =	sdelay $0x4  }
0xf7: {  	[tilespmem:$0x1FFB0] =	vst v23  }
0xf8: {  	v23 =	vld [tilespmem:s19+$0xFFFFFF50];
	_ =	sdelay $0x1  }
0xf9: {  	v21 =	vmul.f32 v50, v14;
	v24 =	vperm.xlane v20, v0;
	_ =	sdelay $0x1  }
0xfa: {  	v18 =	vadd.f32 v21, v18;
	v21 =	vmul.f32 v26, v13;
	v20 =	vadd.f32 v20, v24  }
0xfb: {  	[tilespmem:$0x1FFE0] =	vst v23  }
0xfc: {  	v18 =	vadd.f32 v21, v18;
	v19 =	vadd.f32 v22, v19;
	[tilespmem:s20+$0x2080] =	vst v20;
	v20 =	vld [tilespmem:s19+$0xFFFFFF60];
	_ =	sdelay $0x1  }
0xfd: {  	v18 =	vadd.f32 v19, v18;
	_ =	sdelay $0x1  }
0xfe: {  	v19 =	vperm.xlane v18, v0  }
0xff: {  	[tilespmem:$0x1FFF0] =	vst v20  }
0x100: {  	v18 =	vadd.f32 v18, v19;
	v20 =	vld [tilespmem:s21+$0x180]  }
0x101: {  	v21 =	vld [tilespmem:s21+$0x190]  }
0x102: {  	v22 =	vld [tilespmem:s21+$0x1A0];
	[tilespmem:s20+$0x1000] =	vst v18  }
0x103: {  	v18 =	vld [tilespmem:s21+$0xFFFFFE80]  }
0x104: {  	v23 =	vld [tilespmem:s21+$0x1B0]  }
0x105: {  	v24 =	vld [tilespmem:s21+$0x1C0]  }
0x106: {  	v25 =	vld [tilespmem:s21+$0x1D0]  }
0x107: {  	v27 =	vld [tilespmem:s21+$0x1E0]  }
0x108: {  	v28 =	vld [tilespmem:s21+$0x1F0];
	[tilespmem:$0x1FFC0] =	vst v18  }
0x109: {  	v18 =	vld [tilespmem:s21+$0xFFFFFE90];
	_ =	sdelay $0x4  }
0x10a: {  	s22 =	simm.s32 $0xE80;
	[tilespmem:$0x1FFD0] =	vst v18  }
0x10b: {  	v19 =	vld [tilespmem:s22+$0x60]  }
0x10c: {  	v20 =	vmul.f32 v20, v45;
	v26 =	vmul.f32 v21, v44;
	v18 =	vld [tilespmem:s22+$0x70]  }
0x10d: {  	v29 =	vmul.f32 v22, v43;
	v23 =	vmul.f32 v23, v42;
	v22 =	vld [tilespmem:s22+$0x40]  }
0x10e: {  	v24 =	vmul.f32 v24, v48;
	v21 =	vld [tilespmem:s22+$0x50]  }
0x10f: {  	v25 =	vmul.f32 v25, v51;
	v20 =	vadd.f32 v29, v20;
	v23 =	vadd.f32 v23, v26;
	v26 =	vld [tilespmem:s22+$0x0]  }
0x110: {  	v63 =	vmul.f32 v27, v56;
	v27 =	vld [tilespmem:s22+$0x10]  }
0x111: {  	v20 =	vadd.f32 v24, v20;
	v23 =	vadd.f32 v25, v23;
	v24 =	vmul.f32 v28, v59;
	v28 =	vld [tilespmem:s22+$0x20]  }
0x112: {  	s6 =	simm.s32 $0x3880;
	v29 =	vld [tilespmem:s22+$0x30]  }
0x113: {  	v20 =	vadd.f32 v63, v20;
	v23 =	vadd.f32 v24, v23;
	v25 =	vld [tilespmem:s6+$0x0]  }
0x114: {  	v31 =	vld [tilespmem:s6+$0x10]  }
0x115: {  	v20 =	vadd.f32 v23, v20;
	v24 =	vld [tilespmem:s6+$0x20]  }
0x116: {  	v52 =	vld [tilespmem:s6+$0x30]  }
0x117: {  	v30 =	vld [tilespmem:s6+$0x40];
	v23 =	vperm.xlane v20, v0  }
0x118: {  	v32 =	vld [tilespmem:s6+$0x50]  }
0x119: {  	v33 =	vld [tilespmem:s6+$0x60];
	v20 =	vadd.f32 v20, v23  }
0x11a: {  	v23 =	vld [tilespmem:s6+$0x70];
	v25 =	vmul.f32 v25, v26;
	v24 =	vmul.f32 v24, v28  }
0x11b: {  	[tilespmem:s20+$0x3080] =	vst v20;
	v20 =	vmul.f32 v31, v27;
	v31 =	vmul.f32 v52, v29  }
0x11c: {  	v24 =	vadd.f32 v24, v25;
	v25 =	vmul.f32 v30, v22  }
0x11d: {  	v30 =	vmul.f32 v32, v21;
	v20 =	vadd.f32 v31, v20  }
0x11e: {  	v24 =	vadd.f32 v25, v24  }
0x11f: {  	v25 =	vmul.f32 v33, v19;
	v23 =	vmul.f32 v23, v18;
	v20 =	vadd.f32 v30, v20;
	_ =	sdelay $0x1  }
0x120: {  	v47 =	vld [tilespmem:s21+$0xFFFFFEA0];
	v24 =	vadd.f32 v25, v24;
	v23 =	vadd.f32 v23, v20  }
0x121: {  	v39 =	vld [tilespmem:s6+$0xFFFFFD80]  }
0x122: {  	v40 =	vld [tilespmem:s6+$0xFFFFFD90];
	v25 =	vadd.f32 v23, v24  }
0x123: {  	v37 =	vld [tilespmem:s6+$0xFFFFFDA0]  }
0x124: {  	v38 =	vld [tilespmem:s6+$0xFFFFFDB0];
	v30 =	vperm.xlane v25, v0  }
0x125: {  	v41 =	vld [tilespmem:s21+$0x200]  }
0x126: {  	v46 =	vld [tilespmem:s21+$0x210];
	v25 =	vadd.f32 v25, v30  }
0x127: {  	s11 =	simm.s32 $0xEE00;
	v20 =	vld [tilespmem:s22+$0xFFFFFF90]  }
0x128: {  	v24 =	vld [tilespmem:s22+$0xFFFFFFA0];
	[tilespmem:s11+$0x80] =	vst v25  }
0x129: {  	v57 =	vmul.f32 v62, v57;
	v62 =	vld [tilespmem:$0x1FF20]  }
0x12a: {  	v23 =	vld [tilespmem:s22+$0xFFFFFFB0]  }
0x12b: {  	v30 =	vld [tilespmem:s6+$0x80]  }
0x12c: {  	v31 =	vld [tilespmem:s6+$0x90]  }
0x12d: {  	v32 =	vld [tilespmem:s6+$0xA0]  }
0x12e: {  	v58 =	vmul.f32 v62, v58;
	v62 =	vld [tilespmem:$0x1FF30]  }
0x12f: {  	v33 =	vld [tilespmem:s6+$0xB0]  }
0x130: {  	v53 =	vmul.f32 v34, v53;
	v34 =	vld [tilespmem:s6+$0xC0]  }
0x131: {  	v54 =	vmul.f32 v35, v54;
	v35 =	vld [tilespmem:s6+$0xD0]  }
0x132: {  	v55 =	vmul.f32 v36, v55;
	v36 =	vld [tilespmem:s6+$0xE0]  }
0x133: {  	v60 =	vmul.f32 v62, v60;
	v62 =	vld [tilespmem:$0x1FF40]  }
0x134: {  	v53 =	vadd.f32 v55, v53;
	v55 =	vld [tilespmem:s6+$0xF0];
	v30 =	vmul.f32 v30, v26;
	v32 =	vmul.f32 v32, v28  }
0x135: {  	v54 =	vadd.f32 v57, v54;
	v25 =	vld [tilespmem:s22+$0xFFFFFF80];
	v57 =	vmul.f32 v31, v27;
	v33 =	vmul.f32 v33, v29  }
0x136: {  	v31 =	vld [tilespmem:s22+$0xFFFFFFC0];
	v34 =	vmul.f32 v34, v22;
	v32 =	vadd.f32 v32, v30  }
0x137: {  	v35 =	vmul.f32 v35, v21;
	v36 =	vmul.f32 v36, v19;
	v33 =	vadd.f32 v33, v57;
	v57 =	vld [tilespmem:s6+$0xFFFFFDC0]  }
0x138: {  	v30 =	vld [tilespmem:s22+$0xFFFFFFD0];
	v53 =	vadd.f32 v58, v53;
	v34 =	vadd.f32 v34, v32;
	v61 =	vmul.f32 v62, v61  }
0x139: {  	v55 =	vmul.f32 v55, v18;
	v35 =	vadd.f32 v35, v33;
	v33 =	vld [tilespmem:$0x1FF50];
	v54 =	vadd.f32 v60, v54  }
0x13a: {  	v60 =	vld [tilespmem:$0x1FF60];
	v62 =	vmul.f32 v39, v25;
	v53 =	vadd.f32 v61, v53;
	v61 =	vmul.f32 v37, v24  }
0x13b: {  	v58 =	vld [tilespmem:s6+$0xFFFFFDD0];
	v34 =	vadd.f32 v36, v34  }
0x13c: {  	v49 =	vld [tilespmem:s21+$0x220];
	v35 =	vadd.f32 v55, v35;
	v36 =	vadd.f32 v61, v62;
	v61 =	vmul.f32 v57, v31  }
0x13d: {  	v52 =	vld [tilespmem:s21+$0x240];
	v40 =	vmul.f32 v40, v20  }
0x13e: {  	v38 =	vmul.f32 v38, v23;
	v34 =	vadd.f32 v35, v34;
	v35 =	vadd.f32 v61, v36;
	v61 =	vld [tilespmem:$0x1FF80]  }
0x13f: {  	v55 =	vld [tilespmem:s6+$0xFFFFFDF0];
	v60 =	vmul.f32 v60, v33  }
0x140: {  	v38 =	vadd.f32 v38, v40;
	v33 =	vld [tilespmem:s22+$0xFFFFFFF0];
	v62 =	vmul.f32 v58, v30  }
0x141: {  	v54 =	vadd.f32 v60, v54;
	v60 =	vld [tilespmem:$0x1FF70]  }
0x142: {  	v41 =	vmul.f32 v41, v45;
	v43 =	vmul.f32 v49, v43;
	v38 =	vadd.f32 v62, v38;
	v62 =	vld [tilespmem:$0x1FF90]  }
0x143: {  	v58 =	vmul.f32 v61, v4;
	v61 =	vld [tilespmem:$0x1FFA0]  }
0x144: {  	v50 =	vld [tilespmem:s21+$0x230];
	v48 =	vmul.f32 v52, v48;
	v41 =	vadd.f32 v43, v41  }
0x145: {  	v63 =	vld [tilespmem:s21+$0x250];
	v53 =	vadd.f32 v54, v53;
	v54 =	vperm.xlane v34, v0  }
0x146: {  	v41 =	vadd.f32 v48, v41;
	v48 =	vld [tilespmem:s19+$0xFFFFFF70];
	v40 =	vmul.f32 v60, v5  }
0x147: {  	v32 =	vld [tilespmem:s22+$0xFFFFFFE0];
	v34 =	vadd.f32 v34, v54;
	v54 =	vmul.f32 v55, v33  }
0x148: {  	v39 =	vld [tilespmem:s6+$0xFFFFFDE0];
	v40 =	vadd.f32 v58, v40;
	v58 =	vmul.f32 v62, v2;
	v61 =	vmul.f32 v61, v3  }
0x149: {  	v37 =	vld [tilespmem:s21+$0x260];
	[tilespmem:s11+$0x1080] =	vst v34  }
0x14a: {  	v38 =	vadd.f32 v54, v38;
	v54 =	vadd.f32 v61, v58;
	v61 =	vld [tilespmem:$0x1FFC0]  }
0x14b: {  	v57 =	vld [tilespmem:s21+$0x270]  }
0x14c: {  	v36 =	vld [tilespmem:s21+$0xFFFFFEB0]  }
0x14d: {  	v34 =	vld [tilespmem:$0x1FFB0]  }
0x14e: {  	v39 =	vmul.f32 v39, v32;
	v55 =	vld [tilespmem:s21+$0xFFFFFED0]  }
0x14f: {  	v58 =	vmul.f32 v61, v17;
	v61 =	vld [tilespmem:$0x1FFD0]  }
0x150: {  	v35 =	vadd.f32 v39, v35;
	v39 =	vld [tilespmem:s21+$0xFFFFFEF0]  }
0x151: {  	v60 =	vld [tilespmem:s21+$0xFFFFFEC0]  }
0x152: {  	v45 =	vld [tilespmem:s6+$0x100];
	v34 =	vmul.f32 v34, v7  }
0x153: {  	v47 =	vmul.f32 v47, v10;
	v36 =	vmul.f32 v36, v11;
	v35 =	vadd.f32 v38, v35;
	v62 =	vld [tilespmem:s21+$0xFFFFFEE0]  }
0x154: {  	v38 =	vld [tilespmem:s6+$0x110];
	v49 =	vmul.f32 v55, v16;
	v34 =	vadd.f32 v34, v40;
	v61 =	vmul.f32 v61, v12  }
0x155: {  	v55 =	vld [tilespmem:s6+$0x140];
	v40 =	vmul.f32 v46, v44;
	v46 =	vadd.f32 v47, v58;
	v58 =	vperm.xlane v35, v0  }
0x156: {  	v47 =	vmul.f32 v60, v14;
	v60 =	vld [tilespmem:s6+$0x130];
	v36 =	vadd.f32 v36, v61  }
0x157: {  	v39 =	vmul.f32 v39, v15;
	v44 =	vld [tilespmem:s6+$0x120];
	v35 =	vadd.f32 v35, v58  }
0x158: {  	v46 =	vadd.f32 v47, v46;
	v58 =	vld [tilespmem:s6+$0x150];
	v61 =	vmul.f32 v62, v13;
	v36 =	vadd.f32 v49, v36  }
0x159: {  	v42 =	vmul.f32 v50, v42;
	[tilespmem:s11+$0x0] =	vst v35;
	v35 =	vld [tilespmem:s6+$0x170]  }
0x15a: {  	v50 =	vmul.f32 v45, v26;
	v45 =	vld [tilespmem:s6+$0xFFFFFE00];
	v62 =	vadd.f32 v61, v46;
	v36 =	vadd.f32 v39, v36  }
0x15b: {  	v52 =	vmul.f32 v60, v29;
	v60 =	vld [tilespmem:s6+$0xFFFFFE20]  }
0x15c: {  	v38 =	vmul.f32 v38, v27;
	v43 =	vmul.f32 v55, v22;
	v49 =	vld [tilespmem:s6+$0x160];
	v36 =	vadd.f32 v36, v62  }
0x15d: {  	v40 =	vadd.f32 v42, v40;
	v44 =	vmul.f32 v44, v28;
	v46 =	vld [tilespmem:s6+$0xFFFFFE10];
	v61 =	vmul.f32 v63, v51  }
0x15e: {  	v38 =	vadd.f32 v52, v38;
	v63 =	vld [tilespmem:s6+$0xFFFFFE30];
	v62 =	vmul.f32 v58, v21;
	v55 =	vperm.xlane v36, v0  }
0x15f: {  	v39 =	vadd.f32 v44, v50;
	v40 =	vadd.f32 v61, v40;
	v61 =	vld [tilespmem:s6+$0xFFFFFE70]  }
0x160: {  	v35 =	vmul.f32 v35, v18;
	v58 =	vld [tilespmem:s6+$0xFFFFFE50];
	v38 =	vadd.f32 v62, v38;
	v36 =	vadd.f32 v36, v55  }
0x161: {  	v39 =	vadd.f32 v43, v39;
	v43 =	vld [tilespmem:s6+$0xFFFFFE40];
	v49 =	vmul.f32 v49, v19  }
0x162: {  	v45 =	vmul.f32 v45, v25;
	v44 =	vmul.f32 v60, v24;
	v35 =	vadd.f32 v35, v38;
	v38 =	vld [tilespmem:s6+$0xFFFFFE60];
	[tilespmem:s20+$0x2000] =	vst v36  }
0x163: {  	v39 =	vadd.f32 v49, v39;
	v55 =	vld [tilespmem:s21+$0xFFFFFF00]  }
0x164: {  	v37 =	vmul.f32 v37, v56;
	v60 =	vmul.f32 v46, v20;
	v52 =	vadd.f32 v44, v45;
	v45 =	vld [tilespmem:s21+$0xFFFFFF10]  }
0x165: {  	v62 =	vmul.f32 v63, v23;
	v42 =	vmul.f32 v58, v30;
	v35 =	vadd.f32 v35, v39;
	v58 =	vld [tilespmem:$0x1FFE0]  }
0x166: {  	v63 =	vmul.f32 v57, v59;
	v43 =	vmul.f32 v43, v31;
	v57 =	vld [tilespmem:s21+$0xFFFFFF20]  }
0x167: {  	v37 =	vadd.f32 v37, v41;
	v36 =	vadd.f32 v62, v60;
	v60 =	vld [tilespmem:$0x1FFF0];
	v56 =	vperm.xlane v35, v0  }
0x168: {  	v46 =	vmul.f32 v61, v33;
	v40 =	vadd.f32 v63, v40;
	v39 =	vadd.f32 v43, v52;
	v59 =	vld [tilespmem:s21+$0xFFFFFF30]  }
0x169: {  	v41 =	vld [tilespmem:s21+$0xFFFFFF40];
	v36 =	vadd.f32 v42, v36;
	v38 =	vmul.f32 v38, v32;
	v35 =	vadd.f32 v35, v56  }
0x16a: {  	v48 =	vmul.f32 v48, v9;
	v37 =	vadd.f32 v40, v37;
	v40 =	vld [tilespmem:s21+$0xFFFFFF50];
	v43 =	vmul.f32 v58, v6  }
0x16b: {  	v62 =	vperm.xlane v53, v0;
	v61 =	vld [tilespmem:s21+$0xFFFFFF60];
	v36 =	vadd.f32 v46, v36;
	v38 =	vadd.f32 v38, v39;
	[tilespmem:s11+$0x2080] =	vst v35  }
0x16c: {  	v52 =	vperm.xlane v37, v0;
	v49 =	vmul.f32 v60, v8;
	v63 =	vld [tilespmem:s6+$0x180];
	v43 =	vadd.f32 v43, v54  }
0x16d: {  	v44 =	vmul.f32 v55, v17;
	v47 =	vmul.f32 v57, v10;
	v36 =	vadd.f32 v36, v38;
	v55 =	vld [tilespmem:s6+$0x1A0]  }
0x16e: {  	v45 =	vmul.f32 v45, v12;
	v57 =	vld [tilespmem:s6+$0x1B0];
	v34 =	vadd.f32 v49, v34;
	v43 =	vadd.f32 v48, v43  }
0x16f: {  	v39 =	vadd.f32 v53, v62;
	v42 =	vmul.f32 v59, v11;
	v54 =	vld [tilespmem:s6+$0x190];
	v56 =	vperm.xlane v36, v0  }
0x170: {  	v41 =	vmul.f32 v41, v14;
	v40 =	vmul.f32 v40, v16;
	v60 =	vld [tilespmem:s6+$0x1D0];
	v34 =	vadd.f32 v43, v34  }
0x171: {  	v61 =	vmul.f32 v61, v13;
	v58 =	vld [tilespmem:s6+$0x1C0];
	v44 =	vadd.f32 v47, v44;
	v36 =	vadd.f32 v36, v56  }
0x172: {  	v49 =	vadd.f32 v37, v52;
	v42 =	vadd.f32 v42, v45;
	v37 =	vld [tilespmem:s6+$0x1E0];
	v59 =	vperm.xlane v34, v0  }
0x173: {  	v38 =	vld [tilespmem:s6+$0x1F0];
	v41 =	vadd.f32 v41, v44;
	v62 =	vmul.f32 v63, v26;
	v48 =	vmul.f32 v55, v28;
	[tilespmem:s11+$0x1000] =	vst v36  }
0x174: {  	[tilespmem:s18+$0x4080] =	vst v39;
	v43 =	vmul.f32 v57, v29;
	v63 =	vmul.f32 v54, v27;
	v36 =	vld [tilespmem:s6+$0xFFFFFE80];
	v50 =	vadd.f32 v34, v59  }
0x175: {  	s7 =	simm.s32 $0xEE00;
	s9 =	simm.s32 $0x3880;
	[tilespmem:s20+$0x4080] =	vst v49;
	v35 =	vadd.f32 v40, v42;
	v44 =	vmul.f32 v60, v21;
	v39 =	vld [tilespmem:s6+$0xFFFFFE90];
	v42 =	vadd.f32 v48, v62  }
0x176: {  	s10 =	simm.s32 $0x4;
	s14 =	simm.s32 $0xF80;
	s22 =	sshll.u32 s16, $0x1;
	v40 =	vld [tilespmem:s6+$0xFFFFFEA0];
	v43 =	vadd.f32 v43, v63;
	v34 =	vadd.f32 v61, v41;
	v41 =	vmul.f32 v58, v22;
	[tilespmem:s18+$0x3000] =	vst v50  }
.LBB2_3:
0x177: {  	v45 =	vld [tilespmem:s14+$0x60];
	v37 =	vmul.f32 v37, v19  }
0x178: {  	v46 =	vld [tilespmem:s14+$0x70];
	v41 =	vadd.f32 v41, v42;
	v42 =	vadd.f32 v44, v43;
	v38 =	vmul.f32 v38, v18  }
0x179: {  	v43 =	vld [tilespmem:s14+$0x40];
	v44 =	vmul.f32 v36, v25  }
0x17a: {  	v47 =	vld [tilespmem:s14+$0x50];
	v36 =	vmul.f32 v39, v20;
	v37 =	vadd.f32 v37, v41;
	v38 =	vadd.f32 v38, v42  }
0x17b: {  	v39 =	vld [tilespmem:s14+$0x0];
	v40 =	vmul.f32 v40, v24  }
0x17c: {  	v41 =	vld [tilespmem:s14+$0x10];
	v38 =	vadd.f32 v38, v37  }
0x17d: {  	v42 =	vld [tilespmem:s14+$0x20];
	v37 =	vadd.f32 v40, v44  }
0x17e: {  	s6 =	sadd.s32 $0x500, s6;
	v40 =	vld [tilespmem:s14+$0x30];
	v44 =	vperm.xlane v38, v0  }
0x17f: {  	v48 =	vld [tilespmem:s6+$0x0]  }
0x180: {  	v49 =	vld [tilespmem:s6+$0x10];
	v38 =	vadd.f32 v38, v44  }
0x181: {  	v44 =	vld [tilespmem:s6+$0x20]  }
0x182: {  	v50 =	vld [tilespmem:s6+$0x30];
	[tilespmem:s11+$0x3080] =	vst v38  }
0x183: {  	v38 =	vld [tilespmem:s9+$0x200]  }
0x184: {  	v51 =	vld [tilespmem:s9+$0x210]  }
0x185: {  	v52 =	vld [tilespmem:s9+$0x220]  }
0x186: {  	v53 =	vld [tilespmem:s9+$0x230]  }
0x187: {  	v54 =	vld [tilespmem:s9+$0x240]  }
0x188: {  	v55 =	vld [tilespmem:s9+$0x250]  }
0x189: {  	v48 =	vmul.f32 v48, v39;
	v49 =	vmul.f32 v49, v41;
	v56 =	vld [tilespmem:s9+$0x260]  }
0x18a: {  	v38 =	vmul.f32 v38, v26;
	v26 =	vmovc v39;
	v51 =	vmul.f32 v51, v27;
	v27 =	vmov v41;
	v57 =	vld [tilespmem:s9+$0x270]  }
0x18b: {  	v41 =	vmul.f32 v52, v28;
	v28 =	vmovc v42;
	v39 =	vld [tilespmem:s6+$0x40];
	v52 =	vmul.f32 v53, v29;
	v29 =	vmov v40  }
0x18c: {  	v40 =	vmul.f32 v44, v28;
	v42 =	vld [tilespmem:s6+$0x50];
	v44 =	vmul.f32 v54, v22;
	v22 =	vmov v43  }
0x18d: {  	v38 =	vadd.f32 v41, v38;
	v43 =	vld [tilespmem:s6+$0x60];
	v41 =	vadd.f32 v52, v51;
	v51 =	vmul.f32 v55, v21;
	v21 =	vmovc v47  }
0x18e: {  	v47 =	vmul.f32 v50, v29;
	v50 =	vld [tilespmem:s6+$0x70];
	v52 =	vmul.f32 v56, v19;
	v19 =	vmov v45  }
0x18f: {  	v44 =	vadd.f32 v44, v38;
	v45 =	vld [tilespmem:s14+$0xFFFFFF90];
	v51 =	vadd.f32 v51, v41;
	v53 =	vmul.f32 v57, v18;
	v18 =	vmovc v46  }
0x190: {  	v40 =	vadd.f32 v40, v48;
	v46 =	vadd.f32 v47, v49;
	v41 =	vld [tilespmem:s14+$0xFFFFFFA0];
	v39 =	vmul.f32 v39, v22  }
0x191: {  	v44 =	vadd.f32 v52, v44;
	v38 =	vld [tilespmem:s14+$0xFFFFFFB0];
	v42 =	vmul.f32 v42, v21;
	v47 =	vadd.f32 v53, v51  }
0x192: {  	v48 =	vld [tilespmem:s6+$0xFFFFFD80];
	v39 =	vadd.f32 v39, v40;
	v40 =	vmul.f32 v43, v19  }
0x193: {  	v49 =	vld [tilespmem:s6+$0xFFFFFD90];
	v42 =	vadd.f32 v42, v46;
	v43 =	vmul.f32 v50, v18;
	v44 =	vadd.f32 v47, v44  }
0x194: {  	v46 =	vld [tilespmem:s6+$0xFFFFFDA0]  }
0x195: {  	v39 =	vadd.f32 v40, v39;
	v47 =	vld [tilespmem:s6+$0xFFFFFDB0];
	v42 =	vadd.f32 v43, v42;
	v50 =	vperm.xlane v44, v0  }
0x196: {  	s10 =	sadd.s32 $0x2, s10;
	v43 =	vld [tilespmem:s14+$0xFFFFFF80]  }
0x197: {  	p1 =	slt.u32 s10, $0x1E;
	v40 =	vld [tilespmem:s14+$0xFFFFFFC0];
	v39 =	vadd.f32 v42, v39;
	v44 =	vadd.f32 v44, v50  }
0x198: {  	v42 =	vld [tilespmem:s14+$0xFFFFFFD0];
	v49 =	vmul.f32 v49, v45  }
0x199: {  	v46 =	vmul.f32 v46, v41;
	v50 =	vld [tilespmem:s6+$0xFFFFFDC0];
	v51 =	vperm.xlane v39, v0;
	[tilespmem:s11+$0x4080] =	vst v44  }
0x19a: {  	v47 =	vmul.f32 v47, v38;
	v52 =	vld [tilespmem:s6+$0xFFFFFDD0]  }
0x19b: {  	v44 =	vld [tilespmem:s14+$0xFFFFFFE0];
	v48 =	vmul.f32 v48, v43;
	v51 =	vadd.f32 v39, v51  }
0x19c: {  	s11 =	sadd.s32 $0x100, s11;
	v39 =	vld [tilespmem:s14+$0xFFFFFFF0];
	v47 =	vadd.f32 v47, v49  }
0x19d: {  	v46 =	vadd.f32 v46, v48;
	v48 =	vld [tilespmem:s6+$0xFFFFFDE0];
	[tilespmem:s11+$0x80] =	vst v51  }
0x19e: {  	v49 =	vmul.f32 v50, v40;
	v50 =	vld [tilespmem:s6+$0x80]  }
0x19f: {  	v51 =	vmul.f32 v52, v42;
	v52 =	vld [tilespmem:s6+$0x90]  }
0x1a0: {  	v46 =	vadd.f32 v49, v46;
	v49 =	vld [tilespmem:s6+$0xA0]  }
0x1a1: {  	v47 =	vadd.f32 v51, v47;
	v51 =	vld [tilespmem:s6+$0xB0]  }
0x1a2: {  	v48 =	vmul.f32 v48, v44;
	v53 =	vld [tilespmem:s6+$0xC0]  }
0x1a3: {  	v54 =	vld [tilespmem:s6+$0xD0]  }
0x1a4: {  	v46 =	vadd.f32 v48, v46;
	v48 =	vld [tilespmem:s6+$0xE0]  }
0x1a5: {  	v50 =	vmul.f32 v50, v26;
	v52 =	vmul.f32 v52, v27;
	v55 =	vld [tilespmem:s6+$0xF0]  }
0x1a6: {  	v49 =	vmul.f32 v49, v28;
	v56 =	vld [tilespmem:s6+$0xFFFFFDF0];
	v51 =	vmul.f32 v51, v29  }
0x1a7: {  	v53 =	vmul.f32 v53, v22;
	v57 =	vld [tilespmem:s9+$0xFFFFFEB0]  }
0x1a8: {  	v49 =	vadd.f32 v49, v50;
	v50 =	vadd.f32 v51, v52;
	v51 =	vmul.f32 v54, v21;
	v52 =	vld [tilespmem:s9+$0xFFFFFEC0]  }
0x1a9: {  	v48 =	vmul.f32 v48, v19;
	v54 =	vld [tilespmem:s9+$0xFFFFFED0]  }
0x1aa: {  	v49 =	vadd.f32 v53, v49;
	v50 =	vadd.f32 v51, v50;
	v51 =	vmul.f32 v55, v18;
	v53 =	vld [tilespmem:s9+$0xFFFFFEE0]  }
0x1ab: {  	v55 =	vmul.f32 v56, v39;
	v56 =	vld [tilespmem:s9+$0xFFFFFEF0]  }
0x1ac: {  	v48 =	vadd.f32 v48, v49;
	v49 =	vadd.f32 v51, v50;
	v50 =	vmul.f32 v57, v23;
	v51 =	vld [tilespmem:s21+$0xFFFFFF70]  }
0x1ad: {  	v47 =	vadd.f32 v55, v47;
	v52 =	vmul.f32 v52, v31;
	v55 =	vld [tilespmem:s19+$0xFFFFFF80]  }
0x1ae: {  	v48 =	vadd.f32 v49, v48;
	v36 =	vadd.f32 v50, v36;
	v49 =	vmul.f32 v54, v30;
	v50 =	vld [tilespmem:s19+$0xFFFFFF90]  }
0x1af: {  	v46 =	vadd.f32 v47, v46;
	v37 =	vadd.f32 v52, v37;
	v47 =	vmul.f32 v53, v32;
	v52 =	vld [tilespmem:s19+$0xFFFFFFA0]  }
0x1b0: {  	v53 =	vperm.xlane v48, v0;
	v36 =	vadd.f32 v49, v36;
	v49 =	vmul.f32 v56, v33;
	v54 =	vld [tilespmem:s19+$0xFFFFFFB0]  }
0x1b1: {  	v56 =	vperm.xlane v46, v0;
	v37 =	vadd.f32 v47, v37;
	v47 =	vmul.f32 v51, v15;
	v51 =	vld [tilespmem:s19+$0xFFFFFFC0]  }
0x1b2: {  	v48 =	vadd.f32 v48, v53;
	v36 =	vadd.f32 v49, v36;
	v49 =	vmul.f32 v55, v5;
	v53 =	vld [tilespmem:s19+$0xFFFFFFD0];
	v5 =	vmovc v17  }
0x1b3: {  	v17 =	vadd.f32 v46, v56;
	v35 =	vadd.f32 v47, v35;
	v46 =	vmul.f32 v50, v2;
	v47 =	vld [tilespmem:s19+$0xFFFFFFE0];
	v2 =	vmovc v12  }
0x1b4: {  	v12 =	vmovc v20;
	v20 =	vmov v45;
	[tilespmem:s11+$0x1080] =	vst v48;
	v36 =	vadd.f32 v36, v37;
	v37 =	vmul.f32 v52, v4;
	v48 =	vld [tilespmem:s19+$0xFFFFFFF0];
	s19 =	smov.u32 s21;
	s21 =	smov.u32 s9;
	s9 =	smov.u32 s6  }
0x1b5: {  	v4 =	vmovc v10;
	v10 =	vmov v24;
	[tilespmem:s11+$0x0] =	vst v17;
	v45 =	vld [tilespmem:s6+$0x100];
	v17 =	vadd.f32 v35, v34;
	v50 =	vmul.f32 v54, v3  }
0x1b6: {  	v24 =	vmovc v41;
	v34 =	vld [tilespmem:s6+$0x110];
	v35 =	vperm.xlane v36, v0;
	v37 =	vadd.f32 v37, v49;
	v7 =	vmul.f32 v51, v7  }
0x1b7: {  	v3 =	vmovc v11;
	v41 =	vld [tilespmem:s6+$0x120];
	v49 =	vperm.xlane v17, v0;
	v46 =	vadd.f32 v50, v46;
	v6 =	vmul.f32 v53, v6  }
0x1b8: {  	v11 =	vmovc v23;
	v50 =	vld [tilespmem:s6+$0x130];
	v35 =	vadd.f32 v36, v35;
	v51 =	vadd.f32 v7, v37;
	v8 =	vmul.f32 v47, v8  }
0x1b9: {  	v23 =	vmovc v38;
	v36 =	vld [tilespmem:s6+$0x140];
	v37 =	vadd.f32 v17, v49;
	v46 =	vadd.f32 v6, v46;
	v9 =	vmul.f32 v48, v9  }
0x1ba: {  	v17 =	vmovc v25;
	v25 =	vmovc v43;
	v38 =	vld [tilespmem:s6+$0x150];
	[tilespmem:s7+$0x2000] =	vst v35;
	v35 =	vadd.f32 v8, v51;
	v7 =	vmov v14;
	v14 =	vmov v31  }
0x1bb: {  	v31 =	vmovc v40;
	v43 =	vld [tilespmem:s6+$0x160];
	[tilespmem:s20+$0x3000] =	vst v37;
	v46 =	vadd.f32 v9, v46;
	v6 =	vmovc v16;
	v16 =	vmov v30;
	v30 =	vmov v42  }
0x1bc: {  	v37 =	vmul.f32 v45, v26;
	v34 =	vmul.f32 v34, v27;
	v40 =	vld [tilespmem:s6+$0x170];
	v8 =	vmovc v13;
	v13 =	vmovc v32;
	v32 =	vmov v44  }
0x1bd: {  	v41 =	vmul.f32 v41, v28;
	v42 =	vld [tilespmem:s6+$0xFFFFFE00];
	v44 =	vmul.f32 v50, v29;
	v35 =	vadd.f32 v46, v35;
	v9 =	vmovc v15  }
0x1be: {  	v15 =	vmov v33;
	v33 =	vmov v39;
	v45 =	vld [tilespmem:s6+$0xFFFFFE10];
	v36 =	vmul.f32 v36, v22  }
0x1bf: {  	v37 =	vadd.f32 v41, v37;
	v39 =	vld [tilespmem:s6+$0xFFFFFE20];
	v34 =	vadd.f32 v44, v34;
	v38 =	vmul.f32 v38, v21  }
0x1c0: {  	v44 =	vperm.xlane v35, v0;
	v41 =	vld [tilespmem:s6+$0xFFFFFE30];
	v43 =	vmul.f32 v43, v19  }
0x1c1: {  	v36 =	vadd.f32 v36, v37;
	v46 =	vld [tilespmem:s6+$0xFFFFFE40];
	v34 =	vadd.f32 v38, v34;
	v37 =	vmul.f32 v40, v18  }
0x1c2: {  	v35 =	vadd.f32 v35, v44;
	v38 =	vmul.f32 v42, v25;
	v40 =	vld [tilespmem:s6+$0xFFFFFE50]  }
0x1c3: {  	v36 =	vadd.f32 v43, v36;
	v42 =	vmul.f32 v45, v20;
	v44 =	vld [tilespmem:s6+$0xFFFFFE60];
	v34 =	vadd.f32 v37, v34  }
0x1c4: {  	v37 =	vmul.f32 v39, v24;
	v39 =	vld [tilespmem:s6+$0xFFFFFE70];
	[tilespmem:s18+$0x4000] =	vst v35;
	s18 =	smov.u32 s20;
	s20 =	smov.u32 s7;
	s7 =	smov.u32 s11  }
0x1c5: {  	v35 =	vmul.f32 v41, v23;
	v34 =	vadd.f32 v34, v36;
	v36 =	vld [tilespmem:s21+$0xFFFFFF00]  }
0x1c6: {  	v37 =	vadd.f32 v37, v38;
	v38 =	vmul.f32 v46, v31;
	v41 =	vld [tilespmem:s21+$0xFFFFFF10]  }
0x1c7: {  	v35 =	vadd.f32 v35, v42;
	v40 =	vmul.f32 v40, v30;
	v42 =	vperm.xlane v34, v0;
	v43 =	vld [tilespmem:s21+$0xFFFFFF20]  }
0x1c8: {  	v37 =	vadd.f32 v38, v37;
	v38 =	vmul.f32 v44, v32;
	v44 =	vld [tilespmem:s21+$0xFFFFFF30]  }
0x1c9: {  	v35 =	vadd.f32 v40, v35;
	v39 =	vmul.f32 v39, v33;
	v34 =	vadd.f32 v34, v42;
	v40 =	vld [tilespmem:s21+$0xFFFFFF40]  }
0x1ca: {  	v37 =	vadd.f32 v38, v37;
	v36 =	vmul.f32 v36, v17;
	v38 =	vld [tilespmem:s21+$0xFFFFFF50]  }
0x1cb: {  	v35 =	vadd.f32 v39, v35;
	[tilespmem:s11+$0x2080] =	vst v34;
	v34 =	vmul.f32 v41, v12;
	v39 =	vld [tilespmem:s21+$0xFFFFFF60]  }
0x1cc: {  	v41 =	vld [tilespmem:s6+$0x180];
	v42 =	vmul.f32 v43, v10  }
0x1cd: {  	v35 =	vadd.f32 v35, v37;
	v43 =	vld [tilespmem:s6+$0x190];
	v37 =	vmul.f32 v44, v11  }
0x1ce: {  	v44 =	vld [tilespmem:s6+$0x1A0];
	v36 =	vadd.f32 v42, v36;
	v40 =	vmul.f32 v40, v14  }
0x1cf: {  	v42 =	vperm.xlane v35, v0;
	v45 =	vld [tilespmem:s6+$0x1B0];
	v34 =	vadd.f32 v37, v34;
	v37 =	vmul.f32 v38, v16  }
0x1d0: {  	v46 =	vld [tilespmem:s6+$0x1C0];
	v36 =	vadd.f32 v40, v36;
	v38 =	vmul.f32 v39, v13  }
0x1d1: {  	v39 =	vadd.f32 v35, v42;
	v47 =	vld [tilespmem:s6+$0x1D0];
	v35 =	vadd.f32 v37, v34  }
.Ltmp2:
0x1d2: {  	v37 =	vld [tilespmem:s6+$0x1E0];
	v34 =	vadd.f32 v38, v36;
	(pc) =	sbr.rel @p1 .LBB2_3-.Ltmp2, $4  }
0x1d3: {  	v42 =	vmul.f32 v41, v26;
	v43 =	vmul.f32 v43, v27;
	[tilespmem:s11+$0x1000] =	vst v39;
	v38 =	vld [tilespmem:s6+$0x1F0]  }
0x1d4: {  	v44 =	vmul.f32 v44, v28;
	v36 =	vld [tilespmem:s6+$0xFFFFFE80];
	v45 =	vmul.f32 v45, v29  }
0x1d5: {  	v39 =	vld [tilespmem:s6+$0xFFFFFE90];
	v41 =	vmul.f32 v46, v22  }
0x1d6: {  	s14 =	sadd.s32 $0x100, s14;
	v42 =	vadd.f32 v44, v42;
	v40 =	vld [tilespmem:s6+$0xFFFFFEA0];
	v43 =	vadd.f32 v45, v43;
	v44 =	vmul.f32 v47, v21  }
0x1d7: {  	v49 =	vld [tilespmem:s9+$0xFFFFFEB0]  }
0x1d8: {  	v37 =	vmul.f32 v37, v19;
	v50 =	vld [tilespmem:s9+$0xFFFFFEC0]  }
0x1d9: {  	v51 =	vld [tilespmem:s9+$0xFFFFFED0];
	v41 =	vadd.f32 v41, v42;
	v48 =	vadd.f32 v44, v43;
	v38 =	vmul.f32 v38, v18  }
0x1da: {  	v52 =	vld [tilespmem:s9+$0xFFFFFEE0];
	v36 =	vmul.f32 v36, v25  }
0x1db: {  	v53 =	vld [tilespmem:s9+$0xFFFFFEF0];
	v37 =	vadd.f32 v37, v41;
	v38 =	vadd.f32 v38, v48;
	v39 =	vmul.f32 v39, v20  }
0x1dc: {  	v40 =	vmul.f32 v40, v24;
	v43 =	vmul.f32 v49, v23  }
0x1dd: {  	v37 =	vadd.f32 v38, v37;
	v54 =	vmul.f32 v50, v31  }
0x1de: {  	v55 =	vmul.f32 v51, v30;
	v36 =	vadd.f32 v40, v36;
	v39 =	vadd.f32 v43, v39  }
0x1df: {  	v56 =	vmul.f32 v52, v32;
	v45 =	vperm.xlane v37, v0  }
0x1e0: {  	v58 =	vmul.f32 v53, v33;
	v36 =	vadd.f32 v54, v36;
	v57 =	vadd.f32 v55, v39  }
0x1e1: {  	v61 =	vld [tilespmem:s21+$0xFFFFFF70];
	v37 =	vadd.f32 v37, v45  }
0x1e2: {  	v46 =	vld [tilespmem:s19+$0xFFFFFF80];
	v36 =	vadd.f32 v56, v36;
	v59 =	vadd.f32 v58, v57  }
0x1e3: {  	v52 =	vld [tilespmem:s19+$0xFFFFFF90]  }
0x1e4: {  	v53 =	vld [tilespmem:s19+$0xFFFFFFA0];
	[tilespmem:s11+$0x3080] =	vst v37;
	v36 =	vadd.f32 v59, v36  }
0x1e5: {  	v40 =	vld [tilespmem:s9+$0x200]  }
0x1e6: {  	v41 =	vld [tilespmem:s9+$0x210];
	v60 =	vperm.xlane v36, v0  }
0x1e7: {  	v38 =	vld [tilespmem:s9+$0x220]  }
0x1e8: {  	v39 =	vld [tilespmem:s9+$0x230];
	v36 =	vadd.f32 v36, v60  }
0x1e9: {  	v37 =	vld [tilespmem:s9+$0x240]  }
0x1ea: {  	v42 =	vld [tilespmem:s9+$0x250];
	[tilespmem:s7+$0x2000] =	vst v36  }
0x1eb: {  	v43 =	vmul.f32 v61, v15;
	v36 =	vld [tilespmem:s9+$0xFFFFFF00]  }
0x1ec: {  	v47 =	vld [tilespmem:s9+$0xFFFFFF10]  }
0x1ed: {  	v35 =	vadd.f32 v43, v35;
	v48 =	vld [tilespmem:s9+$0xFFFFFF20]  }
0x1ee: {  	v49 =	vld [tilespmem:s9+$0xFFFFFF30]  }
0x1ef: {  	v34 =	vadd.f32 v35, v34;
	v50 =	vld [tilespmem:s9+$0xFFFFFF40]  }
0x1f0: {  	v62 =	vld [tilespmem:s9+$0xFFFFFF50]  }
0x1f1: {  	v58 =	vperm.xlane v34, v0;
	v51 =	vld [tilespmem:s9+$0xFFFFFF60]  }
0x1f2: {  	v57 =	vld [tilespmem:s9+$0xFFFFFF70];
	v63 =	vmul.f32 v36, v25;
	v56 =	vmul.f32 v48, v24  }
0x1f3: {  	v44 =	vld [tilespmem:s9+$0x260];
	v34 =	vadd.f32 v34, v58;
	v47 =	vmul.f32 v47, v20;
	v49 =	vmul.f32 v49, v23  }
0x1f4: {  	v45 =	vld [tilespmem:s9+$0x270];
	v50 =	vmul.f32 v50, v31  }
0x1f5: {  	v60 =	vld [tilespmem:s19+$0xFFFFFFE0];
	[tilespmem:s20+$0x3000] =	vst v34;
	v43 =	vmul.f32 v62, v30;
	v35 =	vadd.f32 v56, v63;
	v47 =	vadd.f32 v49, v47  }
0x1f6: {  	v54 =	vld [tilespmem:s21+$0xFFFFFFA0];
	v51 =	vmul.f32 v51, v32  }
0x1f7: {  	v55 =	vld [tilespmem:s21+$0xFFFFFFB0];
	v59 =	vmul.f32 v57, v33;
	v35 =	vadd.f32 v50, v35;
	v43 =	vadd.f32 v43, v47  }
0x1f8: {  	v58 =	vld [tilespmem:s21+$0xFFFFFFD0]  }
0x1f9: {  	v36 =	vld [tilespmem:s19+$0xFFFFFFC0];
	v61 =	vadd.f32 v51, v35;
	v43 =	vadd.f32 v59, v43  }
0x1fa: {  	v62 =	vld [tilespmem:s19+$0xFFFFFFF0]  }
0x1fb: {  	v5 =	vmul.f32 v46, v5;
	v4 =	vmul.f32 v53, v4;
	v49 =	vld [tilespmem:s19+$0xFFFFFFB0];
	v34 =	vadd.f32 v43, v61  }
0x1fc: {  	v2 =	vmul.f32 v52, v2;
	v26 =	vmul.f32 v40, v26;
	v57 =	vld [tilespmem:s21+$0xFFFFFFC0]  }
0x1fd: {  	v27 =	vmul.f32 v41, v27;
	v50 =	vld [tilespmem:s19+$0xFFFFFFD0];
	v56 =	vperm.xlane v34, v0  }
0x1fe: {  	v4 =	vadd.f32 v4, v5;
	v28 =	vmul.f32 v38, v28;
	v29 =	vmul.f32 v39, v29;
	v63 =	vld [tilespmem:s21+$0xFFFFFF80]  }
0x1ff: {  	v22 =	vmul.f32 v37, v22;
	v5 =	vmul.f32 v36, v7;
	v7 =	vld [tilespmem:s21+$0xFFFFFFF0];
	v34 =	vadd.f32 v34, v56  }
0x200: {  	v21 =	vmul.f32 v42, v21;
	v26 =	vadd.f32 v28, v26;
	v51 =	vld [tilespmem:s21+$0xFFFFFF90];
	v3 =	vmul.f32 v49, v3  }
0x201: {  	v19 =	vmul.f32 v44, v19;
	v18 =	vmul.f32 v45, v18;
	v27 =	vadd.f32 v29, v27;
	v59 =	vld [tilespmem:s21+$0xFFFFFFE0];
	[tilespmem:s7+$0x3000] =	vst v34  }
0x202: {  	v22 =	vadd.f32 v22, v26;
	v2 =	vadd.f32 v3, v2;
	v3 =	vmul.f32 v50, v6;
	v6 =	vld [tilespmem:s9+$0xFFFFFF80]  }
0x203: {  	v21 =	vadd.f32 v21, v27;
	v4 =	vadd.f32 v5, v4;
	v5 =	vmul.f32 v60, v8;
	v8 =	vld [tilespmem:s9+$0xFFFFFF90]  }
0x204: {  	v19 =	vadd.f32 v19, v22;
	v2 =	vadd.f32 v3, v2;
	v3 =	vmul.f32 v62, v9;
	v60 =	vld [tilespmem:s9+$0xFFFFFFA0]  }
0x205: {  	v18 =	vadd.f32 v18, v21;
	v4 =	vadd.f32 v5, v4;
	v5 =	vld [tilespmem:s9+$0xFFFFFFB0]  }
0x206: {  	v10 =	vmul.f32 v54, v10;
	v2 =	vadd.f32 v3, v2;
	v3 =	vmul.f32 v63, v17;
	v17 =	vld [tilespmem:s9+$0xFFFFFFC0]  }
0x207: {  	v11 =	vmul.f32 v55, v11;
	v18 =	vadd.f32 v18, v19;
	v12 =	vmul.f32 v51, v12;
	v19 =	vld [tilespmem:s9+$0xFFFFFFD0]  }
0x208: {  	v2 =	vadd.f32 v2, v4;
	v4 =	vmul.f32 v57, v14;
	v14 =	vmul.f32 v58, v16;
	v16 =	vld [tilespmem:s9+$0xFFFFFFE0]  }
0x209: {  	v3 =	vadd.f32 v10, v3;
	v61 =	vld [tilespmem:s9+$0xFFFFFFF0];
	v6 =	vmul.f32 v6, v25;
	v9 =	vmul.f32 v60, v24  }
0x20a: {  	v11 =	vadd.f32 v11, v12;
	v8 =	vmul.f32 v8, v20;
	v5 =	vmul.f32 v5, v23  }
0x20b: {  	v3 =	vadd.f32 v4, v3;
	v4 =	vadd.f32 v9, v6;
	v6 =	vmul.f32 v17, v31  }
0x20c: {  	v7 =	vmul.f32 v7, v15;
	v5 =	vadd.f32 v5, v8;
	v8 =	vmul.f32 v19, v30  }
0x20d: {  	v62 =	vmul.f32 v59, v13;
	v11 =	vadd.f32 v14, v11;
	v4 =	vadd.f32 v6, v4  }
0x20e: {  	s6 =	simm.s32 $0x0;
	s14 =	simm.s32 $0xFFFFFFFB;
	v6 =	vmul.f32 v16, v32;
	v5 =	vadd.f32 v8, v5;
	v8 =	vmul.f32 v61, v33  }
0x20f: {  	p1 =	por $0x0, $0x0;
	s14 =	smin.u32 s6, s14;
	s6 =	simm.s32 $0x10;
	v3 =	vadd.f32 v62, v3;
	v7 =	vadd.f32 v7, v11  }
0x210: {  	s6 =	simm.s32 @!p1 $0x0;
	s9 =	sshll.u32 s14, $0x5;
	v4 =	vadd.f32 v6, v4;
	v5 =	vadd.f32 v8, v5  }
0x211: {  	s9 =	sor.u32 s6, s9;
	v3 =	vadd.f32 v7, v3;
	v7 =	vperm.xlane v2, v0  }
0x212: {  	v6 =	vperm.xlane v18, v0;
	v4 =	vadd.f32 v5, v4;
	v5 =	vmov s9  }
0x213: {  	v2 =	vadd.f32 v2, v7;
	v8 =	vperm.xlane v3, v0;
	v5 =	vshll.u32 v5, $0x7  }
0x214: {  	v6 =	vadd.f32 v18, v6;
	v7 =	vperm.xlane v4, v0;
	v63 =	vor.u32 v1, v5  }
0x215: {  	[tilespmem:s18+$0x4000] =	vst v2;
	v3 =	vadd.f32 v3, v8;
	v5 =	vor.u32 $0x1, v63  }
0x216: {  	s10 =	simm.s32 $0xFFFFFFFC;
	p2 =	por $0x1, $0x1;
	s19 =	simm.s32 $0x1;
	[tilespmem:s11+$0x4080] =	vst v6;
	v6 =	vor.u32 $0x2, v63;
	v2 =	vadd.f32 v4, v7  }
0x217: {  	p1 =	por $0x0, $0x0;
	s9 =	smin.u32 s19, s10;
	s10 =	simm.s32 $0x10;
	[tilespmem:s20+$0x4000] =	vst v3;
	v7 =	vor.u32 $0x3, v63  }
.Ltmp3:
0x218: {  	s21 =	sshll.u32 s9, $0x5;
	s10 =	simm.s32 @!p1 $0x0;
	[tilespmem:s7+$0x4000] =	vst v2;
	(pc) =	sbr.rel @!p2 .LBB2_5-.Ltmp3, $4  }
0x219: {  	s7 =	sor.u32 s10, s21;
	v3 =	vld.idx.msk [tilespmem:v63+s31+$0x0], $0xffff  }
0x21a: {  	v17 =	vor.u32 $0x4, v63;
	v8 =	vmov s7;
	v4 =	vld.idx.msk [tilespmem:v5+s31+$0x0], $0xffff  }
0x21b: {  	v20 =	vor.u32 $0x5, v63;
	v15 =	vor.u32 $0x6, v63;
	v5 =	vld.idx.msk [tilespmem:v6+s31+$0x0], $0xffff;
	v8 =	vshll.u32 v8, $0x7  }
0x21c: {  	p1 =	por $0x0, $0x0;
	v16 =	vor.u32 $0x7, v63;
	v2 =	vmov s6;
	s6 =	simm.s32 $0x2;
	v6 =	vld.idx.msk [tilespmem:v7+s31+$0x0], $0xffff;
	v13 =	vor.u32 v1, v8  }
0x21d: {  	_ =	sdelay $0x3  }
0x21e: {  	v18 =	vld.idx.msk [tilespmem:v17+s31+$0x0], $0xffff;
	v7 =	vor.u32 $0x1, v13  }
0x21f: {  	s7 =	simm.s32 $0xFFFFFFFD;
	v21 =	vld.idx.msk [tilespmem:v20+s31+$0x0], $0xffff;
	v10 =	vor.u32 $0x2, v13  }
0x220: {  	p1 =	por $0x0, $0x0;
	v23 =	vld.idx.msk [tilespmem:v15+s31+$0x0], $0xffff;
	v11 =	vor.u32 $0x3, v13;
	s6 =	smin.u32 s6, s7;
	s7 =	simm.s32 $0x10  }
0x221: {  	v24 =	vld.idx.msk [tilespmem:v16+s31+$0x0], $0xffff;
	v12 =	vor.u32 $0x4, v13;
	s11 =	sshll.u32 s6, $0x5;
	s7 =	simm.s32 @!p1 $0x0  }
0x222: {  	v8 =	vld.idx.msk [tilespmem:v13+s31+$0x0], $0xffff;
	v14 =	vor.u32 $0x5, v13;
	v19 =	vor.u32 $0x6, v13;
	v13 =	vor.u32 $0x7, v13;
	s11 =	sor.u32 s7, s11  }
0x223: {  	v15 =	vmov s14;
	v16 =	vmov s11;
	v9 =	vld.idx.msk [tilespmem:v7+s31+$0x0], $0xffff  }
0x224: {  	v15 =	vand.u32 $0x7F, v15;
	v7 =	vshll.u32 v16, $0x7;
	v10 =	vld.idx.msk [tilespmem:v10+s31+$0x0], $0xffff  }
0x225: {  	v15 =	vbroadcast v15, $0x0;
	v4 =	vadd.f32 v4, v3;
	v11 =	vld.idx.msk [tilespmem:v11+s31+$0x0], $0xffff;
	v16 =	vor.u32 v1, v7  }
0x226: {  	v5 =	vadd.f32 v6, v5;
	v12 =	vld.idx.msk [tilespmem:v12+s31+$0x0], $0xffff;
	v21 =	vadd.f32 v21, v18;
	v25 =	vor.u32 $0x1, v16  }
0x227: {  	s19 =	simm.s32 $0x3;
	s20 =	simm.s32 $0xFFFFFFFE;
	p2 =	por $0x1, $0x1;
	v22 =	vld.idx.msk [tilespmem:v13+s31+$0x0], $0xffff;
	v23 =	vadd.f32 v24, v23;
	v13 =	vmov s10;
	v26 =	vor.u32 $0x2, v16  }
0x228: {  	p1 =	por $0x0, $0x0;
	s11 =	simm.s32 $0x10;
	v14 =	vld.idx.msk [tilespmem:v14+s31+$0x0], $0xffff;
	v7 =	vshll.u32 v2, $0x7;
	v2 =	vmov s7;
	s7 =	smin.u32 s19, s20;
	v27 =	vor.u32 $0x3, v16  }
.Ltmp4:
0x229: {  	v19 =	vld.idx.msk [tilespmem:v19+s31+$0x0], $0xffff;
	s11 =	simm.s32 @!p1 $0x0;
	v24 =	vmov s9;
	v18 =	vadd.f32 v5, v4;
	v17 =	vor.u32 $0x4, v16;
	s21 =	sshll.u32 s7, $0x5;
	(pc) =	sbr.rel @!p2 .LBB2_7-.Ltmp4, $4  }
0x22a: {  	v24 =	vand.u32 $0x7F, v24;
	v7 =	vor.u32 v1, v7;
	v20 =	vor.u32 $0x5, v16;
	s14 =	sor.u32 s11, s21;
	v3 =	vld.idx.msk [tilespmem:v16+s31+$0x0], $0xffff  }
0x22b: {  	v7 =	vor.u32 v15, v7;
	v15 =	vor.u32 $0x6, v16;
	v6 =	vmov s14;
	v4 =	vld.idx.msk [tilespmem:v25+s31+$0x0], $0xffff  }
0x22c: {  	v16 =	vor.u32 $0x7, v16;
	v5 =	vld.idx.msk [tilespmem:v26+s31+$0x0], $0xffff;
	v25 =	vshll.u32 v6, $0x7;
	v26 =	vshll.u32 v13, $0x7  }
0x22d: {  	s9 =	simm.s32 $0x4;
	p1 =	por $0x1, $0x1;
	v24 =	vbroadcast v24, $0x0;
	v6 =	vld.idx.msk [tilespmem:v27+s31+$0x0], $0xffff;
	v13 =	vor.u32 v1, v25;
	v25 =	vor.u32 v1, v26  }
.LBB2_8:
0x22e: {  	p2 =	slt.u32 s9, $0x8;
	v26 =	vld.idx.msk [tilespmem:v17+s31+$0x0], $0xffff;
	v17 =	vor.u32 $0x1, v13;
	v8 =	vadd.f32 v9, v8;
	v9 =	vadd.f32 v11, v10  }
0x22f: {  	s10 =	sadd.s32 $0xFFFFFFFB, s9;
	v10 =	vor.u32 $0x2, v13;
	v11 =	vadd.f32 v14, v12;
	v12 =	vadd.f32 v22, v19;
	v27 =	vld.idx.msk [tilespmem:v20+s31+$0x0], $0xffff  }
0x230: {  	p3 =	sgt.u32 s9, $0x4;
	v14 =	vor.u32 $0x3, v13;
	s18 =	simm.s32 $0x10;
	s10 =	smin.u32 s9, s10;
	v19 =	vor.u32 v24, v25;
	v28 =	vld.idx.msk [tilespmem:v15+s31+$0x0], $0xffff;
	v15 =	vadd.f32 v23, v21  }
0x231: {  	s18 =	simm.s32 @!p3 $0x0;
	s14 =	sshll.u32 s10, $0x5;
	v20 =	vadd.f32 v9, v8;
	v11 =	vadd.f32 v12, v11;
	v23 =	vld.idx.msk [tilespmem:v16+s31+$0x0], $0xffff;
	v16 =	vor.u32 $0x4, v13  }
0x232: {  	v12 =	vmov s6;
	v21 =	vor.u32 $0x5, v13;
	s6 =	smov.u32 s10;
	s14 =	sor.u32 s18, s14;
	v8 =	vld.idx.msk [tilespmem:v13+s31+$0x0], $0xffff;
	v15 =	vadd.f32 v15, v18  }
0x233: {  	v22 =	vor.u32 $0x6, v13;
	v18 =	vmov s14;
	v9 =	vld.idx.msk [tilespmem:v17+s31+$0x0], $0xffff;
	v17 =	vadd.f32 v11, v20  }
0x234: {  	v12 =	vand.u32 $0x7F, v12;
	v13 =	vor.u32 $0x7, v13;
	v11 =	vshll.u32 v18, $0x7;
	v10 =	vld.idx.msk [tilespmem:v10+s31+$0x0], $0xffff;
	[tilespmem:v7+s0+$0x0] =	vst.idx.msk $0xffff, v15  }
0x235: {  	v18 =	vor.u32 v1, v11;
	v7 =	vshll.u32 v2, $0x7;
	v15 =	vbroadcast v12, $0x0;
	v11 =	vld.idx.msk [tilespmem:v14+s31+$0x0], $0xffff;
	[tilespmem:v19+s0+$0x0] =	vst.idx.msk $0xffff, v17  }
0x236: {  	v2 =	vmov s18;
	v24 =	vor.u32 $0x1, v18;
	v7 =	vor.u32 v1, v7;
	v12 =	vld.idx.msk [tilespmem:v16+s31+$0x0], $0xffff  }
0x237: {  	s10 =	sadd.s32 $0x1, s9;
	s14 =	sadd.s32 $0xFFFFFFFC, s9;
	v25 =	vor.u32 $0x2, v18;
	v29 =	vor.u32 $0x3, v18;
	v7 =	vor.u32 v15, v7;
	v14 =	vld.idx.msk [tilespmem:v21+s31+$0x0], $0xffff  }
0x238: {  	p3 =	sgt.u32 s9, $0x3;
	v4 =	vadd.f32 v4, v3;
	v5 =	vadd.f32 v6, v5;
	s10 =	smin.u32 s10, s14;
	s18 =	simm.s32 $0x10;
	v17 =	vor.u32 $0x4, v18;
	v19 =	vld.idx.msk [tilespmem:v22+s31+$0x0], $0xffff  }
.Ltmp5:
0x239: {  	s14 =	sshll.u32 s10, $0x5;
	v20 =	vor.u32 $0x5, v18;
	s18 =	simm.s32 @!p3 $0x0;
	v15 =	vor.u32 $0x6, v18;
	v21 =	vadd.f32 v27, v26;
	v22 =	vld.idx.msk [tilespmem:v13+s31+$0x0], $0xffff;
	(pc) =	sbr.rel @p2 .LBB2_8-.Ltmp5, $4  }
0x23a: {  	v16 =	vor.u32 $0x7, v18;
	s14 =	sor.u32 s18, s14;
	v23 =	vadd.f32 v23, v28;
	v3 =	vld.idx.msk [tilespmem:v18+s31+$0x0], $0xffff;
	v18 =	vadd.f32 v5, v4  }
0x23b: {  	v6 =	vmov s14;
	v13 =	vmov s11;
	s11 =	smov.u32 s18;
	v4 =	vld.idx.msk [tilespmem:v24+s31+$0x0], $0xffff;
	v24 =	vmov s7;
	s7 =	smov.u32 s10  }
0x23c: {  	v26 =	vshll.u32 v13, $0x7;
	v5 =	vld.idx.msk [tilespmem:v25+s31+$0x0], $0xffff;
	v25 =	vshll.u32 v6, $0x7;
	v24 =	vand.u32 $0x7F, v24  }
0x23d: {  	s9 =	sadd.s32 $0x2, s9;
	v6 =	vld.idx.msk [tilespmem:v29+s31+$0x0], $0xffff;
	v13 =	vor.u32 v1, v25;
	v24 =	vbroadcast v24, $0x0;
	v25 =	vor.u32 v1, v26  }
0x23e: {  	s14 =	smov.u32 s6;
	s10 =	smov.u32 s11;
	s9 =	smov.u32 s7  }
.LBB2_10:
0x23f: {  	_ =	sdelay $0x3  }
0x240: {  	v17 =	vld.idx.msk [tilespmem:v17+s31+$0x0], $0xffff;
	v26 =	vor.u32 $0x1, v13  }
0x241: {  	v20 =	vld.idx.msk [tilespmem:v20+s31+$0x0], $0xffff;
	v27 =	vor.u32 $0x2, v13  }
0x242: {  	v15 =	vld.idx.msk [tilespmem:v15+s31+$0x0], $0xffff;
	v28 =	vor.u32 $0x3, v13  }
0x243: {  	v16 =	vld.idx.msk [tilespmem:v16+s31+$0x0], $0xffff;
	v29 =	vor.u32 $0x4, v13  }
0x244: {  	v30 =	vld.idx.msk [tilespmem:v13+s31+$0x0], $0xffff;
	v31 =	vor.u32 $0x5, v13  }
0x245: {  	v32 =	vor.u32 $0x6, v13;
	v26 =	vld.idx.msk [tilespmem:v26+s31+$0x0], $0xffff  }
0x246: {  	v8 =	vadd.f32 @p1 v9, v8;
	v9 =	vadd.f32 @p1 v11, v10;
	v11 =	vor.u32 $0x7, v13;
	v10 =	vld.idx.msk [tilespmem:v27+s31+$0x0], $0xffff  }
0x247: {  	v12 =	vadd.f32 @p1 v14, v12;
	v13 =	vadd.f32 @p1 v22, v19;
	v14 =	vld.idx.msk [tilespmem:v28+s31+$0x0], $0xffff  }
0x248: {  	v19 =	vadd.f32 @p1 v23, v21;
	v21 =	vmov s14;
	v22 =	vld.idx.msk [tilespmem:v29+s31+$0x0], $0xffff  }
0x249: {  	v2 =	vshll.u32 v2, $0x7;
	v8 =	vadd.f32 @p1 v9, v8;
	v9 =	vadd.f32 @p1 v13, v12;
	v13 =	vld.idx.msk [tilespmem:v31+s31+$0x0], $0xffff  }
0x24a: {  	v2 =	vor.u32 v1, v2;
	v3 =	vadd.f32 v4, v3;
	v12 =	vand.u32 $0x7F, v21;
	v23 =	vld.idx.msk [tilespmem:v32+s31+$0x0], $0xffff  }
0x24b: {  	v21 =	vor.u32 @p1 v24, v25;
	v12 =	vbroadcast v12, $0x0;
	v8 =	vadd.f32 @p1 v9, v8;
	v9 =	vld.idx.msk [tilespmem:v11+s31+$0x0], $0xffff  }
0x24c: {  	v18 =	vadd.f32 @p1 v19, v18;
	v4 =	vadd.f32 v6, v5;
	v6 =	vmov s10  }
0x24d: {  	v6 =	vshll.u32 v6, $0x7;
	v2 =	vor.u32 v12, v2;
	v11 =	vmov s9  }
0x24e: {  	v5 =	vadd.f32 v20, v17;
	v12 =	vadd.f32 v16, v15;
	v11 =	vand.u32 $0x7F, v11  }
0x24f: {  	v11 =	vbroadcast v11, $0x0;
	v15 =	vadd.f32 v26, v30;
	v10 =	vadd.f32 v14, v10  }
0x250: {  	v6 =	vor.u32 v1, v6;
	v13 =	vadd.f32 v13, v22;
	v9 =	vadd.f32 v9, v23  }
0x251: {  	v3 =	vadd.f32 v4, v3;
	v4 =	vadd.f32 v12, v5;
	v5 =	vor.u32 v11, v6  }
0x252: {  	v6 =	vadd.f32 v10, v15;
	v9 =	vadd.f32 v9, v13  }
0x253: {  	[tilespmem:v7+s0+$0x0] =	vst.idx.msk @p1 $0xffff, v18;
	v3 =	vadd.f32 v4, v3  }
0x254: {  	s6 =	sadd.s32 s8, s22;
	[tilespmem:v21+s0+$0x0] =	vst.idx.msk @p1 $0xffff, v8;
	v4 =	vadd.f32 v9, v6  }
0x255: {  	s6 =	sshll.u32 s6, $0x9;
	[tilespmem:v2+s0+$0x0] =	vst.idx.msk $0xffff, v3  }
0x256: {  	s6 =	sadd.s32 s5, s6;
	p1 =	seq.s32 s16, $0x7;
	[tilespmem:v5+s0+$0x0] =	vst.idx.msk $0xffff, v4  }
0x257: {  	[hbm4b:s6+s4] =	stream.linear.scatter [tilespmem:s0], [sflag:$0x3], $0x1000, $0x38;
	[tilespmem:$0x13C00] =	vst v63  }
0x258: {  	s6 =	sadd.s32 @!p1 $0x2, s22  }
0x259: {  	s9 =	simm.s32 @!p1 $0x20;
	s7 =	sshll.u32 @!p1 s6, $0x5  }
0x25a: {  	s10 =	simm.s32 @!p1 $0xC00;
	s6 =	smul.u32 @!p1 $0x280, s6;
	s7 =	sand.u32 @!p1 $0x3FFFFFE0, s7  }
0x25b: {  	[tilespmem:s10], [sflag:$0x1] =	stream.indirect.gather @!p1 [hbm4b:s1+s9], $0x80, s7, s9, $0xb8;
	[tilespmem:$0x13C00] =	vst v63  }
0x25c: {  	s6 =	sshra.s32 @!p1 s6, $0x2  }
0x25d: {  	s10 =	simm.s32 @!p1 $0x2C00;
	s7 =	sadd.s32 @!p1 $0x200, s6  }
0x25e: {  	[tilespmem:s10], [sflag:$0x1] =	stream.indirect.gather @!p1 [hbm4b:s3+s9], $0x80, s7, s9, $0xb8;
	[tilespmem:$0x13C00] =	vst v63  }
0x25f: {  	s7 =	sadd.s32 @!p1 $0x220, s6;
	s10 =	simm.s32 @!p1 $0x3C00  }
0x260: {  	[tilespmem:s10], [sflag:$0x1] =	stream.indirect.gather @!p1 [hbm4b:s3+s9], $0x80, s7, s9, $0xb8;
	[tilespmem:$0x13C00] =	vst v63  }
0x261: {  	s7 =	sadd.s32 @!p1 $0x240, s6;
	s10 =	simm.s32 @!p1 $0x4C00  }
0x262: {  	[tilespmem:s10], [sflag:$0x1] =	stream.indirect.gather @!p1 [hbm4b:s3+s9], $0x80, s7, s9, $0xb8;
	[tilespmem:$0x13C00] =	vst v63  }
0x263: {  	s7 =	sadd.s32 @!p1 $0x260, s6;
	s10 =	simm.s32 @!p1 $0x5C00  }
0x264: {  	[tilespmem:s10], [sflag:$0x1] =	stream.indirect.gather @!p1 [hbm4b:s3+s9], $0x80, s7, s9, $0xb8;
	[tilespmem:$0x13C00] =	vst v63  }
0x265: {  	s6 =	sadd.s32 @!p1 $0x280, s6;
	s7 =	simm.s32 @!p1 $0x6C00  }
0x266: {  	[tilespmem:s7], [sflag:$0x1] =	stream.indirect.gather @!p1 [hbm4b:s3+s9], $0x80, s6, s9, $0xb8;
	[tilespmem:$0x13C00] =	vst v63  }
0x267: {  	_ =	swait.ge [sflag:s2], $0x1000  }
0x268: {  	[sflag:s2] =	ssyncset.done $0x0  }
0x269: {  	[sflag:s2] =	ssyncadd.s32 $0xFFFFF000  }
0x26a: {  	_ =	swait.ge [sflag:s2], $0x5000  }
0x26b: {  	[sflag:s2] =	ssyncset.done $0x0  }
0x26c: {  	s6 =	simm.s32 @!p0 $0x3;
	[sflag:s2] =	ssyncadd.s32 $0xFFFFB000  }
0x26d: {  	_ =	swait.ge @!p0 [sflag:s6], $0x1000  }
0x26e: {  	[sflag:s6] =	ssyncset.done @!p0 $0x0  }
0x26f: {  	s11 =	simm.s32 $0x1C80;
	[sflag:s6] =	ssyncadd.s32 @!p0 $0xFFFFF000  }
0x270: {  	v61 =	vld [tilespmem:s11+$0x60]  }
0x271: {  	v21 =	vld [tilespmem:s11+$0x70]  }
0x272: {  	v58 =	vld [tilespmem:s11+$0x40]  }
0x273: {  	v60 =	vld [tilespmem:s11+$0x50]  }
0x274: {  	v53 =	vld [tilespmem:s11+$0x0]  }
0x275: {  	v54 =	vld [tilespmem:s11+$0x10]  }
0x276: {  	v55 =	vld [tilespmem:s11+$0x20]  }
0x277: {  	s19 =	simm.s32 $0x7E80;
	v57 =	vld [tilespmem:s11+$0x30]  }
0x278: {  	v2 =	vld [tilespmem:s19+$0x0]  }
0x279: {  	v3 =	vld [tilespmem:s19+$0x10]  }
0x27a: {  	v4 =	vld [tilespmem:s19+$0x20]  }
0x27b: {  	v5 =	vld [tilespmem:s19+$0x30]  }
0x27c: {  	v6 =	vld [tilespmem:s19+$0x40]  }
0x27d: {  	v7 =	vld [tilespmem:s19+$0x50]  }
0x27e: {  	v8 =	vld [tilespmem:s19+$0x60]  }
0x27f: {  	v9 =	vld [tilespmem:s19+$0x70];
	v2 =	vmul.f32 v2, v53;
	v4 =	vmul.f32 v4, v55  }
0x280: {  	v3 =	vmul.f32 v3, v54;
	v5 =	vmul.f32 v5, v57  }
0x281: {  	v2 =	vadd.f32 v4, v2;
	v4 =	vmul.f32 v6, v58  }
0x282: {  	v3 =	vadd.f32 v5, v3;
	v5 =	vmul.f32 v7, v60  }
0x283: {  	v2 =	vadd.f32 v4, v2  }
0x284: {  	v4 =	vmul.f32 v8, v61;
	v3 =	vadd.f32 v5, v3;
	v5 =	vmul.f32 v9, v21;
	_ =	sdelay $0x1  }
0x285: {  	v6 =	vadd.f32 v4, v2;
	v3 =	vadd.f32 v5, v3  }
0x286: {  	v10 =	vld [tilespmem:s19+$0xFFFFFD80]  }
0x287: {  	v11 =	vld [tilespmem:s19+$0xFFFFFDA0];
	v5 =	vadd.f32 v3, v6  }
0x288: {  	v12 =	vld [tilespmem:s19+$0xFFFFFDB0]  }
0x289: {  	v20 =	vld [tilespmem:s19+$0xFFFFFDC0];
	v6 =	vperm.xlane v5, v0  }
0x28a: {  	v9 =	vld [tilespmem:s19+$0xFFFFFD90]  }
0x28b: {  	v2 =	vld [tilespmem:s11+$0xFFFFFF90];
	v6 =	vadd.f32 v5, v6  }
0x28c: {  	s18 =	simm.s32 $0xEC00;
	v4 =	vld [tilespmem:s11+$0xFFFFFFA0]  }
0x28d: {  	v3 =	vld [tilespmem:s11+$0xFFFFFFB0];
	[tilespmem:s18+$0x80] =	vst v6  }
0x28e: {  	v6 =	vld [tilespmem:s19+$0x80]  }
0x28f: {  	v7 =	vld [tilespmem:s19+$0x90]  }
0x290: {  	v8 =	vld [tilespmem:s19+$0xA0]  }
0x291: {  	v13 =	vld [tilespmem:s19+$0xB0]  }
0x292: {  	v14 =	vld [tilespmem:s19+$0xC0]  }
0x293: {  	v15 =	vld [tilespmem:s19+$0xD0]  }
0x294: {  	v16 =	vld [tilespmem:s19+$0xE0]  }
0x295: {  	v19 =	vld [tilespmem:s19+$0xF0];
	v17 =	vmul.f32 v6, v53;
	v18 =	vmul.f32 v7, v54  }
0x296: {  	v5 =	vld [tilespmem:s11+$0xFFFFFF80];
	v8 =	vmul.f32 v8, v55;
	v13 =	vmul.f32 v13, v57  }
0x297: {  	v7 =	vld [tilespmem:s11+$0xFFFFFFC0];
	v14 =	vmul.f32 v14, v58  }
0x298: {  	v6 =	vld [tilespmem:s11+$0xFFFFFFD0];
	v15 =	vmul.f32 v15, v60;
	v17 =	vadd.f32 v8, v17;
	v13 =	vadd.f32 v13, v18  }
0x299: {  	v16 =	vmul.f32 v16, v61;
	v18 =	vld [tilespmem:s19+$0xFFFFFDD0]  }
0x29a: {  	v8 =	vld [tilespmem:s11+$0xFFFFFFE0];
	v14 =	vadd.f32 v14, v17;
	v13 =	vadd.f32 v15, v13;
	v15 =	vmul.f32 v19, v21  }
0x29b: {  	v11 =	vmul.f32 v11, v4;
	v17 =	vmul.f32 v9, v2;
	v9 =	vld [tilespmem:s11+$0xFFFFFFF0]  }
0x29c: {  	v10 =	vmul.f32 v10, v5;
	v19 =	vld [tilespmem:s19+$0xFFFFFDE0];
	v14 =	vadd.f32 v16, v14;
	v13 =	vadd.f32 v15, v13  }
0x29d: {  	v12 =	vmul.f32 v12, v3;
	v15 =	vld [tilespmem:s19+$0xFFFFFDF0]  }
0x29e: {  	v10 =	vadd.f32 v11, v10;
	v13 =	vadd.f32 v13, v14  }
0x29f: {  	v11 =	vmul.f32 v20, v7;
	v12 =	vadd.f32 v12, v17;
	v14 =	vmul.f32 v18, v6  }
0x2a0: {  	v16 =	vperm.xlane v13, v0  }
0x2a1: {  	v10 =	vadd.f32 v11, v10;
	v11 =	vadd.f32 v14, v12  }
0x2a2: {  	v12 =	vmul.f32 v19, v8;
	v14 =	vmul.f32 v15, v9;
	v13 =	vadd.f32 v13, v16;
	_ =	sdelay $0x1  }
0x2a3: {  	v10 =	vadd.f32 v12, v10;
	v11 =	vadd.f32 v14, v11;
	[tilespmem:s18+$0x1080] =	vst v13  }
0x2a4: {  	v12 =	vld [tilespmem:s19+$0x100]  }
0x2a5: {  	v10 =	vadd.f32 v11, v10;
	v11 =	vld [tilespmem:s19+$0x110]  }
0x2a6: {  	v13 =	vld [tilespmem:s19+$0x120]  }
0x2a7: {  	v15 =	vld [tilespmem:s19+$0x130];
	v14 =	vperm.xlane v10, v0  }
0x2a8: {  	v16 =	vld [tilespmem:s19+$0x140]  }
0x2a9: {  	v10 =	vadd.f32 v10, v14;
	v14 =	vld [tilespmem:s19+$0x150]  }
0x2aa: {  	v17 =	vld [tilespmem:s19+$0x160]  }
0x2ab: {  	v11 =	vmul.f32 v11, v54;
	[tilespmem:s18+$0x0] =	vst v10;
	v10 =	vmul.f32 v12, v53;
	v12 =	vld [tilespmem:s19+$0x170]  }
0x2ac: {  	v13 =	vmul.f32 v13, v55;
	v15 =	vmul.f32 v15, v57;
	v18 =	vld [tilespmem:s19+$0xFFFFFE00]  }
0x2ad: {  	v16 =	vmul.f32 v16, v58;
	v19 =	vld [tilespmem:s19+$0xFFFFFE10]  }
0x2ae: {  	v20 =	vld [tilespmem:s19+$0xFFFFFE20];
	v11 =	vadd.f32 v15, v11;
	v10 =	vadd.f32 v13, v10;
	v13 =	vmul.f32 v14, v60  }
0x2af: {  	v15 =	vmul.f32 v17, v61;
	v14 =	vld [tilespmem:s19+$0xFFFFFE30]  }
0x2b0: {  	v17 =	vld [tilespmem:s19+$0xFFFFFE40];
	[tilespmem:$0x1FE70] =	vst v21;
	v10 =	vadd.f32 v16, v10;
	v11 =	vadd.f32 v13, v11;
	v12 =	vmul.f32 v12, v21  }
0x2b1: {  	v13 =	vld [tilespmem:s19+$0xFFFFFE50]  }
0x2b2: {  	v16 =	vld [tilespmem:s19+$0xFFFFFE60];
	v10 =	vadd.f32 v15, v10;
	v11 =	vadd.f32 v12, v11  }
0x2b3: {  	v15 =	vmul.f32 v20, v4;
	v12 =	vmul.f32 v18, v5;
	v18 =	vld [tilespmem:s19+$0xFFFFFE70]  }
0x2b4: {  	v19 =	vmul.f32 v19, v2;
	v14 =	vmul.f32 v14, v3;
	v10 =	vadd.f32 v11, v10  }
0x2b5: {  	v11 =	vadd.f32 v15, v12;
	v12 =	vmul.f32 v17, v7  }
0x2b6: {  	v14 =	vadd.f32 v14, v19;
	v13 =	vmul.f32 v13, v6;
	v15 =	vperm.xlane v10, v0  }
0x2b7: {  	s14 =	simm.s32 $0x1D80;
	v11 =	vadd.f32 v12, v11;
	v12 =	vmul.f32 v16, v8  }
0x2b8: {  	v56 =	vld [tilespmem:s14+$0x60];
	v13 =	vadd.f32 v13, v14;
	v14 =	vmul.f32 v18, v9;
	v10 =	vadd.f32 v10, v15  }
0x2b9: {  	v59 =	vld [tilespmem:s14+$0x70]  }
0x2ba: {  	v48 =	vld [tilespmem:s14+$0x40];
	v11 =	vadd.f32 v12, v11;
	v12 =	vadd.f32 v14, v13;
	[tilespmem:s18+$0x2080] =	vst v10  }
0x2bb: {  	v10 =	vld [tilespmem:s19+$0x180]  }
0x2bc: {  	v11 =	vadd.f32 v12, v11;
	v12 =	vld [tilespmem:s19+$0x190]  }
0x2bd: {  	v13 =	vld [tilespmem:s19+$0x1A0]  }
0x2be: {  	v15 =	vld [tilespmem:s19+$0x1B0];
	v14 =	vperm.xlane v11, v0  }
0x2bf: {  	v16 =	vld [tilespmem:s19+$0x1C0]  }
0x2c0: {  	v11 =	vadd.f32 v11, v14;
	v14 =	vld [tilespmem:s19+$0x1D0]  }
0x2c1: {  	v17 =	vld [tilespmem:s19+$0x1E0]  }
0x2c2: {  	v10 =	vmul.f32 v10, v53;
	v12 =	vmul.f32 v12, v54;
	[tilespmem:s18+$0x1000] =	vst v11;
	v11 =	vld [tilespmem:s19+$0x1F0]  }
0x2c3: {  	v51 =	vld [tilespmem:s14+$0x50];
	v13 =	vmul.f32 v13, v55;
	v15 =	vmul.f32 v15, v57  }
0x2c4: {  	v45 =	vld [tilespmem:s14+$0x0];
	v16 =	vmul.f32 v16, v58  }
0x2c5: {  	v44 =	vld [tilespmem:s14+$0x10];
	v10 =	vadd.f32 v13, v10;
	v12 =	vadd.f32 v15, v12;
	v13 =	vmul.f32 v14, v60  }
0x2c6: {  	v43 =	vld [tilespmem:s14+$0x20];
	v14 =	vmul.f32 v17, v61  }
0x2c7: {  	s21 =	simm.s32 $0x8380;
	v42 =	vld [tilespmem:s14+$0x30];
	v10 =	vadd.f32 v16, v10;
	v12 =	vadd.f32 v13, v12;
	v11 =	vmul.f32 v11, v21  }
0x2c8: {  	v20 =	vld [tilespmem:s21+$0x70]  }
0x2c9: {  	v19 =	vld [tilespmem:s19+$0xFFFFFE80];
	v10 =	vadd.f32 v14, v10;
	v11 =	vadd.f32 v11, v12  }
0x2ca: {  	v18 =	vld [tilespmem:s19+$0xFFFFFE90]  }
0x2cb: {  	v16 =	vld [tilespmem:s21+$0x40];
	v10 =	vadd.f32 v11, v10  }
0x2cc: {  	v13 =	vld [tilespmem:s21+$0x10]  }
0x2cd: {  	v14 =	vld [tilespmem:s21+$0x30];
	v15 =	vperm.xlane v10, v0  }
0x2ce: {  	v17 =	vld [tilespmem:s21+$0x50]  }
0x2cf: {  	v12 =	vld [tilespmem:s21+$0x0];
	v10 =	vadd.f32 v10, v15  }
0x2d0: {  	v11 =	vld [tilespmem:s21+$0x20]  }
0x2d1: {  	v21 =	vld [tilespmem:s19+$0xFFFFFEA0];
	[tilespmem:s18+$0x3080] =	vst v10  }
0x2d2: {  	v10 =	vmul.f32 v13, v44;
	v13 =	vmul.f32 v14, v42;
	v14 =	vld [tilespmem:s19+$0x240]  }
0x2d3: {  	v15 =	vld [tilespmem:s21+$0x60]  }
0x2d4: {  	v34 =	vld [tilespmem:s19+$0x200]  }
0x2d5: {  	v12 =	vmul.f32 v12, v45;
	v11 =	vmul.f32 v11, v43;
	v35 =	vld [tilespmem:s19+$0x210]  }
0x2d6: {  	v36 =	vld [tilespmem:s19+$0x220]  }
0x2d7: {  	v11 =	vadd.f32 v11, v12;
	v12 =	vmul.f32 v16, v48;
	v62 =	vld [tilespmem:s19+$0x230];
	[tilespmem:$0x1FE40] =	vst v14  }
0x2d8: {  	v10 =	vadd.f32 v13, v10;
	v13 =	vmul.f32 v17, v51;
	v14 =	vld [tilespmem:s19+$0x250]  }
0x2d9: {  	v11 =	vadd.f32 v12, v11  }
0x2da: {  	v12 =	vmul.f32 v15, v56;
	v10 =	vadd.f32 v13, v10;
	v13 =	vmul.f32 v20, v59;
	_ =	sdelay $0x1  }
0x2db: {  	v11 =	vadd.f32 v12, v11;
	v13 =	vadd.f32 v13, v10  }
0x2dc: {  	[tilespmem:$0x1FE50] =	vst v14  }
0x2dd: {  	v13 =	vadd.f32 v13, v11;
	v12 =	vld [tilespmem:s14+$0xFFFFFF90]  }
0x2de: {  	v10 =	vld [tilespmem:s14+$0xFFFFFFA0]  }
0x2df: {  	v14 =	vperm.xlane v13, v0;
	v11 =	vld [tilespmem:s14+$0xFFFFFFB0]  }
0x2e0: {  	v20 =	vld [tilespmem:s21+$0xFFFFFD80]  }
0x2e1: {  	v15 =	vld [tilespmem:s21+$0xFFFFFD90];
	v13 =	vadd.f32 v13, v14  }
0x2e2: {  	s20 =	simm.s32 $0xED00;
	v22 =	vld [tilespmem:s21+$0xFFFFFDA0]  }
0x2e3: {  	v23 =	vld [tilespmem:s21+$0xFFFFFDB0];
	[tilespmem:s20+$0x80] =	vst v13  }
0x2e4: {  	v13 =	vld [tilespmem:s21+$0x80]  }
0x2e5: {  	v16 =	vld [tilespmem:s21+$0xA0]  }
0x2e6: {  	v14 =	vld [tilespmem:s21+$0x90]  }
0x2e7: {  	v25 =	vld [tilespmem:s21+$0xC0]  }
0x2e8: {  	v24 =	vld [tilespmem:s21+$0xB0]  }
0x2e9: {  	v27 =	vld [tilespmem:s21+$0xE0]  }
0x2ea: {  	v17 =	vld [tilespmem:s14+$0xFFFFFF80];
	v13 =	vmul.f32 v13, v45;
	v47 =	vmul.f32 v16, v43  }
0x2eb: {  	v26 =	vld [tilespmem:s21+$0xD0]  }
0x2ec: {  	v50 =	vld [tilespmem:s21+$0xFFFFFDC0];
	v25 =	vmul.f32 v25, v48;
	v47 =	vadd.f32 v47, v13  }
0x2ed: {  	v29 =	vld [tilespmem:s21+$0xF0];
	v28 =	vmul.f32 v14, v44  }
0x2ee: {  	v41 =	vld [tilespmem:s21+$0xFFFFFDE0];
	v24 =	vmul.f32 v24, v42;
	v27 =	vmul.f32 v27, v56;
	v25 =	vadd.f32 v25, v47  }
0x2ef: {  	v14 =	vld [tilespmem:s14+$0xFFFFFFC0]  }
0x2f0: {  	v26 =	vmul.f32 v26, v51;
	v24 =	vadd.f32 v24, v28;
	v25 =	vadd.f32 v27, v25;
	v27 =	vld [tilespmem:s19+$0x260]  }
0x2f1: {  	v16 =	vld [tilespmem:s14+$0xFFFFFFD0]  }
0x2f2: {  	v28 =	vld [tilespmem:s21+$0xFFFFFDD0];
	v24 =	vadd.f32 v26, v24;
	v26 =	vmul.f32 v29, v59  }
0x2f3: {  	v13 =	vld [tilespmem:s14+$0xFFFFFFE0]  }
0x2f4: {  	v29 =	vmul.f32 v15, v12;
	v15 =	vld [tilespmem:s14+$0xFFFFFFF0];
	v24 =	vadd.f32 v26, v24  }
0x2f5: {  	v26 =	vld [tilespmem:s21+$0xFFFFFDF0];
	[tilespmem:$0x1FE60] =	vst v27  }
0x2f6: {  	v24 =	vadd.f32 v24, v25;
	v25 =	vld [tilespmem:s19+$0x270];
	_ =	sdelay $0x2  }
0x2f7: {  	v22 =	vmul.f32 v22, v10;
	v20 =	vmul.f32 v20, v17  }
0x2f8: {  	v23 =	vmul.f32 v23, v11  }
0x2f9: {  	v20 =	vadd.f32 v22, v20;
	v22 =	vmul.f32 v50, v14;
	[tilespmem:$0x1FE80] =	vst v25  }
0x2fa: {  	v23 =	vadd.f32 v23, v29;
	v25 =	vmul.f32 v28, v16;
	v28 =	vperm.xlane v24, v0;
	v27 =	vld [tilespmem:s19+$0xFFFFFEB0]  }
0x2fb: {  	v20 =	vadd.f32 v22, v20;
	v26 =	vmul.f32 v26, v15;
	v29 =	vld [tilespmem:s19+$0xFFFFFED0]  }
0x2fc: {  	v22 =	vadd.f32 v25, v23;
	v23 =	vld [tilespmem:s19+$0xFFFFFEC0];
	v25 =	vmul.f32 v41, v13;
	v24 =	vadd.f32 v24, v28  }
0x2fd: {  	v28 =	vld [tilespmem:s19+$0xFFFFFEE0]  }
0x2fe: {  	v20 =	vadd.f32 v25, v20;
	v25 =	vld [tilespmem:s19+$0xFFFFFEF0];
	v22 =	vadd.f32 v26, v22;
	[tilespmem:s20+$0x1080] =	vst v24  }
0x2ff: {  	v19 =	vmul.f32 v19, v5;
	v21 =	vmul.f32 v21, v4;
	v24 =	vld [tilespmem:s21+$0x100]  }
0x300: {  	v18 =	vmul.f32 v18, v2;
	v26 =	vmul.f32 v27, v3;
	v20 =	vadd.f32 v22, v20;
	v22 =	vld [tilespmem:s21+$0x110]  }
0x301: {  	v19 =	vadd.f32 v21, v19;
	v21 =	vmul.f32 v23, v7;
	v23 =	vld [tilespmem:s21+$0x120]  }
0x302: {  	v18 =	vadd.f32 v26, v18;
	v26 =	vmul.f32 v29, v6;
	v27 =	vperm.xlane v20, v0;
	v29 =	vld [tilespmem:s21+$0x130]  }
0x303: {  	v19 =	vadd.f32 v21, v19;
	v21 =	vmul.f32 v28, v8;
	v28 =	vld [tilespmem:s21+$0x140]  }
0x304: {  	v25 =	vmul.f32 v25, v9;
	v18 =	vadd.f32 v26, v18;
	v20 =	vadd.f32 v20, v27;
	v26 =	vld [tilespmem:s21+$0x150]  }
0x305: {  	v19 =	vadd.f32 v21, v19;
	v21 =	vld [tilespmem:s21+$0x160]  }
0x306: {  	v22 =	vmul.f32 v22, v44;
	v18 =	vadd.f32 v25, v18;
	[tilespmem:s20+$0x0] =	vst v20;
	v20 =	vmul.f32 v24, v45;
	v24 =	vld [tilespmem:s21+$0x170]  }
0x307: {  	v23 =	vmul.f32 v23, v43;
	v27 =	vmul.f32 v29, v42  }
0x308: {  	v18 =	vadd.f32 v18, v19;
	v28 =	vmul.f32 v28, v48  }
0x309: {  	v20 =	vadd.f32 v23, v20;
	v22 =	vadd.f32 v27, v22;
	v23 =	vmul.f32 v26, v51  }
0x30a: {  	v26 =	vperm.xlane v18, v0;
	v21 =	vmul.f32 v21, v56  }
0x30b: {  	v20 =	vadd.f32 v28, v20;
	v22 =	vadd.f32 v23, v22;
	v23 =	vmul.f32 v24, v59  }
0x30c: {  	v25 =	vld [tilespmem:s21+$0xFFFFFE00];
	v18 =	vadd.f32 v18, v26  }
0x30d: {  	v29 =	vld [tilespmem:s21+$0xFFFFFE20];
	v20 =	vadd.f32 v21, v20;
	v21 =	vadd.f32 v23, v22  }
0x30e: {  	v49 =	vld [tilespmem:s21+$0xFFFFFE40];
	[tilespmem:s18+$0x2000] =	vst v18  }
0x30f: {  	v20 =	vadd.f32 v21, v20;
	v21 =	vld [tilespmem:s19+$0xFFFFFF00]  }
0x310: {  	v19 =	vld [tilespmem:s21+$0xFFFFFE10]  }
0x311: {  	v27 =	vld [tilespmem:s21+$0xFFFFFE30]  }
0x312: {  	v24 =	vld [tilespmem:s21+$0xFFFFFE50]  }
0x313: {  	v26 =	vld [tilespmem:s21+$0xFFFFFE60];
	v22 =	vmul.f32 v29, v10;
	v18 =	vmul.f32 v25, v17  }
0x314: {  	v23 =	vld [tilespmem:s21+$0xFFFFFE70];
	[tilespmem:$0x1FE90] =	vst v21  }
0x315: {  	v18 =	vadd.f32 v22, v18;
	v22 =	vld [tilespmem:s19+$0xFFFFFF10];
	_ =	sdelay $0x3  }
0x316: {  	v19 =	vmul.f32 v19, v12;
	v25 =	vmul.f32 v27, v11  }
0x317: {  	[tilespmem:$0x1FEB0] =	vst v22  }
0x318: {  	v19 =	vadd.f32 v25, v19;
	v25 =	vld [tilespmem:s19+$0xFFFFFF20];
	_ =	sdelay $0x4  }
0x319: {  	[tilespmem:$0x1FEA0] =	vst v25  }
0x31a: {  	v25 =	vld [tilespmem:s19+$0xFFFFFF30];
	_ =	sdelay $0x3  }
0x31b: {  	v22 =	vmul.f32 v24, v16  }
0x31c: {  	[tilespmem:$0x1FEC0] =	vst v25  }
0x31d: {  	v19 =	vadd.f32 v22, v19;
	v22 =	vmul.f32 v23, v15;
	v23 =	vld [tilespmem:s19+$0xFFFFFF40];
	_ =	sdelay $0x4  }
0x31e: {  	[tilespmem:$0x1FED0] =	vst v23  }
0x31f: {  	v23 =	vld [tilespmem:s19+$0xFFFFFF50];
	_ =	sdelay $0x1  }
0x320: {  	v21 =	vmul.f32 v49, v14;
	v24 =	vperm.xlane v20, v0;
	_ =	sdelay $0x1  }
0x321: {  	v18 =	vadd.f32 v21, v18;
	v21 =	vmul.f32 v26, v13;
	v20 =	vadd.f32 v20, v24  }
0x322: {  	[tilespmem:$0x1FF00] =	vst v23  }
0x323: {  	v18 =	vadd.f32 v21, v18;
	v19 =	vadd.f32 v22, v19;
	[tilespmem:s20+$0x2080] =	vst v20;
	v20 =	vld [tilespmem:s19+$0xFFFFFF60];
	_ =	sdelay $0x1  }
0x324: {  	v18 =	vadd.f32 v19, v18;
	_ =	sdelay $0x1  }
0x325: {  	v19 =	vperm.xlane v18, v0  }
0x326: {  	[tilespmem:$0x1FF10] =	vst v20  }
0x327: {  	v18 =	vadd.f32 v18, v19;
	v20 =	vld [tilespmem:s21+$0x180]  }
0x328: {  	v21 =	vld [tilespmem:s21+$0x190]  }
0x329: {  	v22 =	vld [tilespmem:s21+$0x1A0];
	[tilespmem:s20+$0x1000] =	vst v18  }
0x32a: {  	v18 =	vld [tilespmem:s21+$0xFFFFFE80]  }
0x32b: {  	v23 =	vld [tilespmem:s21+$0x1B0]  }
0x32c: {  	v24 =	vld [tilespmem:s21+$0x1C0]  }
0x32d: {  	v25 =	vld [tilespmem:s21+$0x1D0]  }
0x32e: {  	v27 =	vld [tilespmem:s21+$0x1E0]  }
0x32f: {  	v28 =	vld [tilespmem:s21+$0x1F0];
	[tilespmem:$0x1FEE0] =	vst v18  }
0x330: {  	v18 =	vld [tilespmem:s21+$0xFFFFFE90];
	_ =	sdelay $0x4  }
0x331: {  	s22 =	simm.s32 $0x1E80;
	[tilespmem:$0x1FEF0] =	vst v18  }
0x332: {  	v19 =	vld [tilespmem:s22+$0x60]  }
0x333: {  	v20 =	vmul.f32 v20, v45;
	v26 =	vmul.f32 v21, v44;
	v18 =	vld [tilespmem:s22+$0x70]  }
0x334: {  	v29 =	vmul.f32 v22, v43;
	v23 =	vmul.f32 v23, v42;
	v22 =	vld [tilespmem:s22+$0x40]  }
0x335: {  	v24 =	vmul.f32 v24, v48;
	v21 =	vld [tilespmem:s22+$0x50]  }
0x336: {  	v25 =	vmul.f32 v25, v51;
	v20 =	vadd.f32 v29, v20;
	v23 =	vadd.f32 v23, v26;
	v26 =	vld [tilespmem:s22+$0x0]  }
0x337: {  	v63 =	vmul.f32 v27, v56;
	v27 =	vld [tilespmem:s22+$0x10]  }
0x338: {  	v20 =	vadd.f32 v24, v20;
	v23 =	vadd.f32 v25, v23;
	v24 =	vmul.f32 v28, v59;
	v28 =	vld [tilespmem:s22+$0x20]  }
0x339: {  	s6 =	simm.s32 $0x8880;
	v29 =	vld [tilespmem:s22+$0x30]  }
0x33a: {  	v20 =	vadd.f32 v63, v20;
	v23 =	vadd.f32 v24, v23;
	v25 =	vld [tilespmem:s6+$0x0]  }
0x33b: {  	v31 =	vld [tilespmem:s6+$0x10]  }
0x33c: {  	v20 =	vadd.f32 v23, v20;
	v24 =	vld [tilespmem:s6+$0x20]  }
0x33d: {  	v50 =	vld [tilespmem:s6+$0x30]  }
0x33e: {  	v30 =	vld [tilespmem:s6+$0x40];
	v23 =	vperm.xlane v20, v0  }
0x33f: {  	v52 =	vld [tilespmem:s6+$0x50]  }
0x340: {  	v33 =	vld [tilespmem:s6+$0x60];
	v20 =	vadd.f32 v20, v23  }
0x341: {  	v23 =	vld [tilespmem:s6+$0x70];
	v25 =	vmul.f32 v25, v26;
	v24 =	vmul.f32 v24, v28  }
0x342: {  	[tilespmem:s20+$0x3080] =	vst v20;
	v20 =	vmul.f32 v31, v27;
	v31 =	vmul.f32 v50, v29  }
0x343: {  	v24 =	vadd.f32 v24, v25;
	v25 =	vmul.f32 v30, v22  }
0x344: {  	v30 =	vmul.f32 v52, v21;
	v20 =	vadd.f32 v31, v20  }
0x345: {  	v24 =	vadd.f32 v25, v24  }
0x346: {  	v25 =	vmul.f32 v33, v19;
	v23 =	vmul.f32 v23, v18;
	v20 =	vadd.f32 v30, v20;
	_ =	sdelay $0x1  }
0x347: {  	v47 =	vld [tilespmem:s21+$0xFFFFFEA0];
	v24 =	vadd.f32 v25, v24;
	v23 =	vadd.f32 v23, v20  }
0x348: {  	v39 =	vld [tilespmem:s6+$0xFFFFFD80]  }
0x349: {  	v40 =	vld [tilespmem:s6+$0xFFFFFD90];
	v25 =	vadd.f32 v23, v24  }
0x34a: {  	v37 =	vld [tilespmem:s6+$0xFFFFFDA0]  }
0x34b: {  	v38 =	vld [tilespmem:s6+$0xFFFFFDB0];
	v30 =	vperm.xlane v25, v0  }
0x34c: {  	v41 =	vld [tilespmem:s21+$0x200]  }
0x34d: {  	v46 =	vld [tilespmem:s21+$0x210];
	v25 =	vadd.f32 v25, v30  }
0x34e: {  	s11 =	simm.s32 $0xEE00;
	v20 =	vld [tilespmem:s22+$0xFFFFFF90]  }
0x34f: {  	v24 =	vld [tilespmem:s22+$0xFFFFFFA0];
	[tilespmem:s11+$0x80] =	vst v25  }
0x350: {  	v57 =	vmul.f32 v62, v57;
	v62 =	vld [tilespmem:$0x1FE40]  }
0x351: {  	v23 =	vld [tilespmem:s22+$0xFFFFFFB0]  }
0x352: {  	v30 =	vld [tilespmem:s6+$0x80]  }
0x353: {  	v31 =	vld [tilespmem:s6+$0x90]  }
0x354: {  	v32 =	vld [tilespmem:s6+$0xA0]  }
0x355: {  	v58 =	vmul.f32 v62, v58;
	v62 =	vld [tilespmem:$0x1FE50]  }
0x356: {  	v33 =	vld [tilespmem:s6+$0xB0]  }
0x357: {  	v53 =	vmul.f32 v34, v53;
	v34 =	vld [tilespmem:s6+$0xC0]  }
0x358: {  	v54 =	vmul.f32 v35, v54;
	v35 =	vld [tilespmem:s6+$0xD0]  }
0x359: {  	v55 =	vmul.f32 v36, v55;
	v36 =	vld [tilespmem:s6+$0xE0]  }
0x35a: {  	v60 =	vmul.f32 v62, v60;
	v62 =	vld [tilespmem:$0x1FE60]  }
0x35b: {  	v53 =	vadd.f32 v55, v53;
	v55 =	vld [tilespmem:s6+$0xF0];
	v30 =	vmul.f32 v30, v26;
	v32 =	vmul.f32 v32, v28  }
0x35c: {  	v54 =	vadd.f32 v57, v54;
	v25 =	vld [tilespmem:s22+$0xFFFFFF80];
	v57 =	vmul.f32 v31, v27;
	v33 =	vmul.f32 v33, v29  }
0x35d: {  	v31 =	vld [tilespmem:s22+$0xFFFFFFC0];
	v34 =	vmul.f32 v34, v22;
	v32 =	vadd.f32 v32, v30  }
0x35e: {  	v35 =	vmul.f32 v35, v21;
	v36 =	vmul.f32 v36, v19;
	v33 =	vadd.f32 v33, v57;
	v57 =	vld [tilespmem:s6+$0xFFFFFDC0]  }
0x35f: {  	v30 =	vld [tilespmem:s22+$0xFFFFFFD0];
	v53 =	vadd.f32 v58, v53;
	v34 =	vadd.f32 v34, v32;
	v61 =	vmul.f32 v62, v61  }
0x360: {  	v55 =	vmul.f32 v55, v18;
	v35 =	vadd.f32 v35, v33;
	v33 =	vld [tilespmem:$0x1FE70];
	v54 =	vadd.f32 v60, v54  }
0x361: {  	v60 =	vld [tilespmem:$0x1FE80];
	v62 =	vmul.f32 v39, v25;
	v53 =	vadd.f32 v61, v53;
	v61 =	vmul.f32 v37, v24  }
0x362: {  	v58 =	vld [tilespmem:s6+$0xFFFFFDD0];
	v34 =	vadd.f32 v36, v34  }
0x363: {  	v49 =	vld [tilespmem:s21+$0x220];
	v35 =	vadd.f32 v55, v35;
	v36 =	vadd.f32 v61, v62;
	v61 =	vmul.f32 v57, v31  }
0x364: {  	v52 =	vld [tilespmem:s21+$0x240];
	v40 =	vmul.f32 v40, v20  }
0x365: {  	v38 =	vmul.f32 v38, v23;
	v34 =	vadd.f32 v35, v34;
	v35 =	vadd.f32 v61, v36;
	v61 =	vld [tilespmem:$0x1FEA0]  }
0x366: {  	v55 =	vld [tilespmem:s6+$0xFFFFFDF0];
	v60 =	vmul.f32 v60, v33  }
0x367: {  	v38 =	vadd.f32 v38, v40;
	v33 =	vld [tilespmem:s22+$0xFFFFFFF0];
	v62 =	vmul.f32 v58, v30  }
0x368: {  	v54 =	vadd.f32 v60, v54;
	v60 =	vld [tilespmem:$0x1FE90]  }
0x369: {  	v41 =	vmul.f32 v41, v45;
	v43 =	vmul.f32 v49, v43;
	v38 =	vadd.f32 v62, v38;
	v62 =	vld [tilespmem:$0x1FEB0]  }
0x36a: {  	v58 =	vmul.f32 v61, v4;
	v61 =	vld [tilespmem:$0x1FEC0]  }
0x36b: {  	v50 =	vld [tilespmem:s21+$0x230];
	v48 =	vmul.f32 v52, v48;
	v41 =	vadd.f32 v43, v41  }
0x36c: {  	v63 =	vld [tilespmem:s21+$0x250];
	v53 =	vadd.f32 v54, v53;
	v54 =	vperm.xlane v34, v0  }
0x36d: {  	v41 =	vadd.f32 v48, v41;
	v48 =	vld [tilespmem:s19+$0xFFFFFF70];
	v40 =	vmul.f32 v60, v5  }
0x36e: {  	v32 =	vld [tilespmem:s22+$0xFFFFFFE0];
	v34 =	vadd.f32 v34, v54;
	v54 =	vmul.f32 v55, v33  }
0x36f: {  	v39 =	vld [tilespmem:s6+$0xFFFFFDE0];
	v40 =	vadd.f32 v58, v40;
	v58 =	vmul.f32 v62, v2;
	v61 =	vmul.f32 v61, v3  }
0x370: {  	v37 =	vld [tilespmem:s21+$0x260];
	[tilespmem:s11+$0x1080] =	vst v34  }
0x371: {  	v38 =	vadd.f32 v54, v38;
	v54 =	vadd.f32 v61, v58;
	v61 =	vld [tilespmem:$0x1FEE0]  }
0x372: {  	v57 =	vld [tilespmem:s21+$0x270]  }
0x373: {  	v36 =	vld [tilespmem:s21+$0xFFFFFEB0]  }
0x374: {  	v34 =	vld [tilespmem:$0x1FED0]  }
0x375: {  	v39 =	vmul.f32 v39, v32;
	v55 =	vld [tilespmem:s21+$0xFFFFFED0]  }
0x376: {  	v58 =	vmul.f32 v61, v17;
	v61 =	vld [tilespmem:$0x1FEF0]  }
0x377: {  	v35 =	vadd.f32 v39, v35;
	v39 =	vld [tilespmem:s21+$0xFFFFFEF0]  }
0x378: {  	v60 =	vld [tilespmem:s21+$0xFFFFFEC0]  }
0x379: {  	v45 =	vld [tilespmem:s6+$0x100];
	v34 =	vmul.f32 v34, v7  }
0x37a: {  	v47 =	vmul.f32 v47, v10;
	v36 =	vmul.f32 v36, v11;
	v35 =	vadd.f32 v38, v35;
	v62 =	vld [tilespmem:s21+$0xFFFFFEE0]  }
0x37b: {  	v38 =	vld [tilespmem:s6+$0x110];
	v49 =	vmul.f32 v55, v16;
	v34 =	vadd.f32 v34, v40;
	v61 =	vmul.f32 v61, v12  }
0x37c: {  	v55 =	vld [tilespmem:s6+$0x140];
	v40 =	vmul.f32 v46, v44;
	v46 =	vadd.f32 v47, v58;
	v58 =	vperm.xlane v35, v0  }
0x37d: {  	v47 =	vmul.f32 v60, v14;
	v60 =	vld [tilespmem:s6+$0x130];
	v36 =	vadd.f32 v36, v61  }
0x37e: {  	v39 =	vmul.f32 v39, v15;
	v44 =	vld [tilespmem:s6+$0x120];
	v35 =	vadd.f32 v35, v58  }
0x37f: {  	v46 =	vadd.f32 v47, v46;
	v58 =	vld [tilespmem:s6+$0x150];
	v61 =	vmul.f32 v62, v13;
	v36 =	vadd.f32 v49, v36  }
0x380: {  	v42 =	vmul.f32 v50, v42;
	[tilespmem:s11+$0x0] =	vst v35;
	v35 =	vld [tilespmem:s6+$0x170]  }
0x381: {  	v50 =	vmul.f32 v45, v26;
	v45 =	vld [tilespmem:s6+$0xFFFFFE00];
	v62 =	vadd.f32 v61, v46;
	v36 =	vadd.f32 v39, v36  }
0x382: {  	v52 =	vmul.f32 v60, v29;
	v60 =	vld [tilespmem:s6+$0xFFFFFE20]  }
0x383: {  	v38 =	vmul.f32 v38, v27;
	v43 =	vmul.f32 v55, v22;
	v49 =	vld [tilespmem:s6+$0x160];
	v36 =	vadd.f32 v36, v62  }
0x384: {  	v40 =	vadd.f32 v42, v40;
	v44 =	vmul.f32 v44, v28;
	v46 =	vld [tilespmem:s6+$0xFFFFFE10];
	v61 =	vmul.f32 v63, v51  }
0x385: {  	v38 =	vadd.f32 v52, v38;
	v63 =	vld [tilespmem:s6+$0xFFFFFE30];
	v62 =	vmul.f32 v58, v21;
	v55 =	vperm.xlane v36, v0  }
0x386: {  	v39 =	vadd.f32 v44, v50;
	v40 =	vadd.f32 v61, v40;
	v61 =	vld [tilespmem:s6+$0xFFFFFE70]  }
0x387: {  	v35 =	vmul.f32 v35, v18;
	v58 =	vld [tilespmem:s6+$0xFFFFFE50];
	v38 =	vadd.f32 v62, v38;
	v36 =	vadd.f32 v36, v55  }
0x388: {  	v39 =	vadd.f32 v43, v39;
	v43 =	vld [tilespmem:s6+$0xFFFFFE40];
	v49 =	vmul.f32 v49, v19  }
0x389: {  	v45 =	vmul.f32 v45, v25;
	v44 =	vmul.f32 v60, v24;
	v35 =	vadd.f32 v35, v38;
	v38 =	vld [tilespmem:s6+$0xFFFFFE60];
	[tilespmem:s20+$0x2000] =	vst v36  }
0x38a: {  	v39 =	vadd.f32 v49, v39;
	v55 =	vld [tilespmem:s21+$0xFFFFFF00]  }
0x38b: {  	v37 =	vmul.f32 v37, v56;
	v60 =	vmul.f32 v46, v20;
	v52 =	vadd.f32 v44, v45;
	v45 =	vld [tilespmem:s21+$0xFFFFFF10]  }
0x38c: {  	v62 =	vmul.f32 v63, v23;
	v42 =	vmul.f32 v58, v30;
	v35 =	vadd.f32 v35, v39;
	v58 =	vld [tilespmem:$0x1FF00]  }
0x38d: {  	v63 =	vmul.f32 v57, v59;
	v43 =	vmul.f32 v43, v31;
	v57 =	vld [tilespmem:s21+$0xFFFFFF20]  }
0x38e: {  	v37 =	vadd.f32 v37, v41;
	v36 =	vadd.f32 v62, v60;
	v60 =	vld [tilespmem:$0x1FF10];
	v56 =	vperm.xlane v35, v0  }
0x38f: {  	v46 =	vmul.f32 v61, v33;
	v40 =	vadd.f32 v63, v40;
	v39 =	vadd.f32 v43, v52;
	v59 =	vld [tilespmem:s21+$0xFFFFFF30]  }
0x390: {  	v41 =	vld [tilespmem:s21+$0xFFFFFF40];
	v36 =	vadd.f32 v42, v36;
	v38 =	vmul.f32 v38, v32;
	v35 =	vadd.f32 v35, v56  }
0x391: {  	v48 =	vmul.f32 v48, v9;
	v37 =	vadd.f32 v40, v37;
	v40 =	vld [tilespmem:s21+$0xFFFFFF50];
	v43 =	vmul.f32 v58, v6  }
0x392: {  	v62 =	vperm.xlane v53, v0;
	v61 =	vld [tilespmem:s21+$0xFFFFFF60];
	v36 =	vadd.f32 v46, v36;
	v38 =	vadd.f32 v38, v39;
	[tilespmem:s11+$0x2080] =	vst v35  }
0x393: {  	v52 =	vperm.xlane v37, v0;
	v49 =	vmul.f32 v60, v8;
	v63 =	vld [tilespmem:s6+$0x180];
	v43 =	vadd.f32 v43, v54  }
0x394: {  	v44 =	vmul.f32 v55, v17;
	v47 =	vmul.f32 v57, v10;
	v36 =	vadd.f32 v36, v38;
	v55 =	vld [tilespmem:s6+$0x1A0]  }
0x395: {  	v45 =	vmul.f32 v45, v12;
	v57 =	vld [tilespmem:s6+$0x1B0];
	v34 =	vadd.f32 v49, v34;
	v43 =	vadd.f32 v48, v43  }
0x396: {  	v39 =	vadd.f32 v53, v62;
	v42 =	vmul.f32 v59, v11;
	v54 =	vld [tilespmem:s6+$0x190];
	v56 =	vperm.xlane v36, v0  }
0x397: {  	v41 =	vmul.f32 v41, v14;
	v40 =	vmul.f32 v40, v16;
	v60 =	vld [tilespmem:s6+$0x1D0];
	v34 =	vadd.f32 v43, v34  }
0x398: {  	v61 =	vmul.f32 v61, v13;
	v58 =	vld [tilespmem:s6+$0x1C0];
	v44 =	vadd.f32 v47, v44;
	v36 =	vadd.f32 v36, v56  }
0x399: {  	v49 =	vadd.f32 v37, v52;
	v42 =	vadd.f32 v42, v45;
	v37 =	vld [tilespmem:s6+$0x1E0];
	v59 =	vperm.xlane v34, v0  }
0x39a: {  	v38 =	vld [tilespmem:s6+$0x1F0];
	v41 =	vadd.f32 v41, v44;
	v62 =	vmul.f32 v63, v26;
	v48 =	vmul.f32 v55, v28;
	[tilespmem:s11+$0x1000] =	vst v36  }
0x39b: {  	[tilespmem:s18+$0x4080] =	vst v39;
	v43 =	vmul.f32 v57, v29;
	v63 =	vmul.f32 v54, v27;
	v36 =	vld [tilespmem:s6+$0xFFFFFE80];
	v50 =	vadd.f32 v34, v59  }
0x39c: {  	s10 =	simm.s32 $0x4;
	[tilespmem:s20+$0x4080] =	vst v49;
	v35 =	vadd.f32 v40, v42;
	v44 =	vmul.f32 v60, v21;
	v39 =	vld [tilespmem:s6+$0xFFFFFE90];
	v42 =	vadd.f32 v48, v62  }
0x39d: {  	s9 =	simm.s32 $0x8880;
	s7 =	simm.s32 $0xEE00;
	s14 =	simm.s32 $0x1F80;
	v40 =	vld [tilespmem:s6+$0xFFFFFEA0];
	v43 =	vadd.f32 v43, v63;
	v34 =	vadd.f32 v61, v41;
	v41 =	vmul.f32 v58, v22;
	[tilespmem:s18+$0x3000] =	vst v50  }
.LBB2_11:
0x39e: {  	v45 =	vld [tilespmem:s14+$0x60];
	v37 =	vmul.f32 v37, v19  }
0x39f: {  	v46 =	vld [tilespmem:s14+$0x70];
	v41 =	vadd.f32 v41, v42;
	v42 =	vadd.f32 v44, v43;
	v38 =	vmul.f32 v38, v18  }
0x3a0: {  	v43 =	vld [tilespmem:s14+$0x40];
	v44 =	vmul.f32 v36, v25  }
0x3a1: {  	v47 =	vld [tilespmem:s14+$0x50];
	v36 =	vmul.f32 v39, v20;
	v37 =	vadd.f32 v37, v41;
	v38 =	vadd.f32 v38, v42  }
0x3a2: {  	v39 =	vld [tilespmem:s14+$0x0];
	v40 =	vmul.f32 v40, v24  }
0x3a3: {  	v41 =	vld [tilespmem:s14+$0x10];
	v38 =	vadd.f32 v38, v37  }
0x3a4: {  	v42 =	vld [tilespmem:s14+$0x20];
	v37 =	vadd.f32 v40, v44  }
0x3a5: {  	s6 =	sadd.s32 $0x500, s6;
	v40 =	vld [tilespmem:s14+$0x30];
	v44 =	vperm.xlane v38, v0  }
0x3a6: {  	v48 =	vld [tilespmem:s6+$0x0]  }
0x3a7: {  	v49 =	vld [tilespmem:s6+$0x10];
	v38 =	vadd.f32 v38, v44  }
0x3a8: {  	v44 =	vld [tilespmem:s6+$0x20]  }
0x3a9: {  	v50 =	vld [tilespmem:s6+$0x30];
	[tilespmem:s11+$0x3080] =	vst v38  }
0x3aa: {  	v38 =	vld [tilespmem:s9+$0x200]  }
0x3ab: {  	v51 =	vld [tilespmem:s9+$0x210]  }
0x3ac: {  	v52 =	vld [tilespmem:s9+$0x220]  }
0x3ad: {  	v53 =	vld [tilespmem:s9+$0x230]  }
0x3ae: {  	v54 =	vld [tilespmem:s9+$0x240]  }
0x3af: {  	v55 =	vld [tilespmem:s9+$0x250]  }
0x3b0: {  	v48 =	vmul.f32 v48, v39;
	v49 =	vmul.f32 v49, v41;
	v56 =	vld [tilespmem:s9+$0x260]  }
0x3b1: {  	v38 =	vmul.f32 v38, v26;
	v26 =	vmovc v39;
	v51 =	vmul.f32 v51, v27;
	v27 =	vmov v41;
	v57 =	vld [tilespmem:s9+$0x270]  }
0x3b2: {  	v41 =	vmul.f32 v52, v28;
	v28 =	vmovc v42;
	v39 =	vld [tilespmem:s6+$0x40];
	v52 =	vmul.f32 v53, v29;
	v29 =	vmov v40  }
0x3b3: {  	v40 =	vmul.f32 v44, v28;
	v42 =	vld [tilespmem:s6+$0x50];
	v44 =	vmul.f32 v54, v22;
	v22 =	vmov v43  }
0x3b4: {  	v38 =	vadd.f32 v41, v38;
	v43 =	vld [tilespmem:s6+$0x60];
	v41 =	vadd.f32 v52, v51;
	v51 =	vmul.f32 v55, v21;
	v21 =	vmovc v47  }
0x3b5: {  	v47 =	vmul.f32 v50, v29;
	v50 =	vld [tilespmem:s6+$0x70];
	v52 =	vmul.f32 v56, v19;
	v19 =	vmov v45  }
0x3b6: {  	v44 =	vadd.f32 v44, v38;
	v45 =	vld [tilespmem:s14+$0xFFFFFF90];
	v51 =	vadd.f32 v51, v41;
	v53 =	vmul.f32 v57, v18;
	v18 =	vmovc v46  }
0x3b7: {  	v40 =	vadd.f32 v40, v48;
	v46 =	vadd.f32 v47, v49;
	v41 =	vld [tilespmem:s14+$0xFFFFFFA0];
	v39 =	vmul.f32 v39, v22  }
0x3b8: {  	v44 =	vadd.f32 v52, v44;
	v38 =	vld [tilespmem:s14+$0xFFFFFFB0];
	v42 =	vmul.f32 v42, v21;
	v47 =	vadd.f32 v53, v51  }
0x3b9: {  	v48 =	vld [tilespmem:s6+$0xFFFFFD80];
	v39 =	vadd.f32 v39, v40;
	v40 =	vmul.f32 v43, v19  }
0x3ba: {  	v49 =	vld [tilespmem:s6+$0xFFFFFD90];
	v42 =	vadd.f32 v42, v46;
	v43 =	vmul.f32 v50, v18;
	v44 =	vadd.f32 v47, v44  }
0x3bb: {  	v46 =	vld [tilespmem:s6+$0xFFFFFDA0]  }
0x3bc: {  	v39 =	vadd.f32 v40, v39;
	v47 =	vld [tilespmem:s6+$0xFFFFFDB0];
	v42 =	vadd.f32 v43, v42;
	v50 =	vperm.xlane v44, v0  }
0x3bd: {  	s10 =	sadd.s32 $0x2, s10;
	v43 =	vld [tilespmem:s14+$0xFFFFFF80]  }
0x3be: {  	p0 =	slt.u32 s10, $0x1E;
	v40 =	vld [tilespmem:s14+$0xFFFFFFC0];
	v39 =	vadd.f32 v42, v39;
	v44 =	vadd.f32 v44, v50  }
0x3bf: {  	v42 =	vld [tilespmem:s14+$0xFFFFFFD0];
	v49 =	vmul.f32 v49, v45  }
0x3c0: {  	v46 =	vmul.f32 v46, v41;
	v50 =	vld [tilespmem:s6+$0xFFFFFDC0];
	v51 =	vperm.xlane v39, v0;
	[tilespmem:s11+$0x4080] =	vst v44  }
0x3c1: {  	v47 =	vmul.f32 v47, v38;
	v52 =	vld [tilespmem:s6+$0xFFFFFDD0]  }
0x3c2: {  	v44 =	vld [tilespmem:s14+$0xFFFFFFE0];
	v48 =	vmul.f32 v48, v43;
	v51 =	vadd.f32 v39, v51  }
0x3c3: {  	s11 =	sadd.s32 $0x100, s11;
	v39 =	vld [tilespmem:s14+$0xFFFFFFF0];
	v47 =	vadd.f32 v47, v49  }
0x3c4: {  	v46 =	vadd.f32 v46, v48;
	v48 =	vld [tilespmem:s6+$0xFFFFFDE0];
	[tilespmem:s11+$0x80] =	vst v51  }
0x3c5: {  	v49 =	vmul.f32 v50, v40;
	v50 =	vld [tilespmem:s6+$0x80]  }
0x3c6: {  	v51 =	vmul.f32 v52, v42;
	v52 =	vld [tilespmem:s6+$0x90]  }
0x3c7: {  	v46 =	vadd.f32 v49, v46;
	v49 =	vld [tilespmem:s6+$0xA0]  }
0x3c8: {  	v47 =	vadd.f32 v51, v47;
	v51 =	vld [tilespmem:s6+$0xB0]  }
0x3c9: {  	v48 =	vmul.f32 v48, v44;
	v53 =	vld [tilespmem:s6+$0xC0]  }
0x3ca: {  	v54 =	vld [tilespmem:s6+$0xD0]  }
0x3cb: {  	v46 =	vadd.f32 v48, v46;
	v48 =	vld [tilespmem:s6+$0xE0]  }
0x3cc: {  	v50 =	vmul.f32 v50, v26;
	v52 =	vmul.f32 v52, v27;
	v55 =	vld [tilespmem:s6+$0xF0]  }
0x3cd: {  	v49 =	vmul.f32 v49, v28;
	v56 =	vld [tilespmem:s6+$0xFFFFFDF0];
	v51 =	vmul.f32 v51, v29  }
0x3ce: {  	v53 =	vmul.f32 v53, v22;
	v57 =	vld [tilespmem:s9+$0xFFFFFEB0]  }
0x3cf: {  	v49 =	vadd.f32 v49, v50;
	v50 =	vadd.f32 v51, v52;
	v51 =	vmul.f32 v54, v21;
	v52 =	vld [tilespmem:s9+$0xFFFFFEC0]  }
0x3d0: {  	v48 =	vmul.f32 v48, v19;
	v54 =	vld [tilespmem:s9+$0xFFFFFED0]  }
0x3d1: {  	v49 =	vadd.f32 v53, v49;
	v50 =	vadd.f32 v51, v50;
	v51 =	vmul.f32 v55, v18;
	v53 =	vld [tilespmem:s9+$0xFFFFFEE0]  }
0x3d2: {  	v55 =	vmul.f32 v56, v39;
	v56 =	vld [tilespmem:s9+$0xFFFFFEF0]  }
0x3d3: {  	v48 =	vadd.f32 v48, v49;
	v49 =	vadd.f32 v51, v50;
	v50 =	vmul.f32 v57, v23;
	v51 =	vld [tilespmem:s21+$0xFFFFFF70]  }
0x3d4: {  	v47 =	vadd.f32 v55, v47;
	v52 =	vmul.f32 v52, v31;
	v55 =	vld [tilespmem:s19+$0xFFFFFF80]  }
0x3d5: {  	v48 =	vadd.f32 v49, v48;
	v36 =	vadd.f32 v50, v36;
	v49 =	vmul.f32 v54, v30;
	v50 =	vld [tilespmem:s19+$0xFFFFFF90]  }
0x3d6: {  	v46 =	vadd.f32 v47, v46;
	v37 =	vadd.f32 v52, v37;
	v47 =	vmul.f32 v53, v32;
	v52 =	vld [tilespmem:s19+$0xFFFFFFA0]  }
0x3d7: {  	v53 =	vperm.xlane v48, v0;
	v36 =	vadd.f32 v49, v36;
	v49 =	vmul.f32 v56, v33;
	v54 =	vld [tilespmem:s19+$0xFFFFFFB0]  }
0x3d8: {  	v56 =	vperm.xlane v46, v0;
	v37 =	vadd.f32 v47, v37;
	v47 =	vmul.f32 v51, v15;
	v51 =	vld [tilespmem:s19+$0xFFFFFFC0]  }
0x3d9: {  	v48 =	vadd.f32 v48, v53;
	v36 =	vadd.f32 v49, v36;
	v49 =	vmul.f32 v55, v5;
	v53 =	vld [tilespmem:s19+$0xFFFFFFD0];
	v5 =	vmovc v17  }
0x3da: {  	v17 =	vadd.f32 v46, v56;
	v35 =	vadd.f32 v47, v35;
	v46 =	vmul.f32 v50, v2;
	v47 =	vld [tilespmem:s19+$0xFFFFFFE0];
	v2 =	vmovc v12  }
0x3db: {  	v12 =	vmovc v20;
	v20 =	vmov v45;
	[tilespmem:s11+$0x1080] =	vst v48;
	v36 =	vadd.f32 v36, v37;
	v37 =	vmul.f32 v52, v4;
	v48 =	vld [tilespmem:s19+$0xFFFFFFF0];
	s19 =	smov.u32 s21;
	s21 =	smov.u32 s9;
	s9 =	smov.u32 s6  }
0x3dc: {  	v4 =	vmovc v10;
	v10 =	vmov v24;
	[tilespmem:s11+$0x0] =	vst v17;
	v45 =	vld [tilespmem:s6+$0x100];
	v17 =	vadd.f32 v35, v34;
	v50 =	vmul.f32 v54, v3  }
0x3dd: {  	v24 =	vmovc v41;
	v34 =	vld [tilespmem:s6+$0x110];
	v35 =	vperm.xlane v36, v0;
	v37 =	vadd.f32 v37, v49;
	v7 =	vmul.f32 v51, v7  }
0x3de: {  	v3 =	vmovc v11;
	v41 =	vld [tilespmem:s6+$0x120];
	v49 =	vperm.xlane v17, v0;
	v46 =	vadd.f32 v50, v46;
	v6 =	vmul.f32 v53, v6  }
0x3df: {  	v11 =	vmovc v23;
	v50 =	vld [tilespmem:s6+$0x130];
	v35 =	vadd.f32 v36, v35;
	v51 =	vadd.f32 v7, v37;
	v8 =	vmul.f32 v47, v8  }
0x3e0: {  	v23 =	vmovc v38;
	v36 =	vld [tilespmem:s6+$0x140];
	v37 =	vadd.f32 v17, v49;
	v46 =	vadd.f32 v6, v46;
	v9 =	vmul.f32 v48, v9  }
0x3e1: {  	v17 =	vmovc v25;
	v25 =	vmovc v43;
	v38 =	vld [tilespmem:s6+$0x150];
	[tilespmem:s7+$0x2000] =	vst v35;
	v35 =	vadd.f32 v8, v51;
	v7 =	vmov v14;
	v14 =	vmov v31  }
0x3e2: {  	v31 =	vmovc v40;
	v43 =	vld [tilespmem:s6+$0x160];
	[tilespmem:s20+$0x3000] =	vst v37;
	v46 =	vadd.f32 v9, v46;
	v6 =	vmovc v16;
	v16 =	vmov v30;
	v30 =	vmov v42  }
0x3e3: {  	v37 =	vmul.f32 v45, v26;
	v34 =	vmul.f32 v34, v27;
	v40 =	vld [tilespmem:s6+$0x170];
	v8 =	vmovc v13;
	v13 =	vmovc v32;
	v32 =	vmov v44  }
0x3e4: {  	v41 =	vmul.f32 v41, v28;
	v42 =	vld [tilespmem:s6+$0xFFFFFE00];
	v44 =	vmul.f32 v50, v29;
	v35 =	vadd.f32 v46, v35;
	v9 =	vmovc v15  }
0x3e5: {  	v15 =	vmov v33;
	v33 =	vmov v39;
	v45 =	vld [tilespmem:s6+$0xFFFFFE10];
	v36 =	vmul.f32 v36, v22  }
0x3e6: {  	v37 =	vadd.f32 v41, v37;
	v39 =	vld [tilespmem:s6+$0xFFFFFE20];
	v34 =	vadd.f32 v44, v34;
	v38 =	vmul.f32 v38, v21  }
0x3e7: {  	v44 =	vperm.xlane v35, v0;
	v41 =	vld [tilespmem:s6+$0xFFFFFE30];
	v43 =	vmul.f32 v43, v19  }
0x3e8: {  	v36 =	vadd.f32 v36, v37;
	v46 =	vld [tilespmem:s6+$0xFFFFFE40];
	v34 =	vadd.f32 v38, v34;
	v37 =	vmul.f32 v40, v18  }
0x3e9: {  	v35 =	vadd.f32 v35, v44;
	v38 =	vmul.f32 v42, v25;
	v40 =	vld [tilespmem:s6+$0xFFFFFE50]  }
0x3ea: {  	v36 =	vadd.f32 v43, v36;
	v42 =	vmul.f32 v45, v20;
	v44 =	vld [tilespmem:s6+$0xFFFFFE60];
	v34 =	vadd.f32 v37, v34  }
0x3eb: {  	v37 =	vmul.f32 v39, v24;
	v39 =	vld [tilespmem:s6+$0xFFFFFE70];
	[tilespmem:s18+$0x4000] =	vst v35;
	s18 =	smov.u32 s20;
	s20 =	smov.u32 s7;
	s7 =	smov.u32 s11  }
0x3ec: {  	v35 =	vmul.f32 v41, v23;
	v34 =	vadd.f32 v34, v36;
	v36 =	vld [tilespmem:s21+$0xFFFFFF00]  }
0x3ed: {  	v37 =	vadd.f32 v37, v38;
	v38 =	vmul.f32 v46, v31;
	v41 =	vld [tilespmem:s21+$0xFFFFFF10]  }
0x3ee: {  	v35 =	vadd.f32 v35, v42;
	v40 =	vmul.f32 v40, v30;
	v42 =	vperm.xlane v34, v0;
	v43 =	vld [tilespmem:s21+$0xFFFFFF20]  }
0x3ef: {  	v37 =	vadd.f32 v38, v37;
	v38 =	vmul.f32 v44, v32;
	v44 =	vld [tilespmem:s21+$0xFFFFFF30]  }
0x3f0: {  	v35 =	vadd.f32 v40, v35;
	v39 =	vmul.f32 v39, v33;
	v34 =	vadd.f32 v34, v42;
	v40 =	vld [tilespmem:s21+$0xFFFFFF40]  }
0x3f1: {  	v37 =	vadd.f32 v38, v37;
	v36 =	vmul.f32 v36, v17;
	v38 =	vld [tilespmem:s21+$0xFFFFFF50]  }
0x3f2: {  	v35 =	vadd.f32 v39, v35;
	[tilespmem:s11+$0x2080] =	vst v34;
	v34 =	vmul.f32 v41, v12;
	v39 =	vld [tilespmem:s21+$0xFFFFFF60]  }
0x3f3: {  	v41 =	vld [tilespmem:s6+$0x180];
	v42 =	vmul.f32 v43, v10  }
0x3f4: {  	v35 =	vadd.f32 v35, v37;
	v43 =	vld [tilespmem:s6+$0x190];
	v37 =	vmul.f32 v44, v11  }
0x3f5: {  	v44 =	vld [tilespmem:s6+$0x1A0];
	v36 =	vadd.f32 v42, v36;
	v40 =	vmul.f32 v40, v14  }
0x3f6: {  	v42 =	vperm.xlane v35, v0;
	v45 =	vld [tilespmem:s6+$0x1B0];
	v34 =	vadd.f32 v37, v34;
	v37 =	vmul.f32 v38, v16  }
0x3f7: {  	v46 =	vld [tilespmem:s6+$0x1C0];
	v36 =	vadd.f32 v40, v36;
	v38 =	vmul.f32 v39, v13  }
0x3f8: {  	v39 =	vadd.f32 v35, v42;
	v47 =	vld [tilespmem:s6+$0x1D0];
	v35 =	vadd.f32 v37, v34  }
.Ltmp6:
0x3f9: {  	v37 =	vld [tilespmem:s6+$0x1E0];
	v34 =	vadd.f32 v38, v36;
	(pc) =	sbr.rel @p0 .LBB2_11-.Ltmp6, $4  }
0x3fa: {  	v42 =	vmul.f32 v41, v26;
	v43 =	vmul.f32 v43, v27;
	[tilespmem:s11+$0x1000] =	vst v39;
	v38 =	vld [tilespmem:s6+$0x1F0]  }
0x3fb: {  	v44 =	vmul.f32 v44, v28;
	v36 =	vld [tilespmem:s6+$0xFFFFFE80];
	v45 =	vmul.f32 v45, v29  }
0x3fc: {  	v39 =	vld [tilespmem:s6+$0xFFFFFE90];
	v41 =	vmul.f32 v46, v22  }
0x3fd: {  	s14 =	sadd.s32 $0x100, s14;
	v42 =	vadd.f32 v44, v42;
	v40 =	vld [tilespmem:s6+$0xFFFFFEA0];
	v43 =	vadd.f32 v45, v43;
	v44 =	vmul.f32 v47, v21  }
0x3fe: {  	v49 =	vld [tilespmem:s9+$0xFFFFFEB0]  }
0x3ff: {  	v37 =	vmul.f32 v37, v19;
	v50 =	vld [tilespmem:s9+$0xFFFFFEC0]  }
0x400: {  	v51 =	vld [tilespmem:s9+$0xFFFFFED0];
	v41 =	vadd.f32 v41, v42;
	v48 =	vadd.f32 v44, v43;
	v38 =	vmul.f32 v38, v18  }
0x401: {  	v52 =	vld [tilespmem:s9+$0xFFFFFEE0];
	v36 =	vmul.f32 v36, v25  }
0x402: {  	v53 =	vld [tilespmem:s9+$0xFFFFFEF0];
	v37 =	vadd.f32 v37, v41;
	v38 =	vadd.f32 v38, v48;
	v39 =	vmul.f32 v39, v20  }
0x403: {  	v40 =	vmul.f32 v40, v24;
	v43 =	vmul.f32 v49, v23  }
0x404: {  	v37 =	vadd.f32 v38, v37;
	v54 =	vmul.f32 v50, v31  }
0x405: {  	v55 =	vmul.f32 v51, v30;
	v36 =	vadd.f32 v40, v36;
	v39 =	vadd.f32 v43, v39  }
0x406: {  	v56 =	vmul.f32 v52, v32;
	v45 =	vperm.xlane v37, v0  }
0x407: {  	v58 =	vmul.f32 v53, v33;
	v36 =	vadd.f32 v54, v36;
	v57 =	vadd.f32 v55, v39  }
0x408: {  	v61 =	vld [tilespmem:s21+$0xFFFFFF70];
	v37 =	vadd.f32 v37, v45  }
0x409: {  	v46 =	vld [tilespmem:s19+$0xFFFFFF80];
	v36 =	vadd.f32 v56, v36;
	v59 =	vadd.f32 v58, v57  }
0x40a: {  	v52 =	vld [tilespmem:s19+$0xFFFFFF90]  }
0x40b: {  	v53 =	vld [tilespmem:s19+$0xFFFFFFA0];
	[tilespmem:s11+$0x3080] =	vst v37;
	v36 =	vadd.f32 v59, v36  }
0x40c: {  	v40 =	vld [tilespmem:s9+$0x200]  }
0x40d: {  	v41 =	vld [tilespmem:s9+$0x210];
	v60 =	vperm.xlane v36, v0  }
0x40e: {  	v38 =	vld [tilespmem:s9+$0x220]  }
0x40f: {  	v39 =	vld [tilespmem:s9+$0x230];
	v36 =	vadd.f32 v36, v60  }
0x410: {  	v37 =	vld [tilespmem:s9+$0x240]  }
0x411: {  	v42 =	vld [tilespmem:s9+$0x250];
	[tilespmem:s7+$0x2000] =	vst v36  }
0x412: {  	v43 =	vmul.f32 v61, v15;
	v36 =	vld [tilespmem:s9+$0xFFFFFF00]  }
0x413: {  	v47 =	vld [tilespmem:s9+$0xFFFFFF10]  }
0x414: {  	v35 =	vadd.f32 v43, v35;
	v48 =	vld [tilespmem:s9+$0xFFFFFF20]  }
0x415: {  	v49 =	vld [tilespmem:s9+$0xFFFFFF30]  }
0x416: {  	v34 =	vadd.f32 v35, v34;
	v50 =	vld [tilespmem:s9+$0xFFFFFF40]  }
0x417: {  	v62 =	vld [tilespmem:s9+$0xFFFFFF50]  }
0x418: {  	v58 =	vperm.xlane v34, v0;
	v51 =	vld [tilespmem:s9+$0xFFFFFF60]  }
0x419: {  	v57 =	vld [tilespmem:s9+$0xFFFFFF70];
	v63 =	vmul.f32 v36, v25;
	v56 =	vmul.f32 v48, v24  }
0x41a: {  	v44 =	vld [tilespmem:s9+$0x260];
	v34 =	vadd.f32 v34, v58;
	v47 =	vmul.f32 v47, v20;
	v49 =	vmul.f32 v49, v23  }
0x41b: {  	v45 =	vld [tilespmem:s9+$0x270];
	v50 =	vmul.f32 v50, v31  }
0x41c: {  	v60 =	vld [tilespmem:s19+$0xFFFFFFE0];
	[tilespmem:s20+$0x3000] =	vst v34;
	v43 =	vmul.f32 v62, v30;
	v35 =	vadd.f32 v56, v63;
	v47 =	vadd.f32 v49, v47  }
0x41d: {  	v54 =	vld [tilespmem:s21+$0xFFFFFFA0];
	v51 =	vmul.f32 v51, v32  }
0x41e: {  	v55 =	vld [tilespmem:s21+$0xFFFFFFB0];
	v59 =	vmul.f32 v57, v33;
	v35 =	vadd.f32 v50, v35;
	v43 =	vadd.f32 v43, v47  }
0x41f: {  	v58 =	vld [tilespmem:s21+$0xFFFFFFD0]  }
0x420: {  	v36 =	vld [tilespmem:s19+$0xFFFFFFC0];
	v61 =	vadd.f32 v51, v35;
	v43 =	vadd.f32 v59, v43  }
0x421: {  	v62 =	vld [tilespmem:s19+$0xFFFFFFF0]  }
0x422: {  	v5 =	vmul.f32 v46, v5;
	v4 =	vmul.f32 v53, v4;
	v49 =	vld [tilespmem:s19+$0xFFFFFFB0];
	v34 =	vadd.f32 v43, v61  }
0x423: {  	v2 =	vmul.f32 v52, v2;
	v26 =	vmul.f32 v40, v26;
	v57 =	vld [tilespmem:s21+$0xFFFFFFC0]  }
0x424: {  	v27 =	vmul.f32 v41, v27;
	v50 =	vld [tilespmem:s19+$0xFFFFFFD0];
	v56 =	vperm.xlane v34, v0  }
0x425: {  	v4 =	vadd.f32 v4, v5;
	v28 =	vmul.f32 v38, v28;
	v29 =	vmul.f32 v39, v29;
	v63 =	vld [tilespmem:s21+$0xFFFFFF80]  }
0x426: {  	v22 =	vmul.f32 v37, v22;
	v5 =	vmul.f32 v36, v7;
	v7 =	vld [tilespmem:s21+$0xFFFFFFF0];
	v34 =	vadd.f32 v34, v56  }
0x427: {  	v21 =	vmul.f32 v42, v21;
	v26 =	vadd.f32 v28, v26;
	v51 =	vld [tilespmem:s21+$0xFFFFFF90];
	v3 =	vmul.f32 v49, v3  }
0x428: {  	v19 =	vmul.f32 v44, v19;
	v18 =	vmul.f32 v45, v18;
	v27 =	vadd.f32 v29, v27;
	v59 =	vld [tilespmem:s21+$0xFFFFFFE0];
	[tilespmem:s7+$0x3000] =	vst v34  }
0x429: {  	v22 =	vadd.f32 v22, v26;
	v2 =	vadd.f32 v3, v2;
	v3 =	vmul.f32 v50, v6;
	v6 =	vld [tilespmem:s9+$0xFFFFFF80]  }
0x42a: {  	v21 =	vadd.f32 v21, v27;
	v4 =	vadd.f32 v5, v4;
	v5 =	vmul.f32 v60, v8;
	v8 =	vld [tilespmem:s9+$0xFFFFFF90]  }
0x42b: {  	v19 =	vadd.f32 v19, v22;
	v2 =	vadd.f32 v3, v2;
	v3 =	vmul.f32 v62, v9;
	v60 =	vld [tilespmem:s9+$0xFFFFFFA0]  }
0x42c: {  	v18 =	vadd.f32 v18, v21;
	v4 =	vadd.f32 v5, v4;
	v5 =	vld [tilespmem:s9+$0xFFFFFFB0]  }
0x42d: {  	v10 =	vmul.f32 v54, v10;
	v2 =	vadd.f32 v3, v2;
	v3 =	vmul.f32 v63, v17;
	v17 =	vld [tilespmem:s9+$0xFFFFFFC0]  }
0x42e: {  	v11 =	vmul.f32 v55, v11;
	v18 =	vadd.f32 v18, v19;
	v12 =	vmul.f32 v51, v12;
	v19 =	vld [tilespmem:s9+$0xFFFFFFD0]  }
0x42f: {  	v2 =	vadd.f32 v2, v4;
	v4 =	vmul.f32 v57, v14;
	v14 =	vmul.f32 v58, v16;
	v16 =	vld [tilespmem:s9+$0xFFFFFFE0]  }
0x430: {  	v3 =	vadd.f32 v10, v3;
	v61 =	vld [tilespmem:s9+$0xFFFFFFF0];
	v6 =	vmul.f32 v6, v25;
	v9 =	vmul.f32 v60, v24  }
0x431: {  	v11 =	vadd.f32 v11, v12;
	v8 =	vmul.f32 v8, v20;
	v5 =	vmul.f32 v5, v23  }
0x432: {  	v3 =	vadd.f32 v4, v3;
	v4 =	vadd.f32 v9, v6;
	v6 =	vmul.f32 v17, v31  }
0x433: {  	v7 =	vmul.f32 v7, v15;
	v5 =	vadd.f32 v5, v8;
	v8 =	vmul.f32 v19, v30  }
0x434: {  	v62 =	vmul.f32 v59, v13;
	v11 =	vadd.f32 v14, v11;
	v4 =	vadd.f32 v6, v4  }
0x435: {  	s6 =	simm.s32 $0x0;
	s19 =	simm.s32 $0xFFFFFFFB;
	v6 =	vmul.f32 v16, v32;
	v5 =	vadd.f32 v8, v5;
	v8 =	vmul.f32 v61, v33  }
0x436: {  	p0 =	por $0x0, $0x0;
	s14 =	smin.u32 s6, s19;
	s6 =	simm.s32 $0x10;
	v3 =	vadd.f32 v62, v3;
	v7 =	vadd.f32 v7, v11  }
0x437: {  	s6 =	simm.s32 @!p0 $0x0;
	s9 =	sshll.u32 s14, $0x5;
	v4 =	vadd.f32 v6, v4;
	v5 =	vadd.f32 v8, v5  }
0x438: {  	s9 =	sor.u32 s6, s9;
	v3 =	vadd.f32 v7, v3;
	v7 =	vperm.xlane v2, v0  }
0x439: {  	v6 =	vperm.xlane v18, v0;
	v4 =	vadd.f32 v5, v4;
	v5 =	vmov s9  }
0x43a: {  	v2 =	vadd.f32 v2, v7;
	v8 =	vperm.xlane v3, v0;
	v5 =	vshll.u32 v5, $0x7  }
0x43b: {  	v6 =	vadd.f32 v18, v6;
	v7 =	vperm.xlane v4, v0;
	v63 =	vor.u32 v1, v5  }
0x43c: {  	[tilespmem:s18+$0x4000] =	vst v2;
	v3 =	vadd.f32 v3, v8;
	v5 =	vor.u32 $0x1, v63  }
0x43d: {  	s10 =	simm.s32 $0xFFFFFFFC;
	p1 =	por $0x1, $0x1;
	s21 =	simm.s32 $0x1;
	[tilespmem:s11+$0x4080] =	vst v6;
	v6 =	vor.u32 $0x2, v63;
	v2 =	vadd.f32 v4, v7  }
0x43e: {  	p0 =	por $0x0, $0x0;
	s9 =	smin.u32 s21, s10;
	s10 =	simm.s32 $0x10;
	[tilespmem:s20+$0x4000] =	vst v3;
	v7 =	vor.u32 $0x3, v63  }
.Ltmp7:
0x43f: {  	s22 =	sshll.u32 s9, $0x5;
	s10 =	simm.s32 @!p0 $0x0;
	[tilespmem:s7+$0x4000] =	vst v2;
	(pc) =	sbr.rel @!p1 .LBB2_13-.Ltmp7, $4  }
0x440: {  	s7 =	sor.u32 s10, s22;
	v3 =	vld.idx.msk [tilespmem:v63+s31+$0x0], $0xffff  }
0x441: {  	v17 =	vor.u32 $0x4, v63;
	v8 =	vmov s7;
	v4 =	vld.idx.msk [tilespmem:v5+s31+$0x0], $0xffff  }
0x442: {  	v20 =	vor.u32 $0x5, v63;
	v15 =	vor.u32 $0x6, v63;
	v5 =	vld.idx.msk [tilespmem:v6+s31+$0x0], $0xffff;
	v8 =	vshll.u32 v8, $0x7  }
0x443: {  	p0 =	por $0x0, $0x0;
	v16 =	vor.u32 $0x7, v63;
	v2 =	vmov s6;
	s6 =	simm.s32 $0x2;
	v6 =	vld.idx.msk [tilespmem:v7+s31+$0x0], $0xffff;
	v13 =	vor.u32 v1, v8  }
0x444: {  	_ =	sdelay $0x3  }
0x445: {  	v18 =	vld.idx.msk [tilespmem:v17+s31+$0x0], $0xffff;
	v7 =	vor.u32 $0x1, v13  }
0x446: {  	s7 =	simm.s32 $0xFFFFFFFD;
	v21 =	vld.idx.msk [tilespmem:v20+s31+$0x0], $0xffff;
	v10 =	vor.u32 $0x2, v13  }
0x447: {  	p0 =	por $0x0, $0x0;
	v23 =	vld.idx.msk [tilespmem:v15+s31+$0x0], $0xffff;
	v11 =	vor.u32 $0x3, v13;
	s6 =	smin.u32 s6, s7;
	s7 =	simm.s32 $0x10  }
0x448: {  	v24 =	vld.idx.msk [tilespmem:v16+s31+$0x0], $0xffff;
	v12 =	vor.u32 $0x4, v13;
	s11 =	sshll.u32 s6, $0x5;
	s7 =	simm.s32 @!p0 $0x0  }
0x449: {  	v8 =	vld.idx.msk [tilespmem:v13+s31+$0x0], $0xffff;
	v14 =	vor.u32 $0x5, v13;
	v19 =	vor.u32 $0x6, v13;
	v13 =	vor.u32 $0x7, v13;
	s11 =	sor.u32 s7, s11  }
0x44a: {  	v15 =	vmov s14;
	v16 =	vmov s11;
	v9 =	vld.idx.msk [tilespmem:v7+s31+$0x0], $0xffff  }
0x44b: {  	v15 =	vand.u32 $0x7F, v15;
	v7 =	vshll.u32 v16, $0x7;
	v10 =	vld.idx.msk [tilespmem:v10+s31+$0x0], $0xffff  }
0x44c: {  	v15 =	vbroadcast v15, $0x0;
	v4 =	vadd.f32 v4, v3;
	v11 =	vld.idx.msk [tilespmem:v11+s31+$0x0], $0xffff;
	v16 =	vor.u32 v1, v7  }
0x44d: {  	v5 =	vadd.f32 v6, v5;
	v12 =	vld.idx.msk [tilespmem:v12+s31+$0x0], $0xffff;
	v21 =	vadd.f32 v21, v18;
	v25 =	vor.u32 $0x1, v16  }
0x44e: {  	s20 =	simm.s32 $0x3;
	s21 =	simm.s32 $0xFFFFFFFE;
	p1 =	por $0x1, $0x1;
	v22 =	vld.idx.msk [tilespmem:v13+s31+$0x0], $0xffff;
	v23 =	vadd.f32 v24, v23;
	v13 =	vmov s10;
	v26 =	vor.u32 $0x2, v16  }
0x44f: {  	p0 =	por $0x0, $0x0;
	s11 =	simm.s32 $0x10;
	v14 =	vld.idx.msk [tilespmem:v14+s31+$0x0], $0xffff;
	v7 =	vshll.u32 v2, $0x7;
	v2 =	vmov s7;
	s7 =	smin.u32 s20, s21;
	v27 =	vor.u32 $0x3, v16  }
.Ltmp8:
0x450: {  	v19 =	vld.idx.msk [tilespmem:v19+s31+$0x0], $0xffff;
	s11 =	simm.s32 @!p0 $0x0;
	v24 =	vmov s9;
	v18 =	vadd.f32 v5, v4;
	v17 =	vor.u32 $0x4, v16;
	s22 =	sshll.u32 s7, $0x5;
	(pc) =	sbr.rel @!p1 .LBB2_15-.Ltmp8, $4  }
0x451: {  	v24 =	vand.u32 $0x7F, v24;
	v7 =	vor.u32 v1, v7;
	v20 =	vor.u32 $0x5, v16;
	s14 =	sor.u32 s11, s22;
	v3 =	vld.idx.msk [tilespmem:v16+s31+$0x0], $0xffff  }
0x452: {  	v7 =	vor.u32 v15, v7;
	v15 =	vor.u32 $0x6, v16;
	v6 =	vmov s14;
	v4 =	vld.idx.msk [tilespmem:v25+s31+$0x0], $0xffff  }
0x453: {  	v16 =	vor.u32 $0x7, v16;
	v5 =	vld.idx.msk [tilespmem:v26+s31+$0x0], $0xffff;
	v25 =	vshll.u32 v6, $0x7;
	v26 =	vshll.u32 v13, $0x7  }
0x454: {  	s9 =	simm.s32 $0x4;
	p0 =	por $0x1, $0x1;
	v24 =	vbroadcast v24, $0x0;
	v6 =	vld.idx.msk [tilespmem:v27+s31+$0x0], $0xffff;
	v13 =	vor.u32 v1, v25;
	v25 =	vor.u32 v1, v26  }
.LBB2_16:
0x455: {  	p1 =	slt.u32 s9, $0x8;
	v26 =	vld.idx.msk [tilespmem:v17+s31+$0x0], $0xffff;
	v17 =	vor.u32 $0x1, v13;
	v8 =	vadd.f32 v9, v8;
	v9 =	vadd.f32 v11, v10  }
0x456: {  	s10 =	sadd.s32 $0xFFFFFFFB, s9;
	v10 =	vor.u32 $0x2, v13;
	v11 =	vadd.f32 v14, v12;
	v12 =	vadd.f32 v22, v19;
	v27 =	vld.idx.msk [tilespmem:v20+s31+$0x0], $0xffff  }
0x457: {  	p2 =	sgt.u32 s9, $0x4;
	v14 =	vor.u32 $0x3, v13;
	s18 =	simm.s32 $0x10;
	s10 =	smin.u32 s9, s10;
	v19 =	vor.u32 v24, v25;
	v28 =	vld.idx.msk [tilespmem:v15+s31+$0x0], $0xffff;
	v15 =	vadd.f32 v23, v21  }
0x458: {  	s18 =	simm.s32 @!p2 $0x0;
	s14 =	sshll.u32 s10, $0x5;
	v20 =	vadd.f32 v9, v8;
	v11 =	vadd.f32 v12, v11;
	v23 =	vld.idx.msk [tilespmem:v16+s31+$0x0], $0xffff;
	v16 =	vor.u32 $0x4, v13  }
0x459: {  	v12 =	vmov s6;
	v21 =	vor.u32 $0x5, v13;
	s6 =	smov.u32 s10;
	s14 =	sor.u32 s18, s14;
	v8 =	vld.idx.msk [tilespmem:v13+s31+$0x0], $0xffff;
	v15 =	vadd.f32 v15, v18  }
0x45a: {  	v22 =	vor.u32 $0x6, v13;
	v18 =	vmov s14;
	v9 =	vld.idx.msk [tilespmem:v17+s31+$0x0], $0xffff;
	v17 =	vadd.f32 v11, v20  }
0x45b: {  	v12 =	vand.u32 $0x7F, v12;
	v13 =	vor.u32 $0x7, v13;
	v11 =	vshll.u32 v18, $0x7;
	v10 =	vld.idx.msk [tilespmem:v10+s31+$0x0], $0xffff;
	[tilespmem:v7+s13+$0x0] =	vst.idx.msk $0xffff, v15  }
0x45c: {  	v18 =	vor.u32 v1, v11;
	v7 =	vshll.u32 v2, $0x7;
	v15 =	vbroadcast v12, $0x0;
	v11 =	vld.idx.msk [tilespmem:v14+s31+$0x0], $0xffff;
	[tilespmem:v19+s13+$0x0] =	vst.idx.msk $0xffff, v17  }
0x45d: {  	v2 =	vmov s18;
	v24 =	vor.u32 $0x1, v18;
	v7 =	vor.u32 v1, v7;
	v12 =	vld.idx.msk [tilespmem:v16+s31+$0x0], $0xffff  }
0x45e: {  	s10 =	sadd.s32 $0x1, s9;
	s14 =	sadd.s32 $0xFFFFFFFC, s9;
	v25 =	vor.u32 $0x2, v18;
	v29 =	vor.u32 $0x3, v18;
	v7 =	vor.u32 v15, v7;
	v14 =	vld.idx.msk [tilespmem:v21+s31+$0x0], $0xffff  }
0x45f: {  	p2 =	sgt.u32 s9, $0x3;
	v4 =	vadd.f32 v4, v3;
	v5 =	vadd.f32 v6, v5;
	s10 =	smin.u32 s10, s14;
	s18 =	simm.s32 $0x10;
	v17 =	vor.u32 $0x4, v18;
	v19 =	vld.idx.msk [tilespmem:v22+s31+$0x0], $0xffff  }
.Ltmp9:
0x460: {  	s14 =	sshll.u32 s10, $0x5;
	v20 =	vor.u32 $0x5, v18;
	s18 =	simm.s32 @!p2 $0x0;
	v15 =	vor.u32 $0x6, v18;
	v21 =	vadd.f32 v27, v26;
	v22 =	vld.idx.msk [tilespmem:v13+s31+$0x0], $0xffff;
	(pc) =	sbr.rel @p1 .LBB2_16-.Ltmp9, $4  }
0x461: {  	v16 =	vor.u32 $0x7, v18;
	s14 =	sor.u32 s18, s14;
	v23 =	vadd.f32 v23, v28;
	v3 =	vld.idx.msk [tilespmem:v18+s31+$0x0], $0xffff;
	v18 =	vadd.f32 v5, v4  }
0x462: {  	v6 =	vmov s14;
	v13 =	vmov s11;
	s11 =	smov.u32 s18;
	v4 =	vld.idx.msk [tilespmem:v24+s31+$0x0], $0xffff;
	v24 =	vmov s7;
	s7 =	smov.u32 s10  }
0x463: {  	v26 =	vshll.u32 v13, $0x7;
	v5 =	vld.idx.msk [tilespmem:v25+s31+$0x0], $0xffff;
	v25 =	vshll.u32 v6, $0x7;
	v24 =	vand.u32 $0x7F, v24  }
0x464: {  	s9 =	sadd.s32 $0x2, s9;
	v6 =	vld.idx.msk [tilespmem:v29+s31+$0x0], $0xffff;
	v13 =	vor.u32 v1, v25;
	v24 =	vbroadcast v24, $0x0;
	v25 =	vor.u32 v1, v26  }
0x465: {  	s14 =	smov.u32 s6;
	s10 =	smov.u32 s11;
	s9 =	smov.u32 s7  }
.LBB2_18:
0x466: {  	_ =	sdelay $0x3  }
0x467: {  	v17 =	vld.idx.msk [tilespmem:v17+s31+$0x0], $0xffff;
	v26 =	vor.u32 $0x1, v13  }
0x468: {  	v20 =	vld.idx.msk [tilespmem:v20+s31+$0x0], $0xffff;
	v27 =	vor.u32 $0x2, v13  }
0x469: {  	v15 =	vld.idx.msk [tilespmem:v15+s31+$0x0], $0xffff;
	v28 =	vor.u32 $0x3, v13  }
0x46a: {  	v16 =	vld.idx.msk [tilespmem:v16+s31+$0x0], $0xffff;
	v29 =	vor.u32 $0x4, v13  }
0x46b: {  	v30 =	vld.idx.msk [tilespmem:v13+s31+$0x0], $0xffff;
	v31 =	vor.u32 $0x5, v13  }
0x46c: {  	v32 =	vor.u32 $0x6, v13;
	v26 =	vld.idx.msk [tilespmem:v26+s31+$0x0], $0xffff  }
0x46d: {  	v8 =	vadd.f32 @p0 v9, v8;
	v9 =	vadd.f32 @p0 v11, v10;
	v46 =	vor.u32 $0x7, v13;
	v45 =	vld.idx.msk [tilespmem:v27+s31+$0x0], $0xffff  }
0x46e: {  	v12 =	vadd.f32 @p0 v14, v12;
	v13 =	vadd.f32 @p0 v22, v19;
	v47 =	vld.idx.msk [tilespmem:v28+s31+$0x0], $0xffff  }
0x46f: {  	v19 =	vadd.f32 @p0 v23, v21;
	v48 =	vmov s14;
	v21 =	vor.u32 @p0 v24, v25;
	v49 =	vld.idx.msk [tilespmem:v29+s31+$0x0], $0xffff  }
0x470: {  	v2 =	vshll.u32 v2, $0x7;
	v56 =	vmov s10;
	v57 =	vmov s9;
	v51 =	vld.idx.msk [tilespmem:v31+s31+$0x0], $0xffff  }
0x471: {  	v50 =	vand.u32 $0x7F, v48;
	v2 =	vor.u32 v1, v2;
	v3 =	vadd.f32 v4, v3;
	v52 =	vld.idx.msk [tilespmem:v32+s31+$0x0], $0xffff  }
0x472: {  	v11 =	vand.u32 $0x7F, v57;
	v8 =	vadd.f32 @p0 v9, v8;
	v9 =	vadd.f32 @p0 v13, v12;
	v53 =	vld.idx.msk [tilespmem:v46+s31+$0x0], $0xffff  }
0x473: {  	v12 =	vbroadcast v50, $0x0;
	v18 =	vadd.f32 @p0 v19, v18;
	v11 =	vbroadcast v11, $0x0  }
0x474: {  	v54 =	vadd.f32 v6, v5;
	v6 =	vshll.u32 v56, $0x7;
	v8 =	vadd.f32 @p0 v9, v8  }
0x475: {  	v2 =	vor.u32 v12, v2;
	v55 =	vadd.f32 v20, v17;
	v58 =	vadd.f32 v16, v15  }
0x476: {  	v6 =	vor.u32 v1, v6;
	v59 =	vadd.f32 v26, v30;
	v10 =	vadd.f32 v47, v45  }
0x477: {  	[tilespmem:v7+s13+$0x0] =	vst.idx.msk @p0 $0xffff, v18;
	v13 =	vadd.f32 v51, v49;
	v9 =	vadd.f32 v53, v52  }
0x478: {  	s16 =	sadd.s32 $0x1, s16;
	v3 =	vadd.f32 v54, v3;
	v61 =	vor.u32 v11, v6;
	v60 =	vadd.f32 v58, v55  }
0x479: {  	[tilespmem:v21+s13+$0x0] =	vst.idx.msk @p0 $0xffff, v8;
	p0 =	sne.s32 s16, $0x8;
	v62 =	vadd.f32 v10, v59;
	v9 =	vadd.f32 v9, v13  }
.Ltmp10:
0x47a: {  	s6 =	sadd.s32 s8, s17;
	v3 =	vadd.f32 v60, v3;
	(pc) =	sbr.rel @p0 .LBB2_2-.Ltmp10, $4  }
.Ltmp11:
0x47b: {  	s6 =	sshll.u32 s6, $0x9;
	v63 =	vadd.f32 v9, v62;
	(pc) =	sbr.rel @!p0 .LBB2_19-.Ltmp11, $4  }
0x47c: {  	s6 =	sand.u32 $0x1FFFFE00, s6;
	[tilespmem:v2+s13+$0x0] =	vst.idx.msk $0xffff, v3  }
0x47d: {  	s6 =	sadd.s32 s5, s6;
	[tilespmem:v61+s13+$0x0] =	vst.idx.msk $0xffff, v63  }
0x47e: {  	[hbm4b:s6+s4] =	stream.linear.scatter [tilespmem:s13], [sflag:$0x3], $0x1000, $0x38;
	[tilespmem:$0x13C00] =	vst v63  }
0x47f: {  	_ = 	snop  }
.LBB2_5:
.Ltmp12:
0x480: {  	(pc) =	sbr.rel .LBB2_10-.Ltmp12, $2  }
0x481: {  	_ =	sdelay $0x2  }
0x482: {  	_ = 	snop  }
.LBB2_13:
.Ltmp13:
0x483: {  	(pc) =	sbr.rel .LBB2_18-.Ltmp13, $2  }
0x484: {  	_ =	sdelay $0x2  }
0x485: {  	_ = 	snop  }
.LBB2_7:
.Ltmp14:
0x486: {  	(pc) =	sbr.rel .LBB2_10-.Ltmp14, $2  }
0x487: {  	_ =	sdelay $0x2  }
0x488: {  	s14 =	smov.u32 s6;
	s10 =	smov.u32 s11;
	s9 =	smov.u32 s7  }
.LBB2_15:
.Ltmp15:
0x489: {  	(pc) =	sbr.rel .LBB2_18-.Ltmp15, $2  }
0x48a: {  	_ =	sdelay $0x2  }
0x48b: {  	s14 =	smov.u32 s6;
	s10 =	smov.u32 s11;
	s9 =	smov.u32 s7  }
.LBB2_20:
0x48c: {  	_ =	sfence.sel $0x180000  }
0x48d: {  	[bflag:$0x0] =	sbarrier.arrive $0xFFFF  }
0x48e: {  	_ =	strace $0x90000047  }
0x48f: {  	s0 =	stileid.u32;
	[bflag:$0x2] =	sbarrier.arrive $0xFFFF  }
0x490: {  	p0 =	sne.s32 s0, $0x0;
	s0 =	rddreg [dreg:$0x5]  }
0x491: {  	s0 =	sadd.s32 @!p0 $0x100000, s0  }
0x492: {  	[sflag:s0] =	ssyncadd.tile.s32 @!p0 $0x1;
	_ =	shalt  }
.Lfunc_end2:
_tile_overlayer_lowered:
.L_overlay_start_2:
0x493: {  	(tag) =	ssettag $0x2  }
0x494: {  	s0 =	rddreg [dreg:$0x0];
	s2 =	stileid.u32  }
0x495: {  	s1 =	rddreg [dreg:$0x1];
	p0 =	sne.s32 s2, $0x0  }
0x496: {  	s3 =	rddreg [dreg:$0x2];
	[bflag:$0x3] =	sbarrier.arrive $0xFFFF;
	s2 =	simm.s32 @!p0 $0x1C04  }
0x497: {  	[timem:s3], [sflag:s2] =	dma.local @!p0 [hbm:s0], s1  }
0x498: {  	s0 =	simm.s32 @!p0 $0x4  }
0x499: {  	_ =	swait.ge @!p0 [sflag:s0], s1  }
0x49a: {  	s1 =	ssub.s32 @!p0 $0x0, s1;
	[sflag:s0] =	ssyncset.done @!p0 $0x0  }
0x49b: {  	[sflag:s0] =	ssyncadd.s32 @!p0 s1  }
0x49c: {  	[bflag:$0x3] =	sbarrier.arrive $0xFFFF  }
0x49d: {  	_ =	shalt  }

</sc_bundles>
